<compile_context>
chip_gen: v7x
topology: tpu7x:2x2x1
jax: 0.10.2.dev20260603
libtpu: 0.0.44.dev20260713+nightly
codegen_flags: <defaults>
</compile_context>

<pallas_src>
import jax
import jax.numpy as jnp
from jax import lax
from jax.experimental import pallas as pl
from jax.experimental.pallas import tpu as pltpu
from jax.experimental.pallas import tpu_sc as plsc

V = 10000
K = 32
F = 128
C = 3
H = 64
HE = 72
NW = 32
VPW = 320
VPAD = NW * VPW
CHUNK = 4
ROWS = CHUNK * K
NCH = VPW // CHUNK
NBUF = 2
FAST_CH = 160
SLOW_CH = 0
FAST_CORE = 0
VB = 80


def _sc_gather_body(nidx_hbm, dsq_hbm, feat_hbm, coordt_hbm, outf_hbm,
                    outq_hbm, idx_all, dsq_all, coordt_v, *bufs_and_sems):
    fbufs = bufs_and_sems[0:NBUF]
    qbufs = bufs_and_sems[NBUF:2 * NBUF]
    sems_g = bufs_and_sems[2 * NBUF:3 * NBUF]
    sems_w = bufs_and_sems[3 * NBUF:4 * NBUF]
    sems_q = bufs_and_sems[4 * NBUF:5 * NBUF]
    sid = lax.axis_index("s")
    cid = lax.axis_index("c")
    pltpu.sync_copy(coordt_hbm, coordt_v)

    zero16 = jnp.zeros((16,), jnp.float32)
    for qb in qbufs:
        for vi in range(CHUNK):
            for r in (13, 14, 15):
                for h in range(K // 16):
                    qb[vi, r, pl.ds(h * 16, 16)] = zero16

    def _run(base, nch):
        base = pl.multiple_of(base, 8)
        pltpu.sync_copy(nidx_hbm.at[pl.ds(base, nch)],
                        idx_all.at[pl.ds(0, nch)])
        pltpu.sync_copy(dsq_hbm.at[pl.ds(base, nch)],
                        dsq_all.at[pl.ds(0, nch)])

        def _qrows(j, qbuf):
            for vi in range(CHUNK):
                for h in range(K // 16):
                    sl = pl.ds(vi * K + h * 16, 16)
                    lsl = pl.ds(h * 16, 16)
                    idx16 = idx_all[j, sl]
                    e16 = jnp.exp(dsq_all[j, sl] * -10.0)
                    cc = [plsc.load_gather(coordt_v, [idx16 + c * V])
                          for c in range(C)]
                    for c in range(C):
                        for d in range(c, C):
                            p = cc[c] * cc[d] * e16
                            qbuf[vi, 3 * c + d, lsl] = p
                            if d != c:
                                qbuf[vi, 3 * d + c, lsl] = p
                        qbuf[vi, 9 + c, lsl] = cc[c] * e16
                    qbuf[vi, 12, lsl] = e16

        def _wbf_desc(j, b):
            row0 = pl.multiple_of((base + j) * CHUNK * K, 128)
            return pltpu.make_async_copy(fbufs[b],
                                         outf_hbm.at[pl.ds(row0, ROWS)],
                                         sems_w[b])

        def _wbq_desc(j, qb):
            vb = (base + j) * CHUNK
            return pltpu.make_async_copy(qbufs[qb],
                                         outq_hbm.at[pl.ds(vb, CHUNK)],
                                         sems_q[qb])

        def _gather_desc(j, b):
            return pltpu.make_async_copy(feat_hbm.at[idx_all.at[j]],
                                         fbufs[b], sems_g[b])

        def body(p, carry):
            for b in range(NBUF):
                j = NBUF * p + b

                @pl.when(p > 0)
                def _():
                    _wbf_desc(j, b).wait()
                    _wbq_desc(j, b).wait()

                _gather_desc(j, b).start()
            for b in range(NBUF):
                j = NBUF * p + b
                _qrows(j, qbufs[b])
                _gather_desc(j, b).wait()
                _wbf_desc(j, b).start()
                _wbq_desc(j, b).start()
            return carry

        nfull = nch // NBUF
        lax.fori_loop(0, nfull, body, 0)
        for jj in range(nfull * NBUF, nch):
            b = jj % NBUF
            _wbf_desc(jj, b).wait()
            _wbq_desc(jj, b).wait()
            _gather_desc(jj, b).start()
            _qrows(jj, qbufs[b])
            _gather_desc(jj, b).wait()
            _wbf_desc(jj, b).start()
            _wbq_desc(jj, b).start()
        for jj in range(nch - NBUF, nch):
            b = jj % NBUF
            _wbf_desc(jj, b).wait()
            _wbq_desc(jj, b).wait()

    @pl.when(cid == FAST_CORE)
    def _():
        _run(sid * FAST_CH, FAST_CH)

    if SLOW_CH > 0:
        @pl.when(cid != FAST_CORE)
        def _():
            _run(16 * FAST_CH + sid * SLOW_CH, SLOW_CH)


def _make_sc_gather():
    mesh = plsc.VectorSubcoreMesh(core_axis_name="c", subcore_axis_name="s",
                                  num_cores=2, num_subcores=16)
    return pl.kernel(
        _sc_gather_body,
        mesh=mesh,
        out_type=[
            jax.ShapeDtypeStruct((VPAD * K, F), jnp.float32),
            jax.ShapeDtypeStruct((VPAD, 16, K), jnp.float32),
        ],
        scratch_types=(
            [
                pltpu.VMEM((FAST_CH, ROWS), jnp.int32),
                pltpu.VMEM((FAST_CH, ROWS), jnp.float32),
                pltpu.VMEM((C * V,), jnp.float32),
            ]
            + [pltpu.VMEM((ROWS, F), jnp.float32) for _ in range(NBUF)]
            + [pltpu.VMEM((CHUNK, 16, K), jnp.float32) for _ in range(NBUF)]
            + [pltpu.SemaphoreType.DMA for _ in range(3 * NBUF)]
        ),
        compiler_params=pltpu.CompilerParams(needs_layout_passes=False),
    )


def _prep_weights(W0, b0, W1, b1, W2, b2):
    w0e = jnp.zeros((HE, 16), jnp.float32)
    w0e = w0e.at[:H, :C * C].set(W0.T).at[:H, 9].set(b0).at[H, 9].set(1.0)
    w1e = jnp.zeros((HE, HE), jnp.float32)
    w1e = w1e.at[:H, :H].set(W1.T).at[:H, H].set(b1).at[H, H].set(1.0)
    w2e = jnp.zeros((C * C, HE), jnp.float32)
    w2e = w2e.at[:, :H].set(W2.T).at[:, H].set(b2)
    return w0e, w1e, w2e


def _tc_body(qt_ref, nf_ref, w0_ref, w1_ref, w2_ref, out_ref):
    qt = qt_ref[...]
    nf = nf_ref[...].reshape(VB, K, F)
    m = lax.dot_general(qt, nf, (((2,), (1,)), ((0,), (0,))),
                        preferred_element_type=jnp.float32)
    m2 = jnp.concatenate([m[v] for v in range(VB)], axis=1)
    recip = 1.0 / (m2[12:13, :] + 1e-4)
    mean = m2[9:12, :] * recip
    exx = m2[0:9, :] * recip
    crows = [exx[3 * c + d:3 * c + d + 1] - mean[c:c + 1] * mean[d:d + 1]
             for c in range(C) for d in range(C)]
    crows.append(jnp.ones((1, VB * F), jnp.float32))
    crows.append(jnp.zeros((6, VB * F), jnp.float32))
    cov2 = jnp.concatenate(crows, axis=0)
    x = lax.dot_general(w0_ref[...], cov2, (((1,), (0,)), ((), ())),
                        preferred_element_type=jnp.float32)
    x = jnp.where(x > 0, x, jnp.exp(x) - 1.0)
    x = lax.dot_general(w1_ref[...], x, (((1,), (0,)), ((), ())),
                        preferred_element_type=jnp.float32)
    x = jnp.where(x > 0, x, jnp.exp(x) - 1.0)
    x3 = lax.dot_general(w2_ref[...], x, (((1,), (0,)), ((), ())),
                         preferred_element_type=jnp.float32)
    r3 = x3.reshape(C * C, VB, F)
    out_ref[...] = jnp.transpose(r3, (1, 2, 0)).reshape(VB, F * C * C)


def _make_tc_call():
    return pl.pallas_call(
        _tc_body,
        grid=(V // VB,),
        in_specs=[
            pl.BlockSpec((VB, 16, K), lambda i: (i, 0, 0)),
            pl.BlockSpec((VB * K, F), lambda i: (i, 0)),
            pl.BlockSpec((HE, 16), lambda i: (0, 0)),
            pl.BlockSpec((HE, HE), lambda i: (0, 0)),
            pl.BlockSpec((C * C, HE), lambda i: (0, 0)),
        ],
        out_specs=pl.BlockSpec((VB, F * C * C), lambda i: (i, 0)),
        out_shape=jax.ShapeDtypeStruct((V, F * C * C), jnp.float32),
    )


_tc_call = _make_tc_call()


def kernel(coordinates, distsq, features, n_idxs, W0, b0, W1, b1, W2, b2):
    nidx = n_idxs.astype(jnp.int32)
    nidx_pad = jnp.zeros((VPAD, K), jnp.int32).at[:V].set(nidx)
    nidx_pad = nidx_pad.reshape(VPAD * K // ROWS, ROWS)
    dsq_pad = jnp.zeros((VPAD, K), jnp.float32).at[:V].set(distsq)
    dsq_pad = dsq_pad.reshape(VPAD * K // ROWS, ROWS)
    coordt = coordinates.T.reshape(C * V)
    nf_g, qt_g = _make_sc_gather()(nidx_pad, dsq_pad, features, coordt)
    w0e, w1e, w2e = _prep_weights(W0, b0, W1, b1, W2, b2)
    return _tc_call(qt_g, nf_g, w0e, w1e, w2e)

# --- scband reference (transcript-rebuilt; emitter-appended) ---
"""Pipeline reference for scband-approx-pca-36094905155929 (READ-ONLY COPY).

The authoritative reference and input builder live on the scoring server;
editing this copy changes nothing except your own understanding.
"""

import jax, jax.numpy as jnp
import numpy as np

V = 10000
K = 32
F = 128
C = 3
NODES = [64, 64]  # pretrained 'small' PCA-approximation MLP hidden layout (assumed)


def setup_inputs(seed: int = 0) -> dict:
    key = jax.random.key(seed)
    ks = jax.random.split(key, 12)
    coordinates = jax.random.normal(ks[0], (V, C), dtype=jnp.float32)
    distsq = jax.random.uniform(ks[1], (V, K), dtype=jnp.float32)
    features = jax.random.uniform(ks[2], (V, F), dtype=jnp.float32)
    n_idxs = jax.random.randint(ks[3], (V, K), 0, V, dtype=jnp.int64)
    # frozen pretrained MLP weights: C^2 -> 64 -> 64 -> C^2
    d_in = C * C
    W0 = jax.random.normal(ks[4], (d_in, NODES[0]), dtype=jnp.float32) / np.sqrt(d_in)
    b0 = jnp.zeros((NODES[0],), dtype=jnp.float32)
    W1 = jax.random.normal(ks[5], (NODES[0], NODES[1]), dtype=jnp.float32) / np.sqrt(NODES[0])
    b1 = jnp.zeros((NODES[1],), dtype=jnp.float32)
    W2 = jax.random.normal(ks[6], (NODES[1], d_in), dtype=jnp.float32) / np.sqrt(NODES[1])
    b2 = jnp.zeros((d_in,), dtype=jnp.float32)
    return {"coordinates": coordinates, "distsq": distsq, "features": features,
            "n_idxs": n_idxs, "W0": W0, "b0": b0, "W1": W1, "b1": b1, "W2": W2, "b2": b2}


def _neighbour_covariance(coordinates, distsq, features, n_idxs):
    # gather neighbour coordinates and features (SparseCore-style gathers)
    nc = jnp.take(coordinates, n_idxs, axis=0)          # (V, K, C)
    nf = jnp.take(features, n_idxs, axis=0)             # (V, K, F)
    # per-feature weights, distance-damped
    w = nf * jnp.exp(-distsq)[:, :, None]               # (V, K, F)
    wsum = jnp.sum(w, axis=1) + 1e-4                    # (V, F)
    mean = jnp.einsum('vkf,vkc->vfc', w, nc) / wsum[:, :, None]            # (V, F, C)
    Exx = jnp.einsum('vkf,vkc,vkd->vfcd', w, nc, nc) / wsum[:, :, None, None]  # (V, F, C, C)
    cov = Exx - mean[:, :, :, None] * mean[:, :, None, :]                  # (V, F, C, C)
    return cov, mean


def reference(coordinates, distsq, features, n_idxs, W0, b0, W1, b1, W2, b2):
    cov, means = _neighbour_covariance(coordinates, 10.0 * distsq, features, n_idxs)
    means = jnp.reshape(means, (-1, F * C))
    cov = jnp.reshape(cov, (-1, C * C))                 # (V*F, C^2)
    x = jax.nn.elu(cov @ W0 + b0)
    x = jax.nn.elu(x @ W1 + b1)
    x = x @ W2 + b2
    approxPCA = jnp.reshape(x, (-1, F * C * C))         # (V, F*C^2)
    return approxPCA

if __name__ == "__main__":
    import jax
    _d = setup_inputs()
    print(jax.jit(kernel)(*tuple(_d.values())))

</pallas_src>

<mosaic_0001>
#map = affine_map<(d0, d1) -> (0, 0)>
#map1 = affine_map<(d0, d1) -> (0)>
#map2 = affine_map<(d0, d1) -> (0, 0, 0)>
module attributes {stable_mosaic.version = 14 : i64} {
  func.func @_sc_gather_body(%arg0: i32, %arg1: i32, %arg2: memref<2560x128xi32, #tpu.memory_space<hbm>>, %arg3: memref<2560x128xf32, #tpu.memory_space<hbm>>, %arg4: memref<10000x128xf32, #tpu.memory_space<hbm>>, %arg5: memref<30000xf32, #tpu.memory_space<hbm>>, %arg6: memref<327680x128xf32, #tpu.memory_space<hbm>>, %arg7: memref<10240x16x32xf32, #tpu.memory_space<hbm>>, %arg8: memref<160x128xi32, #tpu.memory_space<vmem>>, %arg9: memref<160x128xf32, #tpu.memory_space<vmem>>, %arg10: memref<30000xf32, #tpu.memory_space<vmem>>, %arg11: memref<128x128xf32, #tpu.memory_space<vmem>>, %arg12: memref<128x128xf32, #tpu.memory_space<vmem>>, %arg13: memref<4x16x32xf32, #tpu.memory_space<vmem>>, %arg14: memref<4x16x32xf32, #tpu.memory_space<vmem>>, %arg15: memref<!tpu.dma_semaphore, #tpu.memory_space<semaphore_mem>>, %arg16: memref<!tpu.dma_semaphore, #tpu.memory_space<semaphore_mem>>, %arg17: memref<!tpu.dma_semaphore, #tpu.memory_space<semaphore_mem>>, %arg18: memref<!tpu.dma_semaphore, #tpu.memory_space<semaphore_mem>>, %arg19: memref<!tpu.dma_semaphore, #tpu.memory_space<semaphore_mem>>, %arg20: memref<!tpu.dma_semaphore, #tpu.memory_space<semaphore_mem>>) attributes {dimension_semantics = [#tpu.dimension_semantics<core_parallel>, #tpu.dimension_semantics<subcore_parallel>], iteration_bounds = array<i64: 2, 16>, scalar_prefetch = 0 : i64, scratch_operands = 13 : i64, tpu.core_type = #tpu.core_type<sc_vector_subcore>, window_params = [{transform_indices = #map}, {transform_indices = #map}, {transform_indices = #map}, {transform_indices = #map1}, {transform_indices = #map}, {transform_indices = #map2}]} {
    "tpu.region"() ({
      %run_scoped3A = tpu.sem_alloc : memref<!tpu.dma_semaphore, #tpu.memory_space<semaphore_mem>>
      tpu.enqueue_dma source(%arg5 : memref<30000xf32, #tpu.memory_space<hbm>>) target(%arg10 : memref<30000xf32, #tpu.memory_space<vmem>>) target_semaphore(%run_scoped3A : memref<!tpu.dma_semaphore, #tpu.memory_space<semaphore_mem>>)
      tpu.wait_dma2 semaphore(%run_scoped3A : memref<!tpu.dma_semaphore, #tpu.memory_space<semaphore_mem>>) src(%arg5 : memref<30000xf32, #tpu.memory_space<hbm>>) dst(%arg10 : memref<30000xf32, #tpu.memory_space<vmem>>)
      tpu.yield
    }) : () -> ()
    %broadcast_in_dim3A = arith.constant 0.000000e+00 : f32
    %broadcast_in_dim3A_0 = vector.broadcast %broadcast_in_dim3A : f32 to vector<16xf32>
    %swap3A = arith.constant 0 : i32
    %swap3A_1 = arith.constant 13 : i32
    %swap3A_2 = arith.index_cast %swap3A : i32 to index
    %swap3A_3 = arith.index_cast %swap3A_1 : i32 to index
    %swap3A_4 = arith.constant 0 : index
    %swap3A_5 = tpu.vector_load %arg13[%swap3A_2, %swap3A_3, %swap3A_4] {strides = array<i32>} : memref<4x16x32xf32, #tpu.memory_space<vmem>>, vector<16xf32>,
    tpu.vector_store %arg13[%swap3A_2, %swap3A_3, %swap3A_4], %broadcast_in_dim3A_0 {strides = array<i32>} : memref<4x16x32xf32, #tpu.memory_space<vmem>>, vector<16xf32>,
    %swap3A_6 = arith.constant 0 : i32
    %swap3A_7 = arith.constant 13 : i32
    %swap3A_8 = arith.index_cast %swap3A_6 : i32 to index
    %swap3A_9 = arith.index_cast %swap3A_7 : i32 to index
    %swap3A_10 = arith.constant 16 : index
    %swap3A_11 = tpu.vector_load %arg13[%swap3A_8, %swap3A_9, %swap3A_10] {strides = array<i32>} : memref<4x16x32xf32, #tpu.memory_space<vmem>>, vector<16xf32>,
    tpu.vector_store %arg13[%swap3A_8, %swap3A_9, %swap3A_10], %broadcast_in_dim3A_0 {strides = array<i32>} : memref<4x16x32xf32, #tpu.memory_space<vmem>>, vector<16xf32>,
    %swap3A_12 = arith.constant 0 : i32
    %swap3A_13 = arith.constant 14 : i32
    %swap3A_14 = arith.index_cast %swap3A_12 : i32 to index
    %swap3A_15 = arith.index_cast %swap3A_13 : i32 to index
    %swap3A_16 = arith.constant 0 : index
    %swap3A_17 = tpu.vector_load %arg13[%swap3A_14, %swap3A_15, %swap3A_16] {strides = array<i32>} : memref<4x16x32xf32, #tpu.memory_space<vmem>>, vector<16xf32>,
    tpu.vector_store %arg13[%swap3A_14, %swap3A_15, %swap3A_16], %broadcast_in_dim3A_0 {strides = array<i32>} : memref<4x16x32xf32, #tpu.memory_space<vmem>>, vector<16xf32>,
    %swap3A_18 = arith.constant 0 : i32
    %swap3A_19 = arith.constant 14 : i32
    %swap3A_20 = arith.index_cast %swap3A_18 : i32 to index
    %swap3A_21 = arith.index_cast %swap3A_19 : i32 to index
    %swap3A_22 = arith.constant 16 : index
    %swap3A_23 = tpu.vector_load %arg13[%swap3A_20, %swap3A_21, %swap3A_22] {strides = array<i32>} : memref<4x16x32xf32, #tpu.memory_space<vmem>>, vector<16xf32>,
    tpu.vector_store %arg13[%swap3A_20, %swap3A_21, %swap3A_22], %broadcast_in_dim3A_0 {strides = array<i32>} : memref<4x16x32xf32, #tpu.memory_space<vmem>>, vector<16xf32>,
    %swap3A_24 = arith.constant 0 : i32
    %swap3A_25 = arith.constant 15 : i32
    %swap3A_26 = arith.index_cast %swap3A_24 : i32 to index
    %swap3A_27 = arith.index_cast %swap3A_25 : i32 to index
    %swap3A_28 = arith.constant 0 : index
    %swap3A_29 = tpu.vector_load %arg13[%swap3A_26, %swap3A_27, %swap3A_28] {strides = array<i32>} : memref<4x16x32xf32, #tpu.memory_space<vmem>>, vector<16xf32>,
    tpu.vector_store %arg13[%swap3A_26, %swap3A_27, %swap3A_28], %broadcast_in_dim3A_0 {strides = array<i32>} : memref<4x16x32xf32, #tpu.memory_space<vmem>>, vector<16xf32>,
    %swap3A_30 = arith.constant 0 : i32
    %swap3A_31 = arith.constant 15 : i32
    %swap3A_32 = arith.index_cast %swap3A_30 : i32 to index
    %swap3A_33 = arith.index_cast %swap3A_31 : i32 to index
    %swap3A_34 = arith.constant 16 : index
    %swap3A_35 = tpu.vector_load %arg13[%swap3A_32, %swap3A_33, %swap3A_34] {strides = array<i32>} : memref<4x16x32xf32, #tpu.memory_space<vmem>>, vector<16xf32>,
    tpu.vector_store %arg13[%swap3A_32, %swap3A_33, %swap3A_34], %broadcast_in_dim3A_0 {strides = array<i32>} : memref<4x16x32xf32, #tpu.memory_space<vmem>>, vector<16xf32>,
    %swap3A_36 = arith.constant 1 : i32
    %swap3A_37 = arith.constant 13 : i32
    %swap3A_38 = arith.index_cast %swap3A_36 : i32 to index
    %swap3A_39 = arith.index_cast %swap3A_37 : i32 to index
    %swap3A_40 = arith.constant 0 : index
    %swap3A_41 = tpu.vector_load %arg13[%swap3A_38, %swap3A_39, %swap3A_40] {strides = array<i32>} : memref<4x16x32xf32, #tpu.memory_space<vmem>>, vector<16xf32>,
    tpu.vector_store %arg13[%swap3A_38, %swap3A_39, %swap3A_40], %broadcast_in_dim3A_0 {strides = array<i32>} : memref<4x16x32xf32, #tpu.memory_space<vmem>>, vector<16xf32>,
    %swap3A_42 = arith.constant 1 : i32
    %swap3A_43 = arith.constant 13 : i32
    %swap3A_44 = arith.index_cast %swap3A_42 : i32 to index
    %swap3A_45 = arith.index_cast %swap3A_43 : i32 to index
    %swap3A_46 = arith.constant 16 : index
    %swap3A_47 = tpu.vector_load %arg13[%swap3A_44, %swap3A_45, %swap3A_46] {strides = array<i32>} : memref<4x16x32xf32, #tpu.memory_space<vmem>>, vector<16xf32>,
    tpu.vector_store %arg13[%swap3A_44, %swap3A_45, %swap3A_46], %broadcast_in_dim3A_0 {strides = array<i32>} : memref<4x16x32xf32, #tpu.memory_space<vmem>>, vector<16xf32>,
    %swap3A_48 = arith.constant 1 : i32
    %swap3A_49 = arith.constant 14 : i32
    %swap3A_50 = arith.index_cast %swap3A_48 : i32 to index
    %swap3A_51 = arith.index_cast %swap3A_49 : i32 to index
    %swap3A_52 = arith.constant 0 : index
    %swap3A_53 = tpu.vector_load %arg13[%swap3A_50, %swap3A_51, %swap3A_52] {strides = array<i32>} : memref<4x16x32xf32, #tpu.memory_space<vmem>>, vector<16xf32>,
    tpu.vector_store %arg13[%swap3A_50, %swap3A_51, %swap3A_52], %broadcast_in_dim3A_0 {strides = array<i32>} : memref<4x16x32xf32, #tpu.memory_space<vmem>>, vector<16xf32>,
    %swap3A_54 = arith.constant 1 : i32
    %swap3A_55 = arith.constant 14 : i32
    %swap3A_56 = arith.index_cast %swap3A_54 : i32 to index
    %swap3A_57 = arith.index_cast %swap3A_55 : i32 to index
    %swap3A_58 = arith.constant 16 : index
    %swap3A_59 = tpu.vector_load %arg13[%swap3A_56, %swap3A_57, %swap3A_58] {strides = array<i32>} : memref<4x16x32xf32, #tpu.memory_space<vmem>>, vector<16xf32>,
    tpu.vector_store %arg13[%swap3A_56, %swap3A_57, %swap3A_58], %broadcast_in_dim3A_0 {strides = array<i32>} : memref<4x16x32xf32, #tpu.memory_space<vmem>>, vector<16xf32>,
    %swap3A_60 = arith.constant 1 : i32
    %swap3A_61 = arith.constant 15 : i32
    %swap3A_62 = arith.index_cast %swap3A_60 : i32 to index
    %swap3A_63 = arith.index_cast %swap3A_61 : i32 to index
    %swap3A_64 = arith.constant 0 : index
    %swap3A_65 = tpu.vector_load %arg13[%swap3A_62, %swap3A_63, %swap3A_64] {strides = array<i32>} : memref<4x16x32xf32, #tpu.memory_space<vmem>>, vector<16xf32>,
    tpu.vector_store %arg13[%swap3A_62, %swap3A_63, %swap3A_64], %broadcast_in_dim3A_0 {strides = array<i32>} : memref<4x16x32xf32, #tpu.memory_space<vmem>>, vector<16xf32>,
    %swap3A_66 = arith.constant 1 : i32
    %swap3A_67 = arith.constant 15 : i32
    %swap3A_68 = arith.index_cast %swap3A_66 : i32 to index
    %swap3A_69 = arith.index_cast %swap3A_67 : i32 to index
    %swap3A_70 = arith.constant 16 : index
    %swap3A_71 = tpu.vector_load %arg13[%swap3A_68, %swap3A_69, %swap3A_70] {strides = array<i32>} : memref<4x16x32xf32, #tpu.memory_space<vmem>>, vector<16xf32>,
    tpu.vector_store %arg13[%swap3A_68, %swap3A_69, %swap3A_70], %broadcast_in_dim3A_0 {strides = array<i32>} : memref<4x16x32xf32, #tpu.memory_space<vmem>>, vector<16xf32>,
    %swap3A_72 = arith.constant 2 : i32
    %swap3A_73 = arith.constant 13 : i32
    %swap3A_74 = arith.index_cast %swap3A_72 : i32 to index
    %swap3A_75 = arith.index_cast %swap3A_73 : i32 to index
    %swap3A_76 = arith.constant 0 : index
    %swap3A_77 = tpu.vector_load %arg13[%swap3A_74, %swap3A_75, %swap3A_76] {strides = array<i32>} : memref<4x16x32xf32, #tpu.memory_space<vmem>>, vector<16xf32>,
    tpu.vector_store %arg13[%swap3A_74, %swap3A_75, %swap3A_76], %broadcast_in_dim3A_0 {strides = array<i32>} : memref<4x16x32xf32, #tpu.memory_space<vmem>>, vector<16xf32>,
    %swap3A_78 = arith.constant 2 : i32
    %swap3A_79 = arith.constant 13 : i32
    %swap3A_80 = arith.index_cast %swap3A_78 : i32 to index
    %swap3A_81 = arith.index_cast %swap3A_79 : i32 to index
    %swap3A_82 = arith.constant 16 : index
    %swap3A_83 = tpu.vector_load %arg13[%swap3A_80, %swap3A_81, %swap3A_82] {strides = array<i32>} : memref<4x16x32xf32, #tpu.memory_space<vmem>>, vector<16xf32>,
    tpu.vector_store %arg13[%swap3A_80, %swap3A_81, %swap3A_82], %broadcast_in_dim3A_0 {strides = array<i32>} : memref<4x16x32xf32, #tpu.memory_space<vmem>>, vector<16xf32>,
    %swap3A_84 = arith.constant 2 : i32
    %swap3A_85 = arith.constant 14 : i32
    %swap3A_86 = arith.index_cast %swap3A_84 : i32 to index
    %swap3A_87 = arith.index_cast %swap3A_85 : i32 to index
    %swap3A_88 = arith.constant 0 : index
    %swap3A_89 = tpu.vector_load %arg13[%swap3A_86, %swap3A_87, %swap3A_88] {strides = array<i32>} : memref<4x16x32xf32, #tpu.memory_space<vmem>>, vector<16xf32>,
    tpu.vector_store %arg13[%swap3A_86, %swap3A_87, %swap3A_88], %broadcast_in_dim3A_0 {strides = array<i32>} : memref<4x16x32xf32, #tpu.memory_space<vmem>>, vector<16xf32>,
    %swap3A_90 = arith.constant 2 : i32
    %swap3A_91 = arith.constant 14 : i32
    %swap3A_92 = arith.index_cast %swap3A_90 : i32 to index
    %swap3A_93 = arith.index_cast %swap3A_91 : i32 to index
    %swap3A_94 = arith.constant 16 : index
    %swap3A_95 = tpu.vector_load %arg13[%swap3A_92, %swap3A_93, %swap3A_94] {strides = array<i32>} : memref<4x16x32xf32, #tpu.memory_space<vmem>>, vector<16xf32>,
    tpu.vector_store %arg13[%swap3A_92, %swap3A_93, %swap3A_94], %broadcast_in_dim3A_0 {strides = array<i32>} : memref<4x16x32xf32, #tpu.memory_space<vmem>>, vector<16xf32>,
    %swap3A_96 = arith.constant 2 : i32
    %swap3A_97 = arith.constant 15 : i32
    %swap3A_98 = arith.index_cast %swap3A_96 : i32 to index
    %swap3A_99 = arith.index_cast %swap3A_97 : i32 to index
    %swap3A_100 = arith.constant 0 : index
    %swap3A_101 = tpu.vector_load %arg13[%swap3A_98, %swap3A_99, %swap3A_100] {strides = array<i32>} : memref<4x16x32xf32, #tpu.memory_space<vmem>>, vector<16xf32>,
    tpu.vector_store %arg13[%swap3A_98, %swap3A_99, %swap3A_100], %broadcast_in_dim3A_0 {strides = array<i32>} : memref<4x16x32xf32, #tpu.memory_space<vmem>>, vector<16xf32>,
    %swap3A_102 = arith.constant 2 : i32
    %swap3A_103 = arith.constant 15 : i32
    %swap3A_104 = arith.index_cast %swap3A_102 : i32 to index
    %swap3A_105 = arith.index_cast %swap3A_103 : i32 to index
    %swap3A_106 = arith.constant 16 : index
    %swap3A_107 = tpu.vector_load %arg13[%swap3A_104, %swap3A_105, %swap3A_106] {strides = array<i32>} : memref<4x16x32xf32, #tpu.memory_space<vmem>>, vector<16xf32>,
    tpu.vector_store %arg13[%swap3A_104, %swap3A_105, %swap3A_106], %broadcast_in_dim3A_0 {strides = array<i32>} : memref<4x16x32xf32, #tpu.memory_space<vmem>>, vector<16xf32>,
    %swap3A_108 = arith.constant 3 : i32
    %swap3A_109 = arith.constant 13 : i32
    %swap3A_110 = arith.index_cast %swap3A_108 : i32 to index
    %swap3A_111 = arith.index_cast %swap3A_109 : i32 to index
    %swap3A_112 = arith.constant 0 : index
    %swap3A_113 = tpu.vector_load %arg13[%swap3A_110, %swap3A_111, %swap3A_112] {strides = array<i32>} : memref<4x16x32xf32, #tpu.memory_space<vmem>>, vector<16xf32>,
    tpu.vector_store %arg13[%swap3A_110, %swap3A_111, %swap3A_112], %broadcast_in_dim3A_0 {strides = array<i32>} : memref<4x16x32xf32, #tpu.memory_space<vmem>>, vector<16xf32>,
    %swap3A_114 = arith.constant 3 : i32
    %swap3A_115 = arith.constant 13 : i32
    %swap3A_116 = arith.index_cast %swap3A_114 : i32 to index
    %swap3A_117 = arith.index_cast %swap3A_115 : i32 to index
    %swap3A_118 = arith.constant 16 : index
    %swap3A_119 = tpu.vector_load %arg13[%swap3A_116, %swap3A_117, %swap3A_118] {strides = array<i32>} : memref<4x16x32xf32, #tpu.memory_space<vmem>>, vector<16xf32>,
    tpu.vector_store %arg13[%swap3A_116, %swap3A_117, %swap3A_118], %broadcast_in_dim3A_0 {strides = array<i32>} : memref<4x16x32xf32, #tpu.memory_space<vmem>>, vector<16xf32>,
    %swap3A_120 = arith.constant 3 : i32
    %swap3A_121 = arith.constant 14 : i32
    %swap3A_122 = arith.index_cast %swap3A_120 : i32 to index
    %swap3A_123 = arith.index_cast %swap3A_121 : i32 to index
    %swap3A_124 = arith.constant 0 : index
    %swap3A_125 = tpu.vector_load %arg13[%swap3A_122, %swap3A_123, %swap3A_124] {strides = array<i32>} : memref<4x16x32xf32, #tpu.memory_space<vmem>>, vector<16xf32>,
    tpu.vector_store %arg13[%swap3A_122, %swap3A_123, %swap3A_124], %broadcast_in_dim3A_0 {strides = array<i32>} : memref<4x16x32xf32, #tpu.memory_space<vmem>>, vector<16xf32>,
    %swap3A_126 = arith.constant 3 : i32
    %swap3A_127 = arith.constant 14 : i32
    %swap3A_128 = arith.index_cast %swap3A_126 : i32 to index
    %swap3A_129 = arith.index_cast %swap3A_127 : i32 to index
    %swap3A_130 = arith.constant 16 : index
    %swap3A_131 = tpu.vector_load %arg13[%swap3A_128, %swap3A_129, %swap3A_130] {strides = array<i32>} : memref<4x16x32xf32, #tpu.memory_space<vmem>>, vector<16xf32>,
    tpu.vector_store %arg13[%swap3A_128, %swap3A_129, %swap3A_130], %broadcast_in_dim3A_0 {strides = array<i32>} : memref<4x16x32xf32, #tpu.memory_space<vmem>>, vector<16xf32>,
    %swap3A_132 = arith.constant 3 : i32
    %swap3A_133 = arith.constant 15 : i32
    %swap3A_134 = arith.index_cast %swap3A_132 : i32 to index
    %swap3A_135 = arith.index_cast %swap3A_133 : i32 to index
    %swap3A_136 = arith.constant 0 : index
    %swap3A_137 = tpu.vector_load %arg13[%swap3A_134, %swap3A_135, %swap3A_136] {strides = array<i32>} : memref<4x16x32xf32, #tpu.memory_space<vmem>>, vector<16xf32>,
    tpu.vector_store %arg13[%swap3A_134, %swap3A_135, %swap3A_136], %broadcast_in_dim3A_0 {strides = array<i32>} : memref<4x16x32xf32, #tpu.memory_space<vmem>>, vector<16xf32>,
    %swap3A_138 = arith.constant 3 : i32
    %swap3A_139 = arith.constant 15 : i32
    %swap3A_140 = arith.index_cast %swap3A_138 : i32 to index
    %swap3A_141 = arith.index_cast %swap3A_139 : i32 to index
    %swap3A_142 = arith.constant 16 : index
    %swap3A_143 = tpu.vector_load %arg13[%swap3A_140, %swap3A_141, %swap3A_142] {strides = array<i32>} : memref<4x16x32xf32, #tpu.memory_space<vmem>>, vector<16xf32>,
    tpu.vector_store %arg13[%swap3A_140, %swap3A_141, %swap3A_142], %broadcast_in_dim3A_0 {strides = array<i32>} : memref<4x16x32xf32, #tpu.memory_space<vmem>>, vector<16xf32>,
    %swap3A_144 = arith.constant 0 : i32
    %swap3A_145 = arith.constant 13 : i32
    %swap3A_146 = arith.index_cast %swap3A_144 : i32 to index
    %swap3A_147 = arith.index_cast %swap3A_145 : i32 to index
    %swap3A_148 = arith.constant 0 : index
    %swap3A_149 = tpu.vector_load %arg14[%swap3A_146, %swap3A_147, %swap3A_148] {strides = array<i32>} : memref<4x16x32xf32, #tpu.memory_space<vmem>>, vector<16xf32>,
    tpu.vector_store %arg14[%swap3A_146, %swap3A_147, %swap3A_148], %broadcast_in_dim3A_0 {strides = array<i32>} : memref<4x16x32xf32, #tpu.memory_space<vmem>>, vector<16xf32>,
    %swap3A_150 = arith.constant 0 : i32
    %swap3A_151 = arith.constant 13 : i32
    %swap3A_152 = arith.index_cast %swap3A_150 : i32 to index
    %swap3A_153 = arith.index_cast %swap3A_151 : i32 to index
    %swap3A_154 = arith.constant 16 : index
    %swap3A_155 = tpu.vector_load %arg14[%swap3A_152, %swap3A_153, %swap3A_154] {strides = array<i32>} : memref<4x16x32xf32, #tpu.memory_space<vmem>>, vector<16xf32>,
    tpu.vector_store %arg14[%swap3A_152, %swap3A_153, %swap3A_154], %broadcast_in_dim3A_0 {strides = array<i32>} : memref<4x16x32xf32, #tpu.memory_space<vmem>>, vector<16xf32>,
    %swap3A_156 = arith.constant 0 : i32
    %swap3A_157 = arith.constant 14 : i32
    %swap3A_158 = arith.index_cast %swap3A_156 : i32 to index
    %swap3A_159 = arith.index_cast %swap3A_157 : i32 to index
    %swap3A_160 = arith.constant 0 : index
    %swap3A_161 = tpu.vector_load %arg14[%swap3A_158, %swap3A_159, %swap3A_160] {strides = array<i32>} : memref<4x16x32xf32, #tpu.memory_space<vmem>>, vector<16xf32>,
    tpu.vector_store %arg14[%swap3A_158, %swap3A_159, %swap3A_160], %broadcast_in_dim3A_0 {strides = array<i32>} : memref<4x16x32xf32, #tpu.memory_space<vmem>>, vector<16xf32>,
    %swap3A_162 = arith.constant 0 : i32
    %swap3A_163 = arith.constant 14 : i32
    %swap3A_164 = arith.index_cast %swap3A_162 : i32 to index
    %swap3A_165 = arith.index_cast %swap3A_163 : i32 to index
    %swap3A_166 = arith.constant 16 : index
    %swap3A_167 = tpu.vector_load %arg14[%swap3A_164, %swap3A_165, %swap3A_166] {strides = array<i32>} : memref<4x16x32xf32, #tpu.memory_space<vmem>>, vector<16xf32>,
    tpu.vector_store %arg14[%swap3A_164, %swap3A_165, %swap3A_166], %broadcast_in_dim3A_0 {strides = array<i32>} : memref<4x16x32xf32, #tpu.memory_space<vmem>>, vector<16xf32>,
    %swap3A_168 = arith.constant 0 : i32
    %swap3A_169 = arith.constant 15 : i32
    %swap3A_170 = arith.index_cast %swap3A_168 : i32 to index
    %swap3A_171 = arith.index_cast %swap3A_169 : i32 to index
    %swap3A_172 = arith.constant 0 : index
    %swap3A_173 = tpu.vector_load %arg14[%swap3A_170, %swap3A_171, %swap3A_172] {strides = array<i32>} : memref<4x16x32xf32, #tpu.memory_space<vmem>>, vector<16xf32>,
    tpu.vector_store %arg14[%swap3A_170, %swap3A_171, %swap3A_172], %broadcast_in_dim3A_0 {strides = array<i32>} : memref<4x16x32xf32, #tpu.memory_space<vmem>>, vector<16xf32>,
    %swap3A_174 = arith.constant 0 : i32
    %swap3A_175 = arith.constant 15 : i32
    %swap3A_176 = arith.index_cast %swap3A_174 : i32 to index
    %swap3A_177 = arith.index_cast %swap3A_175 : i32 to index
    %swap3A_178 = arith.constant 16 : index
    %swap3A_179 = tpu.vector_load %arg14[%swap3A_176, %swap3A_177, %swap3A_178] {strides = array<i32>} : memref<4x16x32xf32, #tpu.memory_space<vmem>>, vector<16xf32>,
    tpu.vector_store %arg14[%swap3A_176, %swap3A_177, %swap3A_178], %broadcast_in_dim3A_0 {strides = array<i32>} : memref<4x16x32xf32, #tpu.memory_space<vmem>>, vector<16xf32>,
    %swap3A_180 = arith.constant 1 : i32
    %swap3A_181 = arith.constant 13 : i32
    %swap3A_182 = arith.index_cast %swap3A_180 : i32 to index
    %swap3A_183 = arith.index_cast %swap3A_181 : i32 to index
    %swap3A_184 = arith.constant 0 : index
    %swap3A_185 = tpu.vector_load %arg14[%swap3A_182, %swap3A_183, %swap3A_184] {strides = array<i32>} : memref<4x16x32xf32, #tpu.memory_space<vmem>>, vector<16xf32>,
    tpu.vector_store %arg14[%swap3A_182, %swap3A_183, %swap3A_184], %broadcast_in_dim3A_0 {strides = array<i32>} : memref<4x16x32xf32, #tpu.memory_space<vmem>>, vector<16xf32>,
    %swap3A_186 = arith.constant 1 : i32
    %swap3A_187 = arith.constant 13 : i32
    %swap3A_188 = arith.index_cast %swap3A_186 : i32 to index
    %swap3A_189 = arith.index_cast %swap3A_187 : i32 to index
    %swap3A_190 = arith.constant 16 : index
    %swap3A_191 = tpu.vector_load %arg14[%swap3A_188, %swap3A_189, %swap3A_190] {strides = array<i32>} : memref<4x16x32xf32, #tpu.memory_space<vmem>>, vector<16xf32>,
    tpu.vector_store %arg14[%swap3A_188, %swap3A_189, %swap3A_190], %broadcast_in_dim3A_0 {strides = array<i32>} : memref<4x16x32xf32, #tpu.memory_space<vmem>>, vector<16xf32>,
    %swap3A_192 = arith.constant 1 : i32
    %swap3A_193 = arith.constant 14 : i32
    %swap3A_194 = arith.index_cast %swap3A_192 : i32 to index
    %swap3A_195 = arith.index_cast %swap3A_193 : i32 to index
    %swap3A_196 = arith.constant 0 : index
    %swap3A_197 = tpu.vector_load %arg14[%swap3A_194, %swap3A_195, %swap3A_196] {strides = array<i32>} : memref<4x16x32xf32, #tpu.memory_space<vmem>>, vector<16xf32>,
    tpu.vector_store %arg14[%swap3A_194, %swap3A_195, %swap3A_196], %broadcast_in_dim3A_0 {strides = array<i32>} : memref<4x16x32xf32, #tpu.memory_space<vmem>>, vector<16xf32>,
    %swap3A_198 = arith.constant 1 : i32
    %swap3A_199 = arith.constant 14 : i32
    %swap3A_200 = arith.index_cast %swap3A_198 : i32 to index
    %swap3A_201 = arith.index_cast %swap3A_199 : i32 to index
    %swap3A_202 = arith.constant 16 : index
    %swap3A_203 = tpu.vector_load %arg14[%swap3A_200, %swap3A_201, %swap3A_202] {strides = array<i32>} : memref<4x16x32xf32, #tpu.memory_space<vmem>>, vector<16xf32>,
    tpu.vector_store %arg14[%swap3A_200, %swap3A_201, %swap3A_202], %broadcast_in_dim3A_0 {strides = array<i32>} : memref<4x16x32xf32, #tpu.memory_space<vmem>>, vector<16xf32>,
    %swap3A_204 = arith.constant 1 : i32
    %swap3A_205 = arith.constant 15 : i32
    %swap3A_206 = arith.index_cast %swap3A_204 : i32 to index
    %swap3A_207 = arith.index_cast %swap3A_205 : i32 to index
    %swap3A_208 = arith.constant 0 : index
    %swap3A_209 = tpu.vector_load %arg14[%swap3A_206, %swap3A_207, %swap3A_208] {strides = array<i32>} : memref<4x16x32xf32, #tpu.memory_space<vmem>>, vector<16xf32>,
    tpu.vector_store %arg14[%swap3A_206, %swap3A_207, %swap3A_208], %broadcast_in_dim3A_0 {strides = array<i32>} : memref<4x16x32xf32, #tpu.memory_space<vmem>>, vector<16xf32>,
    %swap3A_210 = arith.constant 1 : i32
    %swap3A_211 = arith.constant 15 : i32
    %swap3A_212 = arith.index_cast %swap3A_210 : i32 to index
    %swap3A_213 = arith.index_cast %swap3A_211 : i32 to index
    %swap3A_214 = arith.constant 16 : index
    %swap3A_215 = tpu.vector_load %arg14[%swap3A_212, %swap3A_213, %swap3A_214] {strides = array<i32>} : memref<4x16x32xf32, #tpu.memory_space<vmem>>, vector<16xf32>,
    tpu.vector_store %arg14[%swap3A_212, %swap3A_213, %swap3A_214], %broadcast_in_dim3A_0 {strides = array<i32>} : memref<4x16x32xf32, #tpu.memory_space<vmem>>, vector<16xf32>,
    %swap3A_216 = arith.constant 2 : i32
    %swap3A_217 = arith.constant 13 : i32
    %swap3A_218 = arith.index_cast %swap3A_216 : i32 to index
    %swap3A_219 = arith.index_cast %swap3A_217 : i32 to index
    %swap3A_220 = arith.constant 0 : index
    %swap3A_221 = tpu.vector_load %arg14[%swap3A_218, %swap3A_219, %swap3A_220] {strides = array<i32>} : memref<4x16x32xf32, #tpu.memory_space<vmem>>, vector<16xf32>,
    tpu.vector_store %arg14[%swap3A_218, %swap3A_219, %swap3A_220], %broadcast_in_dim3A_0 {strides = array<i32>} : memref<4x16x32xf32, #tpu.memory_space<vmem>>, vector<16xf32>,
    %swap3A_222 = arith.constant 2 : i32
    %swap3A_223 = arith.constant 13 : i32
    %swap3A_224 = arith.index_cast %swap3A_222 : i32 to index
    %swap3A_225 = arith.index_cast %swap3A_223 : i32 to index
    %swap3A_226 = arith.constant 16 : index
    %swap3A_227 = tpu.vector_load %arg14[%swap3A_224, %swap3A_225, %swap3A_226] {strides = array<i32>} : memref<4x16x32xf32, #tpu.memory_space<vmem>>, vector<16xf32>,
    tpu.vector_store %arg14[%swap3A_224, %swap3A_225, %swap3A_226], %broadcast_in_dim3A_0 {strides = array<i32>} : memref<4x16x32xf32, #tpu.memory_space<vmem>>, vector<16xf32>,
    %swap3A_228 = arith.constant 2 : i32
    %swap3A_229 = arith.constant 14 : i32
    %swap3A_230 = arith.index_cast %swap3A_228 : i32 to index
    %swap3A_231 = arith.index_cast %swap3A_229 : i32 to index
    %swap3A_232 = arith.constant 0 : index
    %swap3A_233 = tpu.vector_load %arg14[%swap3A_230, %swap3A_231, %swap3A_232] {strides = array<i32>} : memref<4x16x32xf32, #tpu.memory_space<vmem>>, vector<16xf32>,
    tpu.vector_store %arg14[%swap3A_230, %swap3A_231, %swap3A_232], %broadcast_in_dim3A_0 {strides = array<i32>} : memref<4x16x32xf32, #tpu.memory_space<vmem>>, vector<16xf32>,
    %swap3A_234 = arith.constant 2 : i32
    %swap3A_235 = arith.constant 14 : i32
    %swap3A_236 = arith.index_cast %swap3A_234 : i32 to index
    %swap3A_237 = arith.index_cast %swap3A_235 : i32 to index
    %swap3A_238 = arith.constant 16 : index
    %swap3A_239 = tpu.vector_load %arg14[%swap3A_236, %swap3A_237, %swap3A_238] {strides = array<i32>} : memref<4x16x32xf32, #tpu.memory_space<vmem>>, vector<16xf32>,
    tpu.vector_store %arg14[%swap3A_236, %swap3A_237, %swap3A_238], %broadcast_in_dim3A_0 {strides = array<i32>} : memref<4x16x32xf32, #tpu.memory_space<vmem>>, vector<16xf32>,
    %swap3A_240 = arith.constant 2 : i32
    %swap3A_241 = arith.constant 15 : i32
    %swap3A_242 = arith.index_cast %swap3A_240 : i32 to index
    %swap3A_243 = arith.index_cast %swap3A_241 : i32 to index
    %swap3A_244 = arith.constant 0 : index
    %swap3A_245 = tpu.vector_load %arg14[%swap3A_242, %swap3A_243, %swap3A_244] {strides = array<i32>} : memref<4x16x32xf32, #tpu.memory_space<vmem>>, vector<16xf32>,
    tpu.vector_store %arg14[%swap3A_242, %swap3A_243, %swap3A_244], %broadcast_in_dim3A_0 {strides = array<i32>} : memref<4x16x32xf32, #tpu.memory_space<vmem>>, vector<16xf32>,
    %swap3A_246 = arith.constant 2 : i32
    %swap3A_247 = arith.constant 15 : i32
    %swap3A_248 = arith.index_cast %swap3A_246 : i32 to index
    %swap3A_249 = arith.index_cast %swap3A_247 : i32 to index
    %swap3A_250 = arith.constant 16 : index
    %swap3A_251 = tpu.vector_load %arg14[%swap3A_248, %swap3A_249, %swap3A_250] {strides = array<i32>} : memref<4x16x32xf32, #tpu.memory_space<vmem>>, vector<16xf32>,
    tpu.vector_store %arg14[%swap3A_248, %swap3A_249, %swap3A_250], %broadcast_in_dim3A_0 {strides = array<i32>} : memref<4x16x32xf32, #tpu.memory_space<vmem>>, vector<16xf32>,
    %swap3A_252 = arith.constant 3 : i32
    %swap3A_253 = arith.constant 13 : i32
    %swap3A_254 = arith.index_cast %swap3A_252 : i32 to index
    %swap3A_255 = arith.index_cast %swap3A_253 : i32 to index
    %swap3A_256 = arith.constant 0 : index
    %swap3A_257 = tpu.vector_load %arg14[%swap3A_254, %swap3A_255, %swap3A_256] {strides = array<i32>} : memref<4x16x32xf32, #tpu.memory_space<vmem>>, vector<16xf32>,
    tpu.vector_store %arg14[%swap3A_254, %swap3A_255, %swap3A_256], %broadcast_in_dim3A_0 {strides = array<i32>} : memref<4x16x32xf32, #tpu.memory_space<vmem>>, vector<16xf32>,
    %swap3A_258 = arith.constant 3 : i32
    %swap3A_259 = arith.constant 13 : i32
    %swap3A_260 = arith.index_cast %swap3A_258 : i32 to index
    %swap3A_261 = arith.index_cast %swap3A_259 : i32 to index
    %swap3A_262 = arith.constant 16 : index
    %swap3A_263 = tpu.vector_load %arg14[%swap3A_260, %swap3A_261, %swap3A_262] {strides = array<i32>} : memref<4x16x32xf32, #tpu.memory_space<vmem>>, vector<16xf32>,
    tpu.vector_store %arg14[%swap3A_260, %swap3A_261, %swap3A_262], %broadcast_in_dim3A_0 {strides = array<i32>} : memref<4x16x32xf32, #tpu.memory_space<vmem>>, vector<16xf32>,
    %swap3A_264 = arith.constant 3 : i32
    %swap3A_265 = arith.constant 14 : i32
    %swap3A_266 = arith.index_cast %swap3A_264 : i32 to index
    %swap3A_267 = arith.index_cast %swap3A_265 : i32 to index
    %swap3A_268 = arith.constant 0 : index
    %swap3A_269 = tpu.vector_load %arg14[%swap3A_266, %swap3A_267, %swap3A_268] {strides = array<i32>} : memref<4x16x32xf32, #tpu.memory_space<vmem>>, vector<16xf32>,
    tpu.vector_store %arg14[%swap3A_266, %swap3A_267, %swap3A_268], %broadcast_in_dim3A_0 {strides = array<i32>} : memref<4x16x32xf32, #tpu.memory_space<vmem>>, vector<16xf32>,
    %swap3A_270 = arith.constant 3 : i32
    %swap3A_271 = arith.constant 14 : i32
    %swap3A_272 = arith.index_cast %swap3A_270 : i32 to index
    %swap3A_273 = arith.index_cast %swap3A_271 : i32 to index
    %swap3A_274 = arith.constant 16 : index
    %swap3A_275 = tpu.vector_load %arg14[%swap3A_272, %swap3A_273, %swap3A_274] {strides = array<i32>} : memref<4x16x32xf32, #tpu.memory_space<vmem>>, vector<16xf32>,
    tpu.vector_store %arg14[%swap3A_272, %swap3A_273, %swap3A_274], %broadcast_in_dim3A_0 {strides = array<i32>} : memref<4x16x32xf32, #tpu.memory_space<vmem>>, vector<16xf32>,
    %swap3A_276 = arith.constant 3 : i32
    %swap3A_277 = arith.constant 15 : i32
    %swap3A_278 = arith.index_cast %swap3A_276 : i32 to index
    %swap3A_279 = arith.index_cast %swap3A_277 : i32 to index
    %swap3A_280 = arith.constant 0 : index
    %swap3A_281 = tpu.vector_load %arg14[%swap3A_278, %swap3A_279, %swap3A_280] {strides = array<i32>} : memref<4x16x32xf32, #tpu.memory_space<vmem>>, vector<16xf32>,
    tpu.vector_store %arg14[%swap3A_278, %swap3A_279, %swap3A_280], %broadcast_in_dim3A_0 {strides = array<i32>} : memref<4x16x32xf32, #tpu.memory_space<vmem>>, vector<16xf32>,
    %swap3A_282 = arith.constant 3 : i32
    %swap3A_283 = arith.constant 15 : i32
    %swap3A_284 = arith.index_cast %swap3A_282 : i32 to index
    %swap3A_285 = arith.index_cast %swap3A_283 : i32 to index
    %swap3A_286 = arith.constant 16 : index
    %swap3A_287 = tpu.vector_load %arg14[%swap3A_284, %swap3A_285, %swap3A_286] {strides = array<i32>} : memref<4x16x32xf32, #tpu.memory_space<vmem>>, vector<16xf32>,
    tpu.vector_store %arg14[%swap3A_284, %swap3A_285, %swap3A_286], %broadcast_in_dim3A_0 {strides = array<i32>} : memref<4x16x32xf32, #tpu.memory_space<vmem>>, vector<16xf32>,
    %eq3A = arith.constant 0 : i32
    %eq3A_288 = arith.cmpi eq, %arg0, %eq3A : i32
    %convert_element_type3A = arith.extui %eq3A_288 : i1 to i32
    %cond3A = arith.constant 0 : i32
    %cond3A_289 = arith.cmpi ne, %convert_element_type3A, %cond3A : i32
    scf.if %cond3A_289 {
      %mul3A = arith.constant 160 : i32
      %mul3A_290 = arith.muli %arg1, %mul3A : i32
      %multiple_of3A = tpu.assume_multiple %mul3A_290, 8 : i32
      "tpu.region"() ({
        %run_scoped3A = tpu.sem_alloc : memref<!tpu.dma_semaphore, #tpu.memory_space<semaphore_mem>>
        %dma_start3A = arith.constant 0 : i32
        %dma_start3A_336 = arith.constant 0 : i32
        %dma_start3A_337 = tpu.memref_slice %arg8[%dma_start3A, %dma_start3A_336] : memref<160x128xi32, #tpu.memory_space<vmem>> -> memref<160x128xi32, #tpu.memory_space<vmem>>
        %dma_start3A_338 = arith.constant 0 : i32
        %dma_start3A_339 = tpu.memref_slice %arg2[%multiple_of3A, %dma_start3A_338] : memref<2560x128xi32, #tpu.memory_space<hbm>> -> memref<160x128xi32, #tpu.memory_space<hbm>>
        %dma_start3A_340 = arith.constant 0 : i32
        %dma_start3A_341 = arith.constant 0 : i32
        %dma_start3A_342 = tpu.memref_slice %arg8[%dma_start3A_340, %dma_start3A_341] : memref<160x128xi32, #tpu.memory_space<vmem>> -> memref<160x128xi32, #tpu.memory_space<vmem>>
        %dma_start3A_343 = arith.constant 0 : i32
        %dma_start3A_344 = tpu.memref_slice %arg2[%multiple_of3A, %dma_start3A_343] : memref<2560x128xi32, #tpu.memory_space<hbm>> -> memref<160x128xi32, #tpu.memory_space<hbm>>
        tpu.enqueue_dma source(%dma_start3A_344 : memref<160x128xi32, #tpu.memory_space<hbm>>) target(%dma_start3A_342 : memref<160x128xi32, #tpu.memory_space<vmem>>) target_semaphore(%run_scoped3A : memref<!tpu.dma_semaphore, #tpu.memory_space<semaphore_mem>>)
        %dma_wait3A_345 = arith.constant 0 : i32
        %dma_wait3A_346 = arith.constant 0 : i32
        %dma_wait3A_347 = tpu.memref_slice %arg8[%dma_wait3A_345, %dma_wait3A_346] : memref<160x128xi32, #tpu.memory_space<vmem>> -> memref<160x128xi32, #tpu.memory_space<vmem>>
        %dma_wait3A_348 = arith.constant 0 : i32
        %dma_wait3A_349 = tpu.memref_slice %arg2[%multiple_of3A, %dma_wait3A_348] : memref<2560x128xi32, #tpu.memory_space<hbm>> -> memref<160x128xi32, #tpu.memory_space<hbm>>
        %dma_wait3A_350 = arith.constant 0 : i32
        %dma_wait3A_351 = arith.constant 0 : i32
        %dma_wait3A_352 = tpu.memref_slice %arg8[%dma_wait3A_350, %dma_wait3A_351] : memref<160x128xi32, #tpu.memory_space<vmem>> -> memref<160x128xi32, #tpu.memory_space<vmem>>
        %dma_wait3A_353 = arith.constant 0 : i32
        %dma_wait3A_354 = tpu.memref_slice %arg2[%multiple_of3A, %dma_wait3A_353] : memref<2560x128xi32, #tpu.memory_space<hbm>> -> memref<160x128xi32, #tpu.memory_space<hbm>>
        tpu.wait_dma2 semaphore(%run_scoped3A : memref<!tpu.dma_semaphore, #tpu.memory_space<semaphore_mem>>) src(%dma_wait3A_354 : memref<160x128xi32, #tpu.memory_space<hbm>>) dst(%dma_wait3A_352 : memref<160x128xi32, #tpu.memory_space<vmem>>)
        tpu.yield
      }) : () -> ()
      "tpu.region"() ({
        %run_scoped3A = tpu.sem_alloc : memref<!tpu.dma_semaphore, #tpu.memory_space<semaphore_mem>>
        %dma_start3A = arith.constant 0 : i32
        %dma_start3A_336 = arith.constant 0 : i32
        %dma_start3A_337 = tpu.memref_slice %arg9[%dma_start3A, %dma_start3A_336] : memref<160x128xf32, #tpu.memory_space<vmem>> -> memref<160x128xf32, #tpu.memory_space<vmem>>
        %dma_start3A_338 = arith.constant 0 : i32
        %dma_start3A_339 = tpu.memref_slice %arg3[%multiple_of3A, %dma_start3A_338] : memref<2560x128xf32, #tpu.memory_space<hbm>> -> memref<160x128xf32, #tpu.memory_space<hbm>>
        %dma_start3A_340 = arith.constant 0 : i32
        %dma_start3A_341 = arith.constant 0 : i32
        %dma_start3A_342 = tpu.memref_slice %arg9[%dma_start3A_340, %dma_start3A_341] : memref<160x128xf32, #tpu.memory_space<vmem>> -> memref<160x128xf32, #tpu.memory_space<vmem>>
        %dma_start3A_343 = arith.constant 0 : i32
        %dma_start3A_344 = tpu.memref_slice %arg3[%multiple_of3A, %dma_start3A_343] : memref<2560x128xf32, #tpu.memory_space<hbm>> -> memref<160x128xf32, #tpu.memory_space<hbm>>
        tpu.enqueue_dma source(%dma_start3A_344 : memref<160x128xf32, #tpu.memory_space<hbm>>) target(%dma_start3A_342 : memref<160x128xf32, #tpu.memory_space<vmem>>) target_semaphore(%run_scoped3A : memref<!tpu.dma_semaphore, #tpu.memory_space<semaphore_mem>>)
        %dma_wait3A_345 = arith.constant 0 : i32
        %dma_wait3A_346 = arith.constant 0 : i32
        %dma_wait3A_347 = tpu.memref_slice %arg9[%dma_wait3A_345, %dma_wait3A_346] : memref<160x128xf32, #tpu.memory_space<vmem>> -> memref<160x128xf32, #tpu.memory_space<vmem>>
        %dma_wait3A_348 = arith.constant 0 : i32
        %dma_wait3A_349 = tpu.memref_slice %arg3[%multiple_of3A, %dma_wait3A_348] : memref<2560x128xf32, #tpu.memory_space<hbm>> -> memref<160x128xf32, #tpu.memory_space<hbm>>
        %dma_wait3A_350 = arith.constant 0 : i32
        %dma_wait3A_351 = arith.constant 0 : i32
        %dma_wait3A_352 = tpu.memref_slice %arg9[%dma_wait3A_350, %dma_wait3A_351] : memref<160x128xf32, #tpu.memory_space<vmem>> -> memref<160x128xf32, #tpu.memory_space<vmem>>
        %dma_wait3A_353 = arith.constant 0 : i32
        %dma_wait3A_354 = tpu.memref_slice %arg3[%multiple_of3A, %dma_wait3A_353] : memref<2560x128xf32, #tpu.memory_space<hbm>> -> memref<160x128xf32, #tpu.memory_space<hbm>>
        tpu.wait_dma2 semaphore(%run_scoped3A : memref<!tpu.dma_semaphore, #tpu.memory_space<semaphore_mem>>) src(%dma_wait3A_354 : memref<160x128xf32, #tpu.memory_space<hbm>>) dst(%dma_wait3A_352 : memref<160x128xf32, #tpu.memory_space<vmem>>)
        tpu.yield
      }) : () -> ()
      %scan3A = arith.constant 0 : i32
      %scan3A_291 = arith.constant 0 : i32
      %scan3A_292 = arith.constant 80 : i32
      %scan3A_293 = arith.addi %scan3A_291, %scan3A_292 : i32
      %scan3A_294 = arith.constant 1 : i32
      scf.for %scan3A_336 = %scan3A_291 to %scan3A_293 step %scan3A_294  : i32 {
        %mul3A_337 = arith.constant 2 : i32
        %mul3A_338 = arith.muli %mul3A_337, %scan3A_336 : i32
        %add3A_339 = arith.constant 0 : i32
        %add3A_340 = arith.addi %mul3A_338, %add3A_339 : i32
        %gt3A = arith.constant 0 : i32
        %gt3A_341 = arith.cmpi sgt, %scan3A_336, %gt3A : i32
        %convert_element_type3A_342 = arith.extui %gt3A_341 : i1 to i32
        %cond3A_343 = arith.constant 0 : i32
        %cond3A_344 = arith.cmpi ne, %convert_element_type3A_342, %cond3A_343 : i32
        scf.if %cond3A_344 {
          %add3A_2260 = arith.addi %multiple_of3A, %add3A_340 : i32
          %mul3A_2261 = arith.constant 4 : i32
          %mul3A_2262 = arith.muli %add3A_2260, %mul3A_2261 : i32
          %mul3A_2263 = arith.constant 32 : i32
          %mul3A_2264 = arith.muli %mul3A_2262, %mul3A_2263 : i32
          %multiple_of3A_2265 = tpu.assume_multiple %mul3A_2264, 128 : i32
          %dma_wait3A_2266 = arith.constant 0 : i32
          %dma_wait3A_2267 = tpu.memref_slice %arg6[%multiple_of3A_2265, %dma_wait3A_2266] : memref<327680x128xf32, #tpu.memory_space<hbm>> -> memref<128x128xf32, #tpu.memory_space<hbm>>
          %dma_wait3A_2268 = arith.constant 0 : i32
          %dma_wait3A_2269 = tpu.memref_slice %arg6[%multiple_of3A_2265, %dma_wait3A_2268] : memref<327680x128xf32, #tpu.memory_space<hbm>> -> memref<128x128xf32, #tpu.memory_space<hbm>>
          tpu.wait_dma2 semaphore(%arg17 : memref<!tpu.dma_semaphore, #tpu.memory_space<semaphore_mem>>) src(%arg11 : memref<128x128xf32, #tpu.memory_space<vmem>>) dst(%dma_wait3A_2269 : memref<128x128xf32, #tpu.memory_space<hbm>>)
          %add3A_2270 = arith.addi %multiple_of3A, %add3A_340 : i32
          %mul3A_2271 = arith.constant 4 : i32
          %mul3A_2272 = arith.muli %add3A_2270, %mul3A_2271 : i32
          %dma_wait3A_2273 = arith.constant 0 : i32
          %dma_wait3A_2274 = arith.constant 0 : i32
          %dma_wait3A_2275 = tpu.memref_slice %arg7[%mul3A_2272, %dma_wait3A_2273, %dma_wait3A_2274] : memref<10240x16x32xf32, #tpu.memory_space<hbm>> -> memref<4x16x32xf32, #tpu.memory_space<hbm>>
          %dma_wait3A_2276 = arith.constant 0 : i32
          %dma_wait3A_2277 = arith.constant 0 : i32
          %dma_wait3A_2278 = tpu.memref_slice %arg7[%mul3A_2272, %dma_wait3A_2276, %dma_wait3A_2277] : memref<10240x16x32xf32, #tpu.memory_space<hbm>> -> memref<4x16x32xf32, #tpu.memory_space<hbm>>
          tpu.wait_dma2 semaphore(%arg19 : memref<!tpu.dma_semaphore, #tpu.memory_space<semaphore_mem>>) src(%arg13 : memref<4x16x32xf32, #tpu.memory_space<vmem>>) dst(%dma_wait3A_2278 : memref<4x16x32xf32, #tpu.memory_space<hbm>>)
        } else {
        }
        %dma_start3A = arith.constant 0 : i32
        %dma_start3A_345 = tpu.memref_slice %arg8[%add3A_340, %dma_start3A] : memref<160x128xi32, #tpu.memory_space<vmem>> -> memref<1x128xi32, #tpu.memory_space<vmem>>
        %dma_start3A_346 = tpu.memref_squeeze %dma_start3A_345 : memref<1x128xi32, #tpu.memory_space<vmem>> -> memref<128xi32, #tpu.memory_space<vmem>>
        %dma_start3A_347 = arith.constant 0 : i32
        %dma_start3A_348 = arith.constant 0 : i32
        %dma_start3A_349 = tpu.memref_slice %arg4[%dma_start3A_347, %dma_start3A_348] : memref<10000x128xf32, #tpu.memory_space<hbm>> -> memref<10000x128xf32, #tpu.memory_space<hbm>>
        tpu.enqueue_indirect_dma source(%dma_start3A_349 : memref<10000x128xf32, #tpu.memory_space<hbm>>) target(%arg11 : memref<128x128xf32, #tpu.memory_space<vmem>>) offsets(%dma_start3A_346 : memref<128xi32, #tpu.memory_space<vmem>>) semaphore(%arg15 : memref<!tpu.dma_semaphore, #tpu.memory_space<semaphore_mem>>)
        %mul3A_350 = arith.constant 2 : i32
        %mul3A_351 = arith.muli %mul3A_350, %scan3A_336 : i32
        %add3A_352 = arith.constant 1 : i32
        %add3A_353 = arith.addi %mul3A_351, %add3A_352 : i32
        %gt3A_354 = arith.constant 0 : i32
        %gt3A_355 = arith.cmpi sgt, %scan3A_336, %gt3A_354 : i32
        %convert_element_type3A_356 = arith.extui %gt3A_355 : i1 to i32
        %cond3A_357 = arith.constant 0 : i32
        %cond3A_358 = arith.cmpi ne, %convert_element_type3A_356, %cond3A_357 : i32
        scf.if %cond3A_358 {
          %add3A_2260 = arith.addi %multiple_of3A, %add3A_353 : i32
          %mul3A_2261 = arith.constant 4 : i32
          %mul3A_2262 = arith.muli %add3A_2260, %mul3A_2261 : i32
          %mul3A_2263 = arith.constant 32 : i32
          %mul3A_2264 = arith.muli %mul3A_2262, %mul3A_2263 : i32
          %multiple_of3A_2265 = tpu.assume_multiple %mul3A_2264, 128 : i32
          %dma_wait3A_2266 = arith.constant 0 : i32
          %dma_wait3A_2267 = tpu.memref_slice %arg6[%multiple_of3A_2265, %dma_wait3A_2266] : memref<327680x128xf32, #tpu.memory_space<hbm>> -> memref<128x128xf32, #tpu.memory_space<hbm>>
          %dma_wait3A_2268 = arith.constant 0 : i32
          %dma_wait3A_2269 = tpu.memref_slice %arg6[%multiple_of3A_2265, %dma_wait3A_2268] : memref<327680x128xf32, #tpu.memory_space<hbm>> -> memref<128x128xf32, #tpu.memory_space<hbm>>
          tpu.wait_dma2 semaphore(%arg18 : memref<!tpu.dma_semaphore, #tpu.memory_space<semaphore_mem>>) src(%arg12 : memref<128x128xf32, #tpu.memory_space<vmem>>) dst(%dma_wait3A_2269 : memref<128x128xf32, #tpu.memory_space<hbm>>)
          %add3A_2270 = arith.addi %multiple_of3A, %add3A_353 : i32
          %mul3A_2271 = arith.constant 4 : i32
          %mul3A_2272 = arith.muli %add3A_2270, %mul3A_2271 : i32
          %dma_wait3A_2273 = arith.constant 0 : i32
          %dma_wait3A_2274 = arith.constant 0 : i32
          %dma_wait3A_2275 = tpu.memref_slice %arg7[%mul3A_2272, %dma_wait3A_2273, %dma_wait3A_2274] : memref<10240x16x32xf32, #tpu.memory_space<hbm>> -> memref<4x16x32xf32, #tpu.memory_space<hbm>>
          %dma_wait3A_2276 = arith.constant 0 : i32
          %dma_wait3A_2277 = arith.constant 0 : i32
          %dma_wait3A_2278 = tpu.memref_slice %arg7[%mul3A_2272, %dma_wait3A_2276, %dma_wait3A_2277] : memref<10240x16x32xf32, #tpu.memory_space<hbm>> -> memref<4x16x32xf32, #tpu.memory_space<hbm>>
          tpu.wait_dma2 semaphore(%arg20 : memref<!tpu.dma_semaphore, #tpu.memory_space<semaphore_mem>>) src(%arg14 : memref<4x16x32xf32, #tpu.memory_space<vmem>>) dst(%dma_wait3A_2278 : memref<4x16x32xf32, #tpu.memory_space<hbm>>)
        } else {
        }
        %dma_start3A_359 = arith.constant 0 : i32
        %dma_start3A_360 = tpu.memref_slice %arg8[%add3A_353, %dma_start3A_359] : memref<160x128xi32, #tpu.memory_space<vmem>> -> memref<1x128xi32, #tpu.memory_space<vmem>>
        %dma_start3A_361 = tpu.memref_squeeze %dma_start3A_360 : memref<1x128xi32, #tpu.memory_space<vmem>> -> memref<128xi32, #tpu.memory_space<vmem>>
        %dma_start3A_362 = arith.constant 0 : i32
        %dma_start3A_363 = arith.constant 0 : i32
        %dma_start3A_364 = tpu.memref_slice %arg4[%dma_start3A_362, %dma_start3A_363] : memref<10000x128xf32, #tpu.memory_space<hbm>> -> memref<10000x128xf32, #tpu.memory_space<hbm>>
        tpu.enqueue_indirect_dma source(%dma_start3A_364 : memref<10000x128xf32, #tpu.memory_space<hbm>>) target(%arg12 : memref<128x128xf32, #tpu.memory_space<vmem>>) offsets(%dma_start3A_361 : memref<128xi32, #tpu.memory_space<vmem>>) semaphore(%arg16 : memref<!tpu.dma_semaphore, #tpu.memory_space<semaphore_mem>>)
        %mul3A_365 = arith.constant 2 : i32
        %mul3A_366 = arith.muli %mul3A_365, %scan3A_336 : i32
        %add3A_367 = arith.constant 0 : i32
        %add3A_368 = arith.addi %mul3A_366, %add3A_367 : i32
        %get3A = arith.index_cast %add3A_368 : i32 to index
        %get3A_369 = arith.constant 0 : index
        %get3A_370 = tpu.vector_load %arg8[%get3A, %get3A_369] {strides = array<i32>} : memref<160x128xi32, #tpu.memory_space<vmem>>, vector<16xi32>,
        %get3A_371 = arith.index_cast %add3A_368 : i32 to index
        %get3A_372 = arith.constant 0 : index
        %get3A_373 = tpu.vector_load %arg9[%get3A_371, %get3A_372] {strides = array<i32>} : memref<160x128xf32, #tpu.memory_space<vmem>>, vector<16xf32>,
        %mul3A_374 = arith.constant -1.000000e+01 : f32
        %mul3A_375 = vector.broadcast %mul3A_374 : f32 to vector<16xf32>
        %mul3A_376 = arith.mulf %get3A_373, %mul3A_375 : vector<16xf32>
        %exp3A = math.exp %mul3A_376 : vector<16xf32>
        %add3A_377 = arith.constant 0 : i32
        %add3A_378 = vector.broadcast %add3A_377 : i32 to vector<16xi32>
        %add3A_379 = arith.addi %get3A_370, %add3A_378 : vector<16xi32>
        %gather3A = tpu.vector_load_idx %arg10[%add3A_379] : memref<30000xf32, #tpu.memory_space<vmem>>[vector<16xi32>], vector<16xf32>,
        %add3A_380 = arith.constant 10000 : i32
        %add3A_381 = vector.broadcast %add3A_380 : i32 to vector<16xi32>
        %add3A_382 = arith.addi %get3A_370, %add3A_381 : vector<16xi32>
        %gather3A_383 = tpu.vector_load_idx %arg10[%add3A_382] : memref<30000xf32, #tpu.memory_space<vmem>>[vector<16xi32>], vector<16xf32>,
        %add3A_384 = arith.constant 20000 : i32
        %add3A_385 = vector.broadcast %add3A_384 : i32 to vector<16xi32>
        %add3A_386 = arith.addi %get3A_370, %add3A_385 : vector<16xi32>
        %gather3A_387 = tpu.vector_load_idx %arg10[%add3A_386] : memref<30000xf32, #tpu.memory_space<vmem>>[vector<16xi32>], vector<16xf32>,
        %mul3A_388 = arith.mulf %gather3A, %gather3A : vector<16xf32>
        %mul3A_389 = arith.mulf %mul3A_388, %exp3A : vector<16xf32>
        %swap3A_390 = arith.constant 0 : i32
        %swap3A_391 = arith.constant 0 : i32
        %swap3A_392 = arith.index_cast %swap3A_390 : i32 to index
        %swap3A_393 = arith.index_cast %swap3A_391 : i32 to index
        %swap3A_394 = arith.constant 0 : index
        %swap3A_395 = tpu.vector_load %arg13[%swap3A_392, %swap3A_393, %swap3A_394] {strides = array<i32>} : memref<4x16x32xf32, #tpu.memory_space<vmem>>, vector<16xf32>,
        tpu.vector_store %arg13[%swap3A_392, %swap3A_393, %swap3A_394], %mul3A_389 {strides = array<i32>} : memref<4x16x32xf32, #tpu.memory_space<vmem>>, vector<16xf32>,
        %mul3A_396 = arith.mulf %gather3A, %gather3A_383 : vector<16xf32>
        %mul3A_397 = arith.mulf %mul3A_396, %exp3A : vector<16xf32>
        %swap3A_398 = arith.constant 0 : i32
        %swap3A_399 = arith.constant 1 : i32
        %swap3A_400 = arith.index_cast %swap3A_398 : i32 to index
        %swap3A_401 = arith.index_cast %swap3A_399 : i32 to index
        %swap3A_402 = arith.constant 0 : index
        %swap3A_403 = tpu.vector_load %arg13[%swap3A_400, %swap3A_401, %swap3A_402] {strides = array<i32>} : memref<4x16x32xf32, #tpu.memory_space<vmem>>, vector<16xf32>,
        tpu.vector_store %arg13[%swap3A_400, %swap3A_401, %swap3A_402], %mul3A_397 {strides = array<i32>} : memref<4x16x32xf32, #tpu.memory_space<vmem>>, vector<16xf32>,
        %swap3A_404 = arith.constant 0 : i32
        %swap3A_405 = arith.constant 3 : i32
        %swap3A_406 = arith.index_cast %swap3A_404 : i32 to index
        %swap3A_407 = arith.index_cast %swap3A_405 : i32 to index
        %swap3A_408 = arith.constant 0 : index
        %swap3A_409 = tpu.vector_load %arg13[%swap3A_406, %swap3A_407, %swap3A_408] {strides = array<i32>} : memref<4x16x32xf32, #tpu.memory_space<vmem>>, vector<16xf32>,
        tpu.vector_store %arg13[%swap3A_406, %swap3A_407, %swap3A_408], %mul3A_397 {strides = array<i32>} : memref<4x16x32xf32, #tpu.memory_space<vmem>>, vector<16xf32>,
        %mul3A_410 = arith.mulf %gather3A, %gather3A_387 : vector<16xf32>
        %mul3A_411 = arith.mulf %mul3A_410, %exp3A : vector<16xf32>
        %swap3A_412 = arith.constant 0 : i32
        %swap3A_413 = arith.constant 2 : i32
        %swap3A_414 = arith.index_cast %swap3A_412 : i32 to index
        %swap3A_415 = arith.index_cast %swap3A_413 : i32 to index
        %swap3A_416 = arith.constant 0 : index
        %swap3A_417 = tpu.vector_load %arg13[%swap3A_414, %swap3A_415, %swap3A_416] {strides = array<i32>} : memref<4x16x32xf32, #tpu.memory_space<vmem>>, vector<16xf32>,
        tpu.vector_store %arg13[%swap3A_414, %swap3A_415, %swap3A_416], %mul3A_411 {strides = array<i32>} : memref<4x16x32xf32, #tpu.memory_space<vmem>>, vector<16xf32>,
        %swap3A_418 = arith.constant 0 : i32
        %swap3A_419 = arith.constant 6 : i32
        %swap3A_420 = arith.index_cast %swap3A_418 : i32 to index
        %swap3A_421 = arith.index_cast %swap3A_419 : i32 to index
        %swap3A_422 = arith.constant 0 : index
        %swap3A_423 = tpu.vector_load %arg13[%swap3A_420, %swap3A_421, %swap3A_422] {strides = array<i32>} : memref<4x16x32xf32, #tpu.memory_space<vmem>>, vector<16xf32>,
        tpu.vector_store %arg13[%swap3A_420, %swap3A_421, %swap3A_422], %mul3A_411 {strides = array<i32>} : memref<4x16x32xf32, #tpu.memory_space<vmem>>, vector<16xf32>,
        %mul3A_424 = arith.mulf %gather3A, %exp3A : vector<16xf32>
        %swap3A_425 = arith.constant 0 : i32
        %swap3A_426 = arith.constant 9 : i32
        %swap3A_427 = arith.index_cast %swap3A_425 : i32 to index
        %swap3A_428 = arith.index_cast %swap3A_426 : i32 to index
        %swap3A_429 = arith.constant 0 : index
        %swap3A_430 = tpu.vector_load %arg13[%swap3A_427, %swap3A_428, %swap3A_429] {strides = array<i32>} : memref<4x16x32xf32, #tpu.memory_space<vmem>>, vector<16xf32>,
        tpu.vector_store %arg13[%swap3A_427, %swap3A_428, %swap3A_429], %mul3A_424 {strides = array<i32>} : memref<4x16x32xf32, #tpu.memory_space<vmem>>, vector<16xf32>,
        %mul3A_431 = arith.mulf %gather3A_383, %gather3A_383 : vector<16xf32>
        %mul3A_432 = arith.mulf %mul3A_431, %exp3A : vector<16xf32>
        %swap3A_433 = arith.constant 0 : i32
        %swap3A_434 = arith.constant 4 : i32
        %swap3A_435 = arith.index_cast %swap3A_433 : i32 to index
        %swap3A_436 = arith.index_cast %swap3A_434 : i32 to index
        %swap3A_437 = arith.constant 0 : index
        %swap3A_438 = tpu.vector_load %arg13[%swap3A_435, %swap3A_436, %swap3A_437] {strides = array<i32>} : memref<4x16x32xf32, #tpu.memory_space<vmem>>, vector<16xf32>,
        tpu.vector_store %arg13[%swap3A_435, %swap3A_436, %swap3A_437], %mul3A_432 {strides = array<i32>} : memref<4x16x32xf32, #tpu.memory_space<vmem>>, vector<16xf32>,
        %mul3A_439 = arith.mulf %gather3A_383, %gather3A_387 : vector<16xf32>
        %mul3A_440 = arith.mulf %mul3A_439, %exp3A : vector<16xf32>
        %swap3A_441 = arith.constant 0 : i32
        %swap3A_442 = arith.constant 5 : i32
        %swap3A_443 = arith.index_cast %swap3A_441 : i32 to index
        %swap3A_444 = arith.index_cast %swap3A_442 : i32 to index
        %swap3A_445 = arith.constant 0 : index
        %swap3A_446 = tpu.vector_load %arg13[%swap3A_443, %swap3A_444, %swap3A_445] {strides = array<i32>} : memref<4x16x32xf32, #tpu.memory_space<vmem>>, vector<16xf32>,
        tpu.vector_store %arg13[%swap3A_443, %swap3A_444, %swap3A_445], %mul3A_440 {strides = array<i32>} : memref<4x16x32xf32, #tpu.memory_space<vmem>>, vector<16xf32>,
        %swap3A_447 = arith.constant 0 : i32
        %swap3A_448 = arith.constant 7 : i32
        %swap3A_449 = arith.index_cast %swap3A_447 : i32 to index
        %swap3A_450 = arith.index_cast %swap3A_448 : i32 to index
        %swap3A_451 = arith.constant 0 : index
        %swap3A_452 = tpu.vector_load %arg13[%swap3A_449, %swap3A_450, %swap3A_451] {strides = array<i32>} : memref<4x16x32xf32, #tpu.memory_space<vmem>>, vector<16xf32>,
        tpu.vector_store %arg13[%swap3A_449, %swap3A_450, %swap3A_451], %mul3A_440 {strides = array<i32>} : memref<4x16x32xf32, #tpu.memory_space<vmem>>, vector<16xf32>,
        %mul3A_453 = arith.mulf %gather3A_383, %exp3A : vector<16xf32>
        %swap3A_454 = arith.constant 0 : i32
        %swap3A_455 = arith.constant 10 : i32
        %swap3A_456 = arith.index_cast %swap3A_454 : i32 to index
        %swap3A_457 = arith.index_cast %swap3A_455 : i32 to index
        %swap3A_458 = arith.constant 0 : index
        %swap3A_459 = tpu.vector_load %arg13[%swap3A_456, %swap3A_457, %swap3A_458] {strides = array<i32>} : memref<4x16x32xf32, #tpu.memory_space<vmem>>, vector<16xf32>,
        tpu.vector_store %arg13[%swap3A_456, %swap3A_457, %swap3A_458], %mul3A_453 {strides = array<i32>} : memref<4x16x32xf32, #tpu.memory_space<vmem>>, vector<16xf32>,
        %mul3A_460 = arith.mulf %gather3A_387, %gather3A_387 : vector<16xf32>
        %mul3A_461 = arith.mulf %mul3A_460, %exp3A : vector<16xf32>
        %swap3A_462 = arith.constant 0 : i32
        %swap3A_463 = arith.constant 8 : i32
        %swap3A_464 = arith.index_cast %swap3A_462 : i32 to index
        %swap3A_465 = arith.index_cast %swap3A_463 : i32 to index
        %swap3A_466 = arith.constant 0 : index
        %swap3A_467 = tpu.vector_load %arg13[%swap3A_464, %swap3A_465, %swap3A_466] {strides = array<i32>} : memref<4x16x32xf32, #tpu.memory_space<vmem>>, vector<16xf32>,
        tpu.vector_store %arg13[%swap3A_464, %swap3A_465, %swap3A_466], %mul3A_461 {strides = array<i32>} : memref<4x16x32xf32, #tpu.memory_space<vmem>>, vector<16xf32>,
        %mul3A_468 = arith.mulf %gather3A_387, %exp3A : vector<16xf32>
        %swap3A_469 = arith.constant 0 : i32
        %swap3A_470 = arith.constant 11 : i32
        %swap3A_471 = arith.index_cast %swap3A_469 : i32 to index
        %swap3A_472 = arith.index_cast %swap3A_470 : i32 to index
        %swap3A_473 = arith.constant 0 : index
        %swap3A_474 = tpu.vector_load %arg13[%swap3A_471, %swap3A_472, %swap3A_473] {strides = array<i32>} : memref<4x16x32xf32, #tpu.memory_space<vmem>>, vector<16xf32>,
        tpu.vector_store %arg13[%swap3A_471, %swap3A_472, %swap3A_473], %mul3A_468 {strides = array<i32>} : memref<4x16x32xf32, #tpu.memory_space<vmem>>, vector<16xf32>,
        %swap3A_475 = arith.constant 0 : i32
        %swap3A_476 = arith.constant 12 : i32
        %swap3A_477 = arith.index_cast %swap3A_475 : i32 to index
        %swap3A_478 = arith.index_cast %swap3A_476 : i32 to index
        %swap3A_479 = arith.constant 0 : index
        %swap3A_480 = tpu.vector_load %arg13[%swap3A_477, %swap3A_478, %swap3A_479] {strides = array<i32>} : memref<4x16x32xf32, #tpu.memory_space<vmem>>, vector<16xf32>,
        tpu.vector_store %arg13[%swap3A_477, %swap3A_478, %swap3A_479], %exp3A {strides = array<i32>} : memref<4x16x32xf32, #tpu.memory_space<vmem>>, vector<16xf32>,
        %get3A_481 = arith.index_cast %add3A_368 : i32 to index
        %get3A_482 = arith.constant 16 : index
        %get3A_483 = tpu.vector_load %arg8[%get3A_481, %get3A_482] {strides = array<i32>} : memref<160x128xi32, #tpu.memory_space<vmem>>, vector<16xi32>,
        %get3A_484 = arith.index_cast %add3A_368 : i32 to index
        %get3A_485 = arith.constant 16 : index
        %get3A_486 = tpu.vector_load %arg9[%get3A_484, %get3A_485] {strides = array<i32>} : memref<160x128xf32, #tpu.memory_space<vmem>>, vector<16xf32>,
        %mul3A_487 = arith.constant -1.000000e+01 : f32
        %mul3A_488 = vector.broadcast %mul3A_487 : f32 to vector<16xf32>
        %mul3A_489 = arith.mulf %get3A_486, %mul3A_488 : vector<16xf32>
        %exp3A_490 = math.exp %mul3A_489 : vector<16xf32>
        %add3A_491 = arith.constant 0 : i32
        %add3A_492 = vector.broadcast %add3A_491 : i32 to vector<16xi32>
        %add3A_493 = arith.addi %get3A_483, %add3A_492 : vector<16xi32>
        %gather3A_494 = tpu.vector_load_idx %arg10[%add3A_493] : memref<30000xf32, #tpu.memory_space<vmem>>[vector<16xi32>], vector<16xf32>,
        %add3A_495 = arith.constant 10000 : i32
        %add3A_496 = vector.broadcast %add3A_495 : i32 to vector<16xi32>
        %add3A_497 = arith.addi %get3A_483, %add3A_496 : vector<16xi32>
        %gather3A_498 = tpu.vector_load_idx %arg10[%add3A_497] : memref<30000xf32, #tpu.memory_space<vmem>>[vector<16xi32>], vector<16xf32>,
        %add3A_499 = arith.constant 20000 : i32
        %add3A_500 = vector.broadcast %add3A_499 : i32 to vector<16xi32>
        %add3A_501 = arith.addi %get3A_483, %add3A_500 : vector<16xi32>
        %gather3A_502 = tpu.vector_load_idx %arg10[%add3A_501] : memref<30000xf32, #tpu.memory_space<vmem>>[vector<16xi32>], vector<16xf32>,
        %mul3A_503 = arith.mulf %gather3A_494, %gather3A_494 : vector<16xf32>
        %mul3A_504 = arith.mulf %mul3A_503, %exp3A_490 : vector<16xf32>
        %swap3A_505 = arith.constant 0 : i32
        %swap3A_506 = arith.constant 0 : i32
        %swap3A_507 = arith.index_cast %swap3A_505 : i32 to index
        %swap3A_508 = arith.index_cast %swap3A_506 : i32 to index
        %swap3A_509 = arith.constant 16 : index
        %swap3A_510 = tpu.vector_load %arg13[%swap3A_507, %swap3A_508, %swap3A_509] {strides = array<i32>} : memref<4x16x32xf32, #tpu.memory_space<vmem>>, vector<16xf32>,
        tpu.vector_store %arg13[%swap3A_507, %swap3A_508, %swap3A_509], %mul3A_504 {strides = array<i32>} : memref<4x16x32xf32, #tpu.memory_space<vmem>>, vector<16xf32>,
        %mul3A_511 = arith.mulf %gather3A_494, %gather3A_498 : vector<16xf32>
        %mul3A_512 = arith.mulf %mul3A_511, %exp3A_490 : vector<16xf32>
        %swap3A_513 = arith.constant 0 : i32
        %swap3A_514 = arith.constant 1 : i32
        %swap3A_515 = arith.index_cast %swap3A_513 : i32 to index
        %swap3A_516 = arith.index_cast %swap3A_514 : i32 to index
        %swap3A_517 = arith.constant 16 : index
        %swap3A_518 = tpu.vector_load %arg13[%swap3A_515, %swap3A_516, %swap3A_517] {strides = array<i32>} : memref<4x16x32xf32, #tpu.memory_space<vmem>>, vector<16xf32>,
        tpu.vector_store %arg13[%swap3A_515, %swap3A_516, %swap3A_517], %mul3A_512 {strides = array<i32>} : memref<4x16x32xf32, #tpu.memory_space<vmem>>, vector<16xf32>,
        %swap3A_519 = arith.constant 0 : i32
        %swap3A_520 = arith.constant 3 : i32
        %swap3A_521 = arith.index_cast %swap3A_519 : i32 to index
        %swap3A_522 = arith.index_cast %swap3A_520 : i32 to index
        %swap3A_523 = arith.constant 16 : index
        %swap3A_524 = tpu.vector_load %arg13[%swap3A_521, %swap3A_522, %swap3A_523] {strides = array<i32>} : memref<4x16x32xf32, #tpu.memory_space<vmem>>, vector<16xf32>,
        tpu.vector_store %arg13[%swap3A_521, %swap3A_522, %swap3A_523], %mul3A_512 {strides = array<i32>} : memref<4x16x32xf32, #tpu.memory_space<vmem>>, vector<16xf32>,
        %mul3A_525 = arith.mulf %gather3A_494, %gather3A_502 : vector<16xf32>
        %mul3A_526 = arith.mulf %mul3A_525, %exp3A_490 : vector<16xf32>
        %swap3A_527 = arith.constant 0 : i32
        %swap3A_528 = arith.constant 2 : i32
        %swap3A_529 = arith.index_cast %swap3A_527 : i32 to index
        %swap3A_530 = arith.index_cast %swap3A_528 : i32 to index
        %swap3A_531 = arith.constant 16 : index
        %swap3A_532 = tpu.vector_load %arg13[%swap3A_529, %swap3A_530, %swap3A_531] {strides = array<i32>} : memref<4x16x32xf32, #tpu.memory_space<vmem>>, vector<16xf32>,
        tpu.vector_store %arg13[%swap3A_529, %swap3A_530, %swap3A_531], %mul3A_526 {strides = array<i32>} : memref<4x16x32xf32, #tpu.memory_space<vmem>>, vector<16xf32>,
        %swap3A_533 = arith.constant 0 : i32
        %swap3A_534 = arith.constant 6 : i32
        %swap3A_535 = arith.index_cast %swap3A_533 : i32 to index
        %swap3A_536 = arith.index_cast %swap3A_534 : i32 to index
        %swap3A_537 = arith.constant 16 : index
        %swap3A_538 = tpu.vector_load %arg13[%swap3A_535, %swap3A_536, %swap3A_537] {strides = array<i32>} : memref<4x16x32xf32, #tpu.memory_space<vmem>>, vector<16xf32>,
        tpu.vector_store %arg13[%swap3A_535, %swap3A_536, %swap3A_537], %mul3A_526 {strides = array<i32>} : memref<4x16x32xf32, #tpu.memory_space<vmem>>, vector<16xf32>,
        %mul3A_539 = arith.mulf %gather3A_494, %exp3A_490 : vector<16xf32>
        %swap3A_540 = arith.constant 0 : i32
        %swap3A_541 = arith.constant 9 : i32
        %swap3A_542 = arith.index_cast %swap3A_540 : i32 to index
        %swap3A_543 = arith.index_cast %swap3A_541 : i32 to index
        %swap3A_544 = arith.constant 16 : index
        %swap3A_545 = tpu.vector_load %arg13[%swap3A_542, %swap3A_543, %swap3A_544] {strides = array<i32>} : memref<4x16x32xf32, #tpu.memory_space<vmem>>, vector<16xf32>,
        tpu.vector_store %arg13[%swap3A_542, %swap3A_543, %swap3A_544], %mul3A_539 {strides = array<i32>} : memref<4x16x32xf32, #tpu.memory_space<vmem>>, vector<16xf32>,
        %mul3A_546 = arith.mulf %gather3A_498, %gather3A_498 : vector<16xf32>
        %mul3A_547 = arith.mulf %mul3A_546, %exp3A_490 : vector<16xf32>
        %swap3A_548 = arith.constant 0 : i32
        %swap3A_549 = arith.constant 4 : i32
        %swap3A_550 = arith.index_cast %swap3A_548 : i32 to index
        %swap3A_551 = arith.index_cast %swap3A_549 : i32 to index
        %swap3A_552 = arith.constant 16 : index
        %swap3A_553 = tpu.vector_load %arg13[%swap3A_550, %swap3A_551, %swap3A_552] {strides = array<i32>} : memref<4x16x32xf32, #tpu.memory_space<vmem>>, vector<16xf32>,
        tpu.vector_store %arg13[%swap3A_550, %swap3A_551, %swap3A_552], %mul3A_547 {strides = array<i32>} : memref<4x16x32xf32, #tpu.memory_space<vmem>>, vector<16xf32>,
        %mul3A_554 = arith.mulf %gather3A_498, %gather3A_502 : vector<16xf32>
        %mul3A_555 = arith.mulf %mul3A_554, %exp3A_490 : vector<16xf32>
        %swap3A_556 = arith.constant 0 : i32
        %swap3A_557 = arith.constant 5 : i32
        %swap3A_558 = arith.index_cast %swap3A_556 : i32 to index
        %swap3A_559 = arith.index_cast %swap3A_557 : i32 to index
        %swap3A_560 = arith.constant 16 : index
        %swap3A_561 = tpu.vector_load %arg13[%swap3A_558, %swap3A_559, %swap3A_560] {strides = array<i32>} : memref<4x16x32xf32, #tpu.memory_space<vmem>>, vector<16xf32>,
        tpu.vector_store %arg13[%swap3A_558, %swap3A_559, %swap3A_560], %mul3A_555 {strides = array<i32>} : memref<4x16x32xf32, #tpu.memory_space<vmem>>, vector<16xf32>,
        %swap3A_562 = arith.constant 0 : i32
        %swap3A_563 = arith.constant 7 : i32
        %swap3A_564 = arith.index_cast %swap3A_562 : i32 to index
        %swap3A_565 = arith.index_cast %swap3A_563 : i32 to index
        %swap3A_566 = arith.constant 16 : index
        %swap3A_567 = tpu.vector_load %arg13[%swap3A_564, %swap3A_565, %swap3A_566] {strides = array<i32>} : memref<4x16x32xf32, #tpu.memory_space<vmem>>, vector<16xf32>,
        tpu.vector_store %arg13[%swap3A_564, %swap3A_565, %swap3A_566], %mul3A_555 {strides = array<i32>} : memref<4x16x32xf32, #tpu.memory_space<vmem>>, vector<16xf32>,
        %mul3A_568 = arith.mulf %gather3A_498, %exp3A_490 : vector<16xf32>
        %swap3A_569 = arith.constant 0 : i32
        %swap3A_570 = arith.constant 10 : i32
        %swap3A_571 = arith.index_cast %swap3A_569 : i32 to index
        %swap3A_572 = arith.index_cast %swap3A_570 : i32 to index
        %swap3A_573 = arith.constant 16 : index
        %swap3A_574 = tpu.vector_load %arg13[%swap3A_571, %swap3A_572, %swap3A_573] {strides = array<i32>} : memref<4x16x32xf32, #tpu.memory_space<vmem>>, vector<16xf32>,
        tpu.vector_store %arg13[%swap3A_571, %swap3A_572, %swap3A_573], %mul3A_568 {strides = array<i32>} : memref<4x16x32xf32, #tpu.memory_space<vmem>>, vector<16xf32>,
        %mul3A_575 = arith.mulf %gather3A_502, %gather3A_502 : vector<16xf32>
        %mul3A_576 = arith.mulf %mul3A_575, %exp3A_490 : vector<16xf32>
        %swap3A_577 = arith.constant 0 : i32
        %swap3A_578 = arith.constant 8 : i32
        %swap3A_579 = arith.index_cast %swap3A_577 : i32 to index
        %swap3A_580 = arith.index_cast %swap3A_578 : i32 to index
        %swap3A_581 = arith.constant 16 : index
        %swap3A_582 = tpu.vector_load %arg13[%swap3A_579, %swap3A_580, %swap3A_581] {strides = array<i32>} : memref<4x16x32xf32, #tpu.memory_space<vmem>>, vector<16xf32>,
        tpu.vector_store %arg13[%swap3A_579, %swap3A_580, %swap3A_581], %mul3A_576 {strides = array<i32>} : memref<4x16x32xf32, #tpu.memory_space<vmem>>, vector<16xf32>,
        %mul3A_583 = arith.mulf %gather3A_502, %exp3A_490 : vector<16xf32>
        %swap3A_584 = arith.constant 0 : i32
        %swap3A_585 = arith.constant 11 : i32
        %swap3A_586 = arith.index_cast %swap3A_584 : i32 to index
        %swap3A_587 = arith.index_cast %swap3A_585 : i32 to index
        %swap3A_588 = arith.constant 16 : index
        %swap3A_589 = tpu.vector_load %arg13[%swap3A_586, %swap3A_587, %swap3A_588] {strides = array<i32>} : memref<4x16x32xf32, #tpu.memory_space<vmem>>, vector<16xf32>,
        tpu.vector_store %arg13[%swap3A_586, %swap3A_587, %swap3A_588], %mul3A_583 {strides = array<i32>} : memref<4x16x32xf32, #tpu.memory_space<vmem>>, vector<16xf32>,
        %swap3A_590 = arith.constant 0 : i32
        %swap3A_591 = arith.constant 12 : i32
        %swap3A_592 = arith.index_cast %swap3A_590 : i32 to index
        %swap3A_593 = arith.index_cast %swap3A_591 : i32 to index
        %swap3A_594 = arith.constant 16 : index
        %swap3A_595 = tpu.vector_load %arg13[%swap3A_592, %swap3A_593, %swap3A_594] {strides = array<i32>} : memref<4x16x32xf32, #tpu.memory_space<vmem>>, vector<16xf32>,
        tpu.vector_store %arg13[%swap3A_592, %swap3A_593, %swap3A_594], %exp3A_490 {strides = array<i32>} : memref<4x16x32xf32, #tpu.memory_space<vmem>>, vector<16xf32>,
        %get3A_596 = arith.index_cast %add3A_368 : i32 to index
        %get3A_597 = arith.constant 32 : index
        %get3A_598 = tpu.vector_load %arg8[%get3A_596, %get3A_597] {strides = array<i32>} : memref<160x128xi32, #tpu.memory_space<vmem>>, vector<16xi32>,
        %get3A_599 = arith.index_cast %add3A_368 : i32 to index
        %get3A_600 = arith.constant 32 : index
        %get3A_601 = tpu.vector_load %arg9[%get3A_599, %get3A_600] {strides = array<i32>} : memref<160x128xf32, #tpu.memory_space<vmem>>, vector<16xf32>,
        %mul3A_602 = arith.constant -1.000000e+01 : f32
        %mul3A_603 = vector.broadcast %mul3A_602 : f32 to vector<16xf32>
        %mul3A_604 = arith.mulf %get3A_601, %mul3A_603 : vector<16xf32>
        %exp3A_605 = math.exp %mul3A_604 : vector<16xf32>
        %add3A_606 = arith.constant 0 : i32
        %add3A_607 = vector.broadcast %add3A_606 : i32 to vector<16xi32>
        %add3A_608 = arith.addi %get3A_598, %add3A_607 : vector<16xi32>
        %gather3A_609 = tpu.vector_load_idx %arg10[%add3A_608] : memref<30000xf32, #tpu.memory_space<vmem>>[vector<16xi32>], vector<16xf32>,
        %add3A_610 = arith.constant 10000 : i32
        %add3A_611 = vector.broadcast %add3A_610 : i32 to vector<16xi32>
        %add3A_612 = arith.addi %get3A_598, %add3A_611 : vector<16xi32>
        %gather3A_613 = tpu.vector_load_idx %arg10[%add3A_612] : memref<30000xf32, #tpu.memory_space<vmem>>[vector<16xi32>], vector<16xf32>,
        %add3A_614 = arith.constant 20000 : i32
        %add3A_615 = vector.broadcast %add3A_614 : i32 to vector<16xi32>
        %add3A_616 = arith.addi %get3A_598, %add3A_615 : vector<16xi32>
        %gather3A_617 = tpu.vector_load_idx %arg10[%add3A_616] : memref<30000xf32, #tpu.memory_space<vmem>>[vector<16xi32>], vector<16xf32>,
        %mul3A_618 = arith.mulf %gather3A_609, %gather3A_609 : vector<16xf32>
        %mul3A_619 = arith.mulf %mul3A_618, %exp3A_605 : vector<16xf32>
        %swap3A_620 = arith.constant 1 : i32
        %swap3A_621 = arith.constant 0 : i32
        %swap3A_622 = arith.index_cast %swap3A_620 : i32 to index
        %swap3A_623 = arith.index_cast %swap3A_621 : i32 to index
        %swap3A_624 = arith.constant 0 : index
        %swap3A_625 = tpu.vector_load %arg13[%swap3A_622, %swap3A_623, %swap3A_624] {strides = array<i32>} : memref<4x16x32xf32, #tpu.memory_space<vmem>>, vector<16xf32>,
        tpu.vector_store %arg13[%swap3A_622, %swap3A_623, %swap3A_624], %mul3A_619 {strides = array<i32>} : memref<4x16x32xf32, #tpu.memory_space<vmem>>, vector<16xf32>,
        %mul3A_626 = arith.mulf %gather3A_609, %gather3A_613 : vector<16xf32>
        %mul3A_627 = arith.mulf %mul3A_626, %exp3A_605 : vector<16xf32>
        %swap3A_628 = arith.constant 1 : i32
        %swap3A_629 = arith.constant 1 : i32
        %swap3A_630 = arith.index_cast %swap3A_628 : i32 to index
        %swap3A_631 = arith.index_cast %swap3A_629 : i32 to index
        %swap3A_632 = arith.constant 0 : index
        %swap3A_633 = tpu.vector_load %arg13[%swap3A_630, %swap3A_631, %swap3A_632] {strides = array<i32>} : memref<4x16x32xf32, #tpu.memory_space<vmem>>, vector<16xf32>,
        tpu.vector_store %arg13[%swap3A_630, %swap3A_631, %swap3A_632], %mul3A_627 {strides = array<i32>} : memref<4x16x32xf32, #tpu.memory_space<vmem>>, vector<16xf32>,
        %swap3A_634 = arith.constant 1 : i32
        %swap3A_635 = arith.constant 3 : i32
        %swap3A_636 = arith.index_cast %swap3A_634 : i32 to index
        %swap3A_637 = arith.index_cast %swap3A_635 : i32 to index
        %swap3A_638 = arith.constant 0 : index
        %swap3A_639 = tpu.vector_load %arg13[%swap3A_636, %swap3A_637, %swap3A_638] {strides = array<i32>} : memref<4x16x32xf32, #tpu.memory_space<vmem>>, vector<16xf32>,
        tpu.vector_store %arg13[%swap3A_636, %swap3A_637, %swap3A_638], %mul3A_627 {strides = array<i32>} : memref<4x16x32xf32, #tpu.memory_space<vmem>>, vector<16xf32>,
        %mul3A_640 = arith.mulf %gather3A_609, %gather3A_617 : vector<16xf32>
        %mul3A_641 = arith.mulf %mul3A_640, %exp3A_605 : vector<16xf32>
        %swap3A_642 = arith.constant 1 : i32
        %swap3A_643 = arith.constant 2 : i32
        %swap3A_644 = arith.index_cast %swap3A_642 : i32 to index
        %swap3A_645 = arith.index_cast %swap3A_643 : i32 to index
        %swap3A_646 = arith.constant 0 : index
        %swap3A_647 = tpu.vector_load %arg13[%swap3A_644, %swap3A_645, %swap3A_646] {strides = array<i32>} : memref<4x16x32xf32, #tpu.memory_space<vmem>>, vector<16xf32>,
        tpu.vector_store %arg13[%swap3A_644, %swap3A_645, %swap3A_646], %mul3A_641 {strides = array<i32>} : memref<4x16x32xf32, #tpu.memory_space<vmem>>, vector<16xf32>,
        %swap3A_648 = arith.constant 1 : i32
        %swap3A_649 = arith.constant 6 : i32
        %swap3A_650 = arith.index_cast %swap3A_648 : i32 to index
        %swap3A_651 = arith.index_cast %swap3A_649 : i32 to index
        %swap3A_652 = arith.constant 0 : index
        %swap3A_653 = tpu.vector_load %arg13[%swap3A_650, %swap3A_651, %swap3A_652] {strides = array<i32>} : memref<4x16x32xf32, #tpu.memory_space<vmem>>, vector<16xf32>,
        tpu.vector_store %arg13[%swap3A_650, %swap3A_651, %swap3A_652], %mul3A_641 {strides = array<i32>} : memref<4x16x32xf32, #tpu.memory_space<vmem>>, vector<16xf32>,
        %mul3A_654 = arith.mulf %gather3A_609, %exp3A_605 : vector<16xf32>
        %swap3A_655 = arith.constant 1 : i32
        %swap3A_656 = arith.constant 9 : i32
        %swap3A_657 = arith.index_cast %swap3A_655 : i32 to index
        %swap3A_658 = arith.index_cast %swap3A_656 : i32 to index
        %swap3A_659 = arith.constant 0 : index
        %swap3A_660 = tpu.vector_load %arg13[%swap3A_657, %swap3A_658, %swap3A_659] {strides = array<i32>} : memref<4x16x32xf32, #tpu.memory_space<vmem>>, vector<16xf32>,
        tpu.vector_store %arg13[%swap3A_657, %swap3A_658, %swap3A_659], %mul3A_654 {strides = array<i32>} : memref<4x16x32xf32, #tpu.memory_space<vmem>>, vector<16xf32>,
        %mul3A_661 = arith.mulf %gather3A_613, %gather3A_613 : vector<16xf32>
        %mul3A_662 = arith.mulf %mul3A_661, %exp3A_605 : vector<16xf32>
        %swap3A_663 = arith.constant 1 : i32
        %swap3A_664 = arith.constant 4 : i32
        %swap3A_665 = arith.index_cast %swap3A_663 : i32 to index
        %swap3A_666 = arith.index_cast %swap3A_664 : i32 to index
        %swap3A_667 = arith.constant 0 : index
        %swap3A_668 = tpu.vector_load %arg13[%swap3A_665, %swap3A_666, %swap3A_667] {strides = array<i32>} : memref<4x16x32xf32, #tpu.memory_space<vmem>>, vector<16xf32>,
        tpu.vector_store %arg13[%swap3A_665, %swap3A_666, %swap3A_667], %mul3A_662 {strides = array<i32>} : memref<4x16x32xf32, #tpu.memory_space<vmem>>, vector<16xf32>,
        %mul3A_669 = arith.mulf %gather3A_613, %gather3A_617 : vector<16xf32>
        %mul3A_670 = arith.mulf %mul3A_669, %exp3A_605 : vector<16xf32>
        %swap3A_671 = arith.constant 1 : i32
        %swap3A_672 = arith.constant 5 : i32
        %swap3A_673 = arith.index_cast %swap3A_671 : i32 to index
        %swap3A_674 = arith.index_cast %swap3A_672 : i32 to index
        %swap3A_675 = arith.constant 0 : index
        %swap3A_676 = tpu.vector_load %arg13[%swap3A_673, %swap3A_674, %swap3A_675] {strides = array<i32>} : memref<4x16x32xf32, #tpu.memory_space<vmem>>, vector<16xf32>,
        tpu.vector_store %arg13[%swap3A_673, %swap3A_674, %swap3A_675], %mul3A_670 {strides = array<i32>} : memref<4x16x32xf32, #tpu.memory_space<vmem>>, vector<16xf32>,
        %swap3A_677 = arith.constant 1 : i32
        %swap3A_678 = arith.constant 7 : i32
        %swap3A_679 = arith.index_cast %swap3A_677 : i32 to index
        %swap3A_680 = arith.index_cast %swap3A_678 : i32 to index
        %swap3A_681 = arith.constant 0 : index
        %swap3A_682 = tpu.vector_load %arg13[%swap3A_679, %swap3A_680, %swap3A_681] {strides = array<i32>} : memref<4x16x32xf32, #tpu.memory_space<vmem>>, vector<16xf32>,
        tpu.vector_store %arg13[%swap3A_679, %swap3A_680, %swap3A_681], %mul3A_670 {strides = array<i32>} : memref<4x16x32xf32, #tpu.memory_space<vmem>>, vector<16xf32>,
        %mul3A_683 = arith.mulf %gather3A_613, %exp3A_605 : vector<16xf32>
        %swap3A_684 = arith.constant 1 : i32
        %swap3A_685 = arith.constant 10 : i32
        %swap3A_686 = arith.index_cast %swap3A_684 : i32 to index
        %swap3A_687 = arith.index_cast %swap3A_685 : i32 to index
        %swap3A_688 = arith.constant 0 : index
        %swap3A_689 = tpu.vector_load %arg13[%swap3A_686, %swap3A_687, %swap3A_688] {strides = array<i32>} : memref<4x16x32xf32, #tpu.memory_space<vmem>>, vector<16xf32>,
        tpu.vector_store %arg13[%swap3A_686, %swap3A_687, %swap3A_688], %mul3A_683 {strides = array<i32>} : memref<4x16x32xf32, #tpu.memory_space<vmem>>, vector<16xf32>,
        %mul3A_690 = arith.mulf %gather3A_617, %gather3A_617 : vector<16xf32>
        %mul3A_691 = arith.mulf %mul3A_690, %exp3A_605 : vector<16xf32>
        %swap3A_692 = arith.constant 1 : i32
        %swap3A_693 = arith.constant 8 : i32
        %swap3A_694 = arith.index_cast %swap3A_692 : i32 to index
        %swap3A_695 = arith.index_cast %swap3A_693 : i32 to index
        %swap3A_696 = arith.constant 0 : index
        %swap3A_697 = tpu.vector_load %arg13[%swap3A_694, %swap3A_695, %swap3A_696] {strides = array<i32>} : memref<4x16x32xf32, #tpu.memory_space<vmem>>, vector<16xf32>,
        tpu.vector_store %arg13[%swap3A_694, %swap3A_695, %swap3A_696], %mul3A_691 {strides = array<i32>} : memref<4x16x32xf32, #tpu.memory_space<vmem>>, vector<16xf32>,
        %mul3A_698 = arith.mulf %gather3A_617, %exp3A_605 : vector<16xf32>
        %swap3A_699 = arith.constant 1 : i32
        %swap3A_700 = arith.constant 11 : i32
        %swap3A_701 = arith.index_cast %swap3A_699 : i32 to index
        %swap3A_702 = arith.index_cast %swap3A_700 : i32 to index
        %swap3A_703 = arith.constant 0 : index
        %swap3A_704 = tpu.vector_load %arg13[%swap3A_701, %swap3A_702, %swap3A_703] {strides = array<i32>} : memref<4x16x32xf32, #tpu.memory_space<vmem>>, vector<16xf32>,
        tpu.vector_store %arg13[%swap3A_701, %swap3A_702, %swap3A_703], %mul3A_698 {strides = array<i32>} : memref<4x16x32xf32, #tpu.memory_space<vmem>>, vector<16xf32>,
        %swap3A_705 = arith.constant 1 : i32
        %swap3A_706 = arith.constant 12 : i32
        %swap3A_707 = arith.index_cast %swap3A_705 : i32 to index
        %swap3A_708 = arith.index_cast %swap3A_706 : i32 to index
        %swap3A_709 = arith.constant 0 : index
        %swap3A_710 = tpu.vector_load %arg13[%swap3A_707, %swap3A_708, %swap3A_709] {strides = array<i32>} : memref<4x16x32xf32, #tpu.memory_space<vmem>>, vector<16xf32>,
        tpu.vector_store %arg13[%swap3A_707, %swap3A_708, %swap3A_709], %exp3A_605 {strides = array<i32>} : memref<4x16x32xf32, #tpu.memory_space<vmem>>, vector<16xf32>,
        %get3A_711 = arith.index_cast %add3A_368 : i32 to index
        %get3A_712 = arith.constant 48 : index
        %get3A_713 = tpu.vector_load %arg8[%get3A_711, %get3A_712] {strides = array<i32>} : memref<160x128xi32, #tpu.memory_space<vmem>>, vector<16xi32>,
        %get3A_714 = arith.index_cast %add3A_368 : i32 to index
        %get3A_715 = arith.constant 48 : index
        %get3A_716 = tpu.vector_load %arg9[%get3A_714, %get3A_715] {strides = array<i32>} : memref<160x128xf32, #tpu.memory_space<vmem>>, vector<16xf32>,
        %mul3A_717 = arith.constant -1.000000e+01 : f32
        %mul3A_718 = vector.broadcast %mul3A_717 : f32 to vector<16xf32>
        %mul3A_719 = arith.mulf %get3A_716, %mul3A_718 : vector<16xf32>
        %exp3A_720 = math.exp %mul3A_719 : vector<16xf32>
        %add3A_721 = arith.constant 0 : i32
        %add3A_722 = vector.broadcast %add3A_721 : i32 to vector<16xi32>
        %add3A_723 = arith.addi %get3A_713, %add3A_722 : vector<16xi32>
        %gather3A_724 = tpu.vector_load_idx %arg10[%add3A_723] : memref<30000xf32, #tpu.memory_space<vmem>>[vector<16xi32>], vector<16xf32>,
        %add3A_725 = arith.constant 10000 : i32
        %add3A_726 = vector.broadcast %add3A_725 : i32 to vector<16xi32>
        %add3A_727 = arith.addi %get3A_713, %add3A_726 : vector<16xi32>
        %gather3A_728 = tpu.vector_load_idx %arg10[%add3A_727] : memref<30000xf32, #tpu.memory_space<vmem>>[vector<16xi32>], vector<16xf32>,
        %add3A_729 = arith.constant 20000 : i32
        %add3A_730 = vector.broadcast %add3A_729 : i32 to vector<16xi32>
        %add3A_731 = arith.addi %get3A_713, %add3A_730 : vector<16xi32>
        %gather3A_732 = tpu.vector_load_idx %arg10[%add3A_731] : memref<30000xf32, #tpu.memory_space<vmem>>[vector<16xi32>], vector<16xf32>,
        %mul3A_733 = arith.mulf %gather3A_724, %gather3A_724 : vector<16xf32>
        %mul3A_734 = arith.mulf %mul3A_733, %exp3A_720 : vector<16xf32>
        %swap3A_735 = arith.constant 1 : i32
        %swap3A_736 = arith.constant 0 : i32
        %swap3A_737 = arith.index_cast %swap3A_735 : i32 to index
        %swap3A_738 = arith.index_cast %swap3A_736 : i32 to index
        %swap3A_739 = arith.constant 16 : index
        %swap3A_740 = tpu.vector_load %arg13[%swap3A_737, %swap3A_738, %swap3A_739] {strides = array<i32>} : memref<4x16x32xf32, #tpu.memory_space<vmem>>, vector<16xf32>,
        tpu.vector_store %arg13[%swap3A_737, %swap3A_738, %swap3A_739], %mul3A_734 {strides = array<i32>} : memref<4x16x32xf32, #tpu.memory_space<vmem>>, vector<16xf32>,
        %mul3A_741 = arith.mulf %gather3A_724, %gather3A_728 : vector<16xf32>
        %mul3A_742 = arith.mulf %mul3A_741, %exp3A_720 : vector<16xf32>
        %swap3A_743 = arith.constant 1 : i32
        %swap3A_744 = arith.constant 1 : i32
        %swap3A_745 = arith.index_cast %swap3A_743 : i32 to index
        %swap3A_746 = arith.index_cast %swap3A_744 : i32 to index
        %swap3A_747 = arith.constant 16 : index
        %swap3A_748 = tpu.vector_load %arg13[%swap3A_745, %swap3A_746, %swap3A_747] {strides = array<i32>} : memref<4x16x32xf32, #tpu.memory_space<vmem>>, vector<16xf32>,
        tpu.vector_store %arg13[%swap3A_745, %swap3A_746, %swap3A_747], %mul3A_742 {strides = array<i32>} : memref<4x16x32xf32, #tpu.memory_space<vmem>>, vector<16xf32>,
        %swap3A_749 = arith.constant 1 : i32
        %swap3A_750 = arith.constant 3 : i32
        %swap3A_751 = arith.index_cast %swap3A_749 : i32 to index
        %swap3A_752 = arith.index_cast %swap3A_750 : i32 to index
        %swap3A_753 = arith.constant 16 : index
        %swap3A_754 = tpu.vector_load %arg13[%swap3A_751, %swap3A_752, %swap3A_753] {strides = array<i32>} : memref<4x16x32xf32, #tpu.memory_space<vmem>>, vector<16xf32>,
        tpu.vector_store %arg13[%swap3A_751, %swap3A_752, %swap3A_753], %mul3A_742 {strides = array<i32>} : memref<4x16x32xf32, #tpu.memory_space<vmem>>, vector<16xf32>,
        %mul3A_755 = arith.mulf %gather3A_724, %gather3A_732 : vector<16xf32>
        %mul3A_756 = arith.mulf %mul3A_755, %exp3A_720 : vector<16xf32>
        %swap3A_757 = arith.constant 1 : i32
        %swap3A_758 = arith.constant 2 : i32
        %swap3A_759 = arith.index_cast %swap3A_757 : i32 to index
        %swap3A_760 = arith.index_cast %swap3A_758 : i32 to index
        %swap3A_761 = arith.constant 16 : index
        %swap3A_762 = tpu.vector_load %arg13[%swap3A_759, %swap3A_760, %swap3A_761] {strides = array<i32>} : memref<4x16x32xf32, #tpu.memory_space<vmem>>, vector<16xf32>,
        tpu.vector_store %arg13[%swap3A_759, %swap3A_760, %swap3A_761], %mul3A_756 {strides = array<i32>} : memref<4x16x32xf32, #tpu.memory_space<vmem>>, vector<16xf32>,
        %swap3A_763 = arith.constant 1 : i32
        %swap3A_764 = arith.constant 6 : i32
        %swap3A_765 = arith.index_cast %swap3A_763 : i32 to index
        %swap3A_766 = arith.index_cast %swap3A_764 : i32 to index
        %swap3A_767 = arith.constant 16 : index
        %swap3A_768 = tpu.vector_load %arg13[%swap3A_765, %swap3A_766, %swap3A_767] {strides = array<i32>} : memref<4x16x32xf32, #tpu.memory_space<vmem>>, vector<16xf32>,
        tpu.vector_store %arg13[%swap3A_765, %swap3A_766, %swap3A_767], %mul3A_756 {strides = array<i32>} : memref<4x16x32xf32, #tpu.memory_space<vmem>>, vector<16xf32>,
        %mul3A_769 = arith.mulf %gather3A_724, %exp3A_720 : vector<16xf32>
        %swap3A_770 = arith.constant 1 : i32
        %swap3A_771 = arith.constant 9 : i32
        %swap3A_772 = arith.index_cast %swap3A_770 : i32 to index
        %swap3A_773 = arith.index_cast %swap3A_771 : i32 to index
        %swap3A_774 = arith.constant 16 : index
        %swap3A_775 = tpu.vector_load %arg13[%swap3A_772, %swap3A_773, %swap3A_774] {strides = array<i32>} : memref<4x16x32xf32, #tpu.memory_space<vmem>>, vector<16xf32>,
        tpu.vector_store %arg13[%swap3A_772, %swap3A_773, %swap3A_774], %mul3A_769 {strides = array<i32>} : memref<4x16x32xf32, #tpu.memory_space<vmem>>, vector<16xf32>,
        %mul3A_776 = arith.mulf %gather3A_728, %gather3A_728 : vector<16xf32>
        %mul3A_777 = arith.mulf %mul3A_776, %exp3A_720 : vector<16xf32>
        %swap3A_778 = arith.constant 1 : i32
        %swap3A_779 = arith.constant 4 : i32
        %swap3A_780 = arith.index_cast %swap3A_778 : i32 to index
        %swap3A_781 = arith.index_cast %swap3A_779 : i32 to index
        %swap3A_782 = arith.constant 16 : index
        %swap3A_783 = tpu.vector_load %arg13[%swap3A_780, %swap3A_781, %swap3A_782] {strides = array<i32>} : memref<4x16x32xf32, #tpu.memory_space<vmem>>, vector<16xf32>,
        tpu.vector_store %arg13[%swap3A_780, %swap3A_781, %swap3A_782], %mul3A_777 {strides = array<i32>} : memref<4x16x32xf32, #tpu.memory_space<vmem>>, vector<16xf32>,
        %mul3A_784 = arith.mulf %gather3A_728, %gather3A_732 : vector<16xf32>
        %mul3A_785 = arith.mulf %mul3A_784, %exp3A_720 : vector<16xf32>
        %swap3A_786 = arith.constant 1 : i32
        %swap3A_787 = arith.constant 5 : i32
        %swap3A_788 = arith.index_cast %swap3A_786 : i32 to index
        %swap3A_789 = arith.index_cast %swap3A_787 : i32 to index
        %swap3A_790 = arith.constant 16 : index
        %swap3A_791 = tpu.vector_load %arg13[%swap3A_788, %swap3A_789, %swap3A_790] {strides = array<i32>} : memref<4x16x32xf32, #tpu.memory_space<vmem>>, vector<16xf32>,
        tpu.vector_store %arg13[%swap3A_788, %swap3A_789, %swap3A_790], %mul3A_785 {strides = array<i32>} : memref<4x16x32xf32, #tpu.memory_space<vmem>>, vector<16xf32>,
        %swap3A_792 = arith.constant 1 : i32
        %swap3A_793 = arith.constant 7 : i32
        %swap3A_794 = arith.index_cast %swap3A_792 : i32 to index
        %swap3A_795 = arith.index_cast %swap3A_793 : i32 to index
        %swap3A_796 = arith.constant 16 : index
        %swap3A_797 = tpu.vector_load %arg13[%swap3A_794, %swap3A_795, %swap3A_796] {strides = array<i32>} : memref<4x16x32xf32, #tpu.memory_space<vmem>>, vector<16xf32>,
        tpu.vector_store %arg13[%swap3A_794, %swap3A_795, %swap3A_796], %mul3A_785 {strides = array<i32>} : memref<4x16x32xf32, #tpu.memory_space<vmem>>, vector<16xf32>,
        %mul3A_798 = arith.mulf %gather3A_728, %exp3A_720 : vector<16xf32>
        %swap3A_799 = arith.constant 1 : i32
        %swap3A_800 = arith.constant 10 : i32
        %swap3A_801 = arith.index_cast %swap3A_799 : i32 to index
        %swap3A_802 = arith.index_cast %swap3A_800 : i32 to index
        %swap3A_803 = arith.constant 16 : index
        %swap3A_804 = tpu.vector_load %arg13[%swap3A_801, %swap3A_802, %swap3A_803] {strides = array<i32>} : memref<4x16x32xf32, #tpu.memory_space<vmem>>, vector<16xf32>,
        tpu.vector_store %arg13[%swap3A_801, %swap3A_802, %swap3A_803], %mul3A_798 {strides = array<i32>} : memref<4x16x32xf32, #tpu.memory_space<vmem>>, vector<16xf32>,
        %mul3A_805 = arith.mulf %gather3A_732, %gather3A_732 : vector<16xf32>
        %mul3A_806 = arith.mulf %mul3A_805, %exp3A_720 : vector<16xf32>
        %swap3A_807 = arith.constant 1 : i32
        %swap3A_808 = arith.constant 8 : i32
        %swap3A_809 = arith.index_cast %swap3A_807 : i32 to index
        %swap3A_810 = arith.index_cast %swap3A_808 : i32 to index
        %swap3A_811 = arith.constant 16 : index
        %swap3A_812 = tpu.vector_load %arg13[%swap3A_809, %swap3A_810, %swap3A_811] {strides = array<i32>} : memref<4x16x32xf32, #tpu.memory_space<vmem>>, vector<16xf32>,
        tpu.vector_store %arg13[%swap3A_809, %swap3A_810, %swap3A_811], %mul3A_806 {strides = array<i32>} : memref<4x16x32xf32, #tpu.memory_space<vmem>>, vector<16xf32>,
        %mul3A_813 = arith.mulf %gather3A_732, %exp3A_720 : vector<16xf32>
        %swap3A_814 = arith.constant 1 : i32
        %swap3A_815 = arith.constant 11 : i32
        %swap3A_816 = arith.index_cast %swap3A_814 : i32 to index
        %swap3A_817 = arith.index_cast %swap3A_815 : i32 to index
        %swap3A_818 = arith.constant 16 : index
        %swap3A_819 = tpu.vector_load %arg13[%swap3A_816, %swap3A_817, %swap3A_818] {strides = array<i32>} : memref<4x16x32xf32, #tpu.memory_space<vmem>>, vector<16xf32>,
        tpu.vector_store %arg13[%swap3A_816, %swap3A_817, %swap3A_818], %mul3A_813 {strides = array<i32>} : memref<4x16x32xf32, #tpu.memory_space<vmem>>, vector<16xf32>,
        %swap3A_820 = arith.constant 1 : i32
        %swap3A_821 = arith.constant 12 : i32
        %swap3A_822 = arith.index_cast %swap3A_820 : i32 to index
        %swap3A_823 = arith.index_cast %swap3A_821 : i32 to index
        %swap3A_824 = arith.constant 16 : index
        %swap3A_825 = tpu.vector_load %arg13[%swap3A_822, %swap3A_823, %swap3A_824] {strides = array<i32>} : memref<4x16x32xf32, #tpu.memory_space<vmem>>, vector<16xf32>,
        tpu.vector_store %arg13[%swap3A_822, %swap3A_823, %swap3A_824], %exp3A_720 {strides = array<i32>} : memref<4x16x32xf32, #tpu.memory_space<vmem>>, vector<16xf32>,
        %get3A_826 = arith.index_cast %add3A_368 : i32 to index
        %get3A_827 = arith.constant 64 : index
        %get3A_828 = tpu.vector_load %arg8[%get3A_826, %get3A_827] {strides = array<i32>} : memref<160x128xi32, #tpu.memory_space<vmem>>, vector<16xi32>,
        %get3A_829 = arith.index_cast %add3A_368 : i32 to index
        %get3A_830 = arith.constant 64 : index
        %get3A_831 = tpu.vector_load %arg9[%get3A_829, %get3A_830] {strides = array<i32>} : memref<160x128xf32, #tpu.memory_space<vmem>>, vector<16xf32>,
        %mul3A_832 = arith.constant -1.000000e+01 : f32
        %mul3A_833 = vector.broadcast %mul3A_832 : f32 to vector<16xf32>
        %mul3A_834 = arith.mulf %get3A_831, %mul3A_833 : vector<16xf32>
        %exp3A_835 = math.exp %mul3A_834 : vector<16xf32>
        %add3A_836 = arith.constant 0 : i32
        %add3A_837 = vector.broadcast %add3A_836 : i32 to vector<16xi32>
        %add3A_838 = arith.addi %get3A_828, %add3A_837 : vector<16xi32>
        %gather3A_839 = tpu.vector_load_idx %arg10[%add3A_838] : memref<30000xf32, #tpu.memory_space<vmem>>[vector<16xi32>], vector<16xf32>,
        %add3A_840 = arith.constant 10000 : i32
        %add3A_841 = vector.broadcast %add3A_840 : i32 to vector<16xi32>
        %add3A_842 = arith.addi %get3A_828, %add3A_841 : vector<16xi32>
        %gather3A_843 = tpu.vector_load_idx %arg10[%add3A_842] : memref<30000xf32, #tpu.memory_space<vmem>>[vector<16xi32>], vector<16xf32>,
        %add3A_844 = arith.constant 20000 : i32
        %add3A_845 = vector.broadcast %add3A_844 : i32 to vector<16xi32>
        %add3A_846 = arith.addi %get3A_828, %add3A_845 : vector<16xi32>
        %gather3A_847 = tpu.vector_load_idx %arg10[%add3A_846] : memref<30000xf32, #tpu.memory_space<vmem>>[vector<16xi32>], vector<16xf32>,
        %mul3A_848 = arith.mulf %gather3A_839, %gather3A_839 : vector<16xf32>
        %mul3A_849 = arith.mulf %mul3A_848, %exp3A_835 : vector<16xf32>
        %swap3A_850 = arith.constant 2 : i32
        %swap3A_851 = arith.constant 0 : i32
        %swap3A_852 = arith.index_cast %swap3A_850 : i32 to index
        %swap3A_853 = arith.index_cast %swap3A_851 : i32 to index
        %swap3A_854 = arith.constant 0 : index
        %swap3A_855 = tpu.vector_load %arg13[%swap3A_852, %swap3A_853, %swap3A_854] {strides = array<i32>} : memref<4x16x32xf32, #tpu.memory_space<vmem>>, vector<16xf32>,
        tpu.vector_store %arg13[%swap3A_852, %swap3A_853, %swap3A_854], %mul3A_849 {strides = array<i32>} : memref<4x16x32xf32, #tpu.memory_space<vmem>>, vector<16xf32>,
        %mul3A_856 = arith.mulf %gather3A_839, %gather3A_843 : vector<16xf32>
        %mul3A_857 = arith.mulf %mul3A_856, %exp3A_835 : vector<16xf32>
        %swap3A_858 = arith.constant 2 : i32
        %swap3A_859 = arith.constant 1 : i32
        %swap3A_860 = arith.index_cast %swap3A_858 : i32 to index
        %swap3A_861 = arith.index_cast %swap3A_859 : i32 to index
        %swap3A_862 = arith.constant 0 : index
        %swap3A_863 = tpu.vector_load %arg13[%swap3A_860, %swap3A_861, %swap3A_862] {strides = array<i32>} : memref<4x16x32xf32, #tpu.memory_space<vmem>>, vector<16xf32>,
        tpu.vector_store %arg13[%swap3A_860, %swap3A_861, %swap3A_862], %mul3A_857 {strides = array<i32>} : memref<4x16x32xf32, #tpu.memory_space<vmem>>, vector<16xf32>,
        %swap3A_864 = arith.constant 2 : i32
        %swap3A_865 = arith.constant 3 : i32
        %swap3A_866 = arith.index_cast %swap3A_864 : i32 to index
        %swap3A_867 = arith.index_cast %swap3A_865 : i32 to index
        %swap3A_868 = arith.constant 0 : index
        %swap3A_869 = tpu.vector_load %arg13[%swap3A_866, %swap3A_867, %swap3A_868] {strides = array<i32>} : memref<4x16x32xf32, #tpu.memory_space<vmem>>, vector<16xf32>,
        tpu.vector_store %arg13[%swap3A_866, %swap3A_867, %swap3A_868], %mul3A_857 {strides = array<i32>} : memref<4x16x32xf32, #tpu.memory_space<vmem>>, vector<16xf32>,
        %mul3A_870 = arith.mulf %gather3A_839, %gather3A_847 : vector<16xf32>
        %mul3A_871 = arith.mulf %mul3A_870, %exp3A_835 : vector<16xf32>
        %swap3A_872 = arith.constant 2 : i32
        %swap3A_873 = arith.constant 2 : i32
        %swap3A_874 = arith.index_cast %swap3A_872 : i32 to index
        %swap3A_875 = arith.index_cast %swap3A_873 : i32 to index
        %swap3A_876 = arith.constant 0 : index
        %swap3A_877 = tpu.vector_load %arg13[%swap3A_874, %swap3A_875, %swap3A_876] {strides = array<i32>} : memref<4x16x32xf32, #tpu.memory_space<vmem>>, vector<16xf32>,
        tpu.vector_store %arg13[%swap3A_874, %swap3A_875, %swap3A_876], %mul3A_871 {strides = array<i32>} : memref<4x16x32xf32, #tpu.memory_space<vmem>>, vector<16xf32>,
        %swap3A_878 = arith.constant 2 : i32
        %swap3A_879 = arith.constant 6 : i32
        %swap3A_880 = arith.index_cast %swap3A_878 : i32 to index
        %swap3A_881 = arith.index_cast %swap3A_879 : i32 to index
        %swap3A_882 = arith.constant 0 : index
        %swap3A_883 = tpu.vector_load %arg13[%swap3A_880, %swap3A_881, %swap3A_882] {strides = array<i32>} : memref<4x16x32xf32, #tpu.memory_space<vmem>>, vector<16xf32>,
        tpu.vector_store %arg13[%swap3A_880, %swap3A_881, %swap3A_882], %mul3A_871 {strides = array<i32>} : memref<4x16x32xf32, #tpu.memory_space<vmem>>, vector<16xf32>,
        %mul3A_884 = arith.mulf %gather3A_839, %exp3A_835 : vector<16xf32>
        %swap3A_885 = arith.constant 2 : i32
        %swap3A_886 = arith.constant 9 : i32
        %swap3A_887 = arith.index_cast %swap3A_885 : i32 to index
        %swap3A_888 = arith.index_cast %swap3A_886 : i32 to index
        %swap3A_889 = arith.constant 0 : index
        %swap3A_890 = tpu.vector_load %arg13[%swap3A_887, %swap3A_888, %swap3A_889] {strides = array<i32>} : memref<4x16x32xf32, #tpu.memory_space<vmem>>, vector<16xf32>,
        tpu.vector_store %arg13[%swap3A_887, %swap3A_888, %swap3A_889], %mul3A_884 {strides = array<i32>} : memref<4x16x32xf32, #tpu.memory_space<vmem>>, vector<16xf32>,
        %mul3A_891 = arith.mulf %gather3A_843, %gather3A_843 : vector<16xf32>
        %mul3A_892 = arith.mulf %mul3A_891, %exp3A_835 : vector<16xf32>
        %swap3A_893 = arith.constant 2 : i32
        %swap3A_894 = arith.constant 4 : i32
        %swap3A_895 = arith.index_cast %swap3A_893 : i32 to index
        %swap3A_896 = arith.index_cast %swap3A_894 : i32 to index
        %swap3A_897 = arith.constant 0 : index
        %swap3A_898 = tpu.vector_load %arg13[%swap3A_895, %swap3A_896, %swap3A_897] {strides = array<i32>} : memref<4x16x32xf32, #tpu.memory_space<vmem>>, vector<16xf32>,
        tpu.vector_store %arg13[%swap3A_895, %swap3A_896, %swap3A_897], %mul3A_892 {strides = array<i32>} : memref<4x16x32xf32, #tpu.memory_space<vmem>>, vector<16xf32>,
        %mul3A_899 = arith.mulf %gather3A_843, %gather3A_847 : vector<16xf32>
        %mul3A_900 = arith.mulf %mul3A_899, %exp3A_835 : vector<16xf32>
        %swap3A_901 = arith.constant 2 : i32
        %swap3A_902 = arith.constant 5 : i32
        %swap3A_903 = arith.index_cast %swap3A_901 : i32 to index
        %swap3A_904 = arith.index_cast %swap3A_902 : i32 to index
        %swap3A_905 = arith.constant 0 : index
        %swap3A_906 = tpu.vector_load %arg13[%swap3A_903, %swap3A_904, %swap3A_905] {strides = array<i32>} : memref<4x16x32xf32, #tpu.memory_space<vmem>>, vector<16xf32>,
        tpu.vector_store %arg13[%swap3A_903, %swap3A_904, %swap3A_905], %mul3A_900 {strides = array<i32>} : memref<4x16x32xf32, #tpu.memory_space<vmem>>, vector<16xf32>,
        %swap3A_907 = arith.constant 2 : i32
        %swap3A_908 = arith.constant 7 : i32
        %swap3A_909 = arith.index_cast %swap3A_907 : i32 to index
        %swap3A_910 = arith.index_cast %swap3A_908 : i32 to index
        %swap3A_911 = arith.constant 0 : index
        %swap3A_912 = tpu.vector_load %arg13[%swap3A_909, %swap3A_910, %swap3A_911] {strides = array<i32>} : memref<4x16x32xf32, #tpu.memory_space<vmem>>, vector<16xf32>,
        tpu.vector_store %arg13[%swap3A_909, %swap3A_910, %swap3A_911], %mul3A_900 {strides = array<i32>} : memref<4x16x32xf32, #tpu.memory_space<vmem>>, vector<16xf32>,
        %mul3A_913 = arith.mulf %gather3A_843, %exp3A_835 : vector<16xf32>
        %swap3A_914 = arith.constant 2 : i32
        %swap3A_915 = arith.constant 10 : i32
        %swap3A_916 = arith.index_cast %swap3A_914 : i32 to index
        %swap3A_917 = arith.index_cast %swap3A_915 : i32 to index
        %swap3A_918 = arith.constant 0 : index
        %swap3A_919 = tpu.vector_load %arg13[%swap3A_916, %swap3A_917, %swap3A_918] {strides = array<i32>} : memref<4x16x32xf32, #tpu.memory_space<vmem>>, vector<16xf32>,
        tpu.vector_store %arg13[%swap3A_916, %swap3A_917, %swap3A_918], %mul3A_913 {strides = array<i32>} : memref<4x16x32xf32, #tpu.memory_space<vmem>>, vector<16xf32>,
        %mul3A_920 = arith.mulf %gather3A_847, %gather3A_847 : vector<16xf32>
        %mul3A_921 = arith.mulf %mul3A_920, %exp3A_835 : vector<16xf32>
        %swap3A_922 = arith.constant 2 : i32
        %swap3A_923 = arith.constant 8 : i32
        %swap3A_924 = arith.index_cast %swap3A_922 : i32 to index
        %swap3A_925 = arith.index_cast %swap3A_923 : i32 to index
        %swap3A_926 = arith.constant 0 : index
        %swap3A_927 = tpu.vector_load %arg13[%swap3A_924, %swap3A_925, %swap3A_926] {strides = array<i32>} : memref<4x16x32xf32, #tpu.memory_space<vmem>>, vector<16xf32>,
        tpu.vector_store %arg13[%swap3A_924, %swap3A_925, %swap3A_926], %mul3A_921 {strides = array<i32>} : memref<4x16x32xf32, #tpu.memory_space<vmem>>, vector<16xf32>,
        %mul3A_928 = arith.mulf %gather3A_847, %exp3A_835 : vector<16xf32>
        %swap3A_929 = arith.constant 2 : i32
        %swap3A_930 = arith.constant 11 : i32
        %swap3A_931 = arith.index_cast %swap3A_929 : i32 to index
        %swap3A_932 = arith.index_cast %swap3A_930 : i32 to index
        %swap3A_933 = arith.constant 0 : index
        %swap3A_934 = tpu.vector_load %arg13[%swap3A_931, %swap3A_932, %swap3A_933] {strides = array<i32>} : memref<4x16x32xf32, #tpu.memory_space<vmem>>, vector<16xf32>,
        tpu.vector_store %arg13[%swap3A_931, %swap3A_932, %swap3A_933], %mul3A_928 {strides = array<i32>} : memref<4x16x32xf32, #tpu.memory_space<vmem>>, vector<16xf32>,
        %swap3A_935 = arith.constant 2 : i32
        %swap3A_936 = arith.constant 12 : i32
        %swap3A_937 = arith.index_cast %swap3A_935 : i32 to index
        %swap3A_938 = arith.index_cast %swap3A_936 : i32 to index
        %swap3A_939 = arith.constant 0 : index
        %swap3A_940 = tpu.vector_load %arg13[%swap3A_937, %swap3A_938, %swap3A_939] {strides = array<i32>} : memref<4x16x32xf32, #tpu.memory_space<vmem>>, vector<16xf32>,
        tpu.vector_store %arg13[%swap3A_937, %swap3A_938, %swap3A_939], %exp3A_835 {strides = array<i32>} : memref<4x16x32xf32, #tpu.memory_space<vmem>>, vector<16xf32>,
        %get3A_941 = arith.index_cast %add3A_368 : i32 to index
        %get3A_942 = arith.constant 80 : index
        %get3A_943 = tpu.vector_load %arg8[%get3A_941, %get3A_942] {strides = array<i32>} : memref<160x128xi32, #tpu.memory_space<vmem>>, vector<16xi32>,
        %get3A_944 = arith.index_cast %add3A_368 : i32 to index
        %get3A_945 = arith.constant 80 : index
        %get3A_946 = tpu.vector_load %arg9[%get3A_944, %get3A_945] {strides = array<i32>} : memref<160x128xf32, #tpu.memory_space<vmem>>, vector<16xf32>,
        %mul3A_947 = arith.constant -1.000000e+01 : f32
        %mul3A_948 = vector.broadcast %mul3A_947 : f32 to vector<16xf32>
        %mul3A_949 = arith.mulf %get3A_946, %mul3A_948 : vector<16xf32>
        %exp3A_950 = math.exp %mul3A_949 : vector<16xf32>
        %add3A_951 = arith.constant 0 : i32
        %add3A_952 = vector.broadcast %add3A_951 : i32 to vector<16xi32>
        %add3A_953 = arith.addi %get3A_943, %add3A_952 : vector<16xi32>
        %gather3A_954 = tpu.vector_load_idx %arg10[%add3A_953] : memref<30000xf32, #tpu.memory_space<vmem>>[vector<16xi32>], vector<16xf32>,
        %add3A_955 = arith.constant 10000 : i32
        %add3A_956 = vector.broadcast %add3A_955 : i32 to vector<16xi32>
        %add3A_957 = arith.addi %get3A_943, %add3A_956 : vector<16xi32>
        %gather3A_958 = tpu.vector_load_idx %arg10[%add3A_957] : memref<30000xf32, #tpu.memory_space<vmem>>[vector<16xi32>], vector<16xf32>,
        %add3A_959 = arith.constant 20000 : i32
        %add3A_960 = vector.broadcast %add3A_959 : i32 to vector<16xi32>
        %add3A_961 = arith.addi %get3A_943, %add3A_960 : vector<16xi32>
        %gather3A_962 = tpu.vector_load_idx %arg10[%add3A_961] : memref<30000xf32, #tpu.memory_space<vmem>>[vector<16xi32>], vector<16xf32>,
        %mul3A_963 = arith.mulf %gather3A_954, %gather3A_954 : vector<16xf32>
        %mul3A_964 = arith.mulf %mul3A_963, %exp3A_950 : vector<16xf32>
        %swap3A_965 = arith.constant 2 : i32
        %swap3A_966 = arith.constant 0 : i32
        %swap3A_967 = arith.index_cast %swap3A_965 : i32 to index
        %swap3A_968 = arith.index_cast %swap3A_966 : i32 to index
        %swap3A_969 = arith.constant 16 : index
        %swap3A_970 = tpu.vector_load %arg13[%swap3A_967, %swap3A_968, %swap3A_969] {strides = array<i32>} : memref<4x16x32xf32, #tpu.memory_space<vmem>>, vector<16xf32>,
        tpu.vector_store %arg13[%swap3A_967, %swap3A_968, %swap3A_969], %mul3A_964 {strides = array<i32>} : memref<4x16x32xf32, #tpu.memory_space<vmem>>, vector<16xf32>,
        %mul3A_971 = arith.mulf %gather3A_954, %gather3A_958 : vector<16xf32>
        %mul3A_972 = arith.mulf %mul3A_971, %exp3A_950 : vector<16xf32>
        %swap3A_973 = arith.constant 2 : i32
        %swap3A_974 = arith.constant 1 : i32
        %swap3A_975 = arith.index_cast %swap3A_973 : i32 to index
        %swap3A_976 = arith.index_cast %swap3A_974 : i32 to index
        %swap3A_977 = arith.constant 16 : index
        %swap3A_978 = tpu.vector_load %arg13[%swap3A_975, %swap3A_976, %swap3A_977] {strides = array<i32>} : memref<4x16x32xf32, #tpu.memory_space<vmem>>, vector<16xf32>,
        tpu.vector_store %arg13[%swap3A_975, %swap3A_976, %swap3A_977], %mul3A_972 {strides = array<i32>} : memref<4x16x32xf32, #tpu.memory_space<vmem>>, vector<16xf32>,
        %swap3A_979 = arith.constant 2 : i32
        %swap3A_980 = arith.constant 3 : i32
        %swap3A_981 = arith.index_cast %swap3A_979 : i32 to index
        %swap3A_982 = arith.index_cast %swap3A_980 : i32 to index
        %swap3A_983 = arith.constant 16 : index
        %swap3A_984 = tpu.vector_load %arg13[%swap3A_981, %swap3A_982, %swap3A_983] {strides = array<i32>} : memref<4x16x32xf32, #tpu.memory_space<vmem>>, vector<16xf32>,
        tpu.vector_store %arg13[%swap3A_981, %swap3A_982, %swap3A_983], %mul3A_972 {strides = array<i32>} : memref<4x16x32xf32, #tpu.memory_space<vmem>>, vector<16xf32>,
        %mul3A_985 = arith.mulf %gather3A_954, %gather3A_962 : vector<16xf32>
        %mul3A_986 = arith.mulf %mul3A_985, %exp3A_950 : vector<16xf32>
        %swap3A_987 = arith.constant 2 : i32
        %swap3A_988 = arith.constant 2 : i32
        %swap3A_989 = arith.index_cast %swap3A_987 : i32 to index
        %swap3A_990 = arith.index_cast %swap3A_988 : i32 to index
        %swap3A_991 = arith.constant 16 : index
        %swap3A_992 = tpu.vector_load %arg13[%swap3A_989, %swap3A_990, %swap3A_991] {strides = array<i32>} : memref<4x16x32xf32, #tpu.memory_space<vmem>>, vector<16xf32>,
        tpu.vector_store %arg13[%swap3A_989, %swap3A_990, %swap3A_991], %mul3A_986 {strides = array<i32>} : memref<4x16x32xf32, #tpu.memory_space<vmem>>, vector<16xf32>,
        %swap3A_993 = arith.constant 2 : i32
        %swap3A_994 = arith.constant 6 : i32
        %swap3A_995 = arith.index_cast %swap3A_993 : i32 to index
        %swap3A_996 = arith.index_cast %swap3A_994 : i32 to index
        %swap3A_997 = arith.constant 16 : index
        %swap3A_998 = tpu.vector_load %arg13[%swap3A_995, %swap3A_996, %swap3A_997] {strides = array<i32>} : memref<4x16x32xf32, #tpu.memory_space<vmem>>, vector<16xf32>,
        tpu.vector_store %arg13[%swap3A_995, %swap3A_996, %swap3A_997], %mul3A_986 {strides = array<i32>} : memref<4x16x32xf32, #tpu.memory_space<vmem>>, vector<16xf32>,
        %mul3A_999 = arith.mulf %gather3A_954, %exp3A_950 : vector<16xf32>
        %swap3A_1000 = arith.constant 2 : i32
        %swap3A_1001 = arith.constant 9 : i32
        %swap3A_1002 = arith.index_cast %swap3A_1000 : i32 to index
        %swap3A_1003 = arith.index_cast %swap3A_1001 : i32 to index
        %swap3A_1004 = arith.constant 16 : index
        %swap3A_1005 = tpu.vector_load %arg13[%swap3A_1002, %swap3A_1003, %swap3A_1004] {strides = array<i32>} : memref<4x16x32xf32, #tpu.memory_space<vmem>>, vector<16xf32>,
        tpu.vector_store %arg13[%swap3A_1002, %swap3A_1003, %swap3A_1004], %mul3A_999 {strides = array<i32>} : memref<4x16x32xf32, #tpu.memory_space<vmem>>, vector<16xf32>,
        %mul3A_1006 = arith.mulf %gather3A_958, %gather3A_958 : vector<16xf32>
        %mul3A_1007 = arith.mulf %mul3A_1006, %exp3A_950 : vector<16xf32>
        %swap3A_1008 = arith.constant 2 : i32
        %swap3A_1009 = arith.constant 4 : i32
        %swap3A_1010 = arith.index_cast %swap3A_1008 : i32 to index
        %swap3A_1011 = arith.index_cast %swap3A_1009 : i32 to index
        %swap3A_1012 = arith.constant 16 : index
        %swap3A_1013 = tpu.vector_load %arg13[%swap3A_1010, %swap3A_1011, %swap3A_1012] {strides = array<i32>} : memref<4x16x32xf32, #tpu.memory_space<vmem>>, vector<16xf32>,
        tpu.vector_store %arg13[%swap3A_1010, %swap3A_1011, %swap3A_1012], %mul3A_1007 {strides = array<i32>} : memref<4x16x32xf32, #tpu.memory_space<vmem>>, vector<16xf32>,
        %mul3A_1014 = arith.mulf %gather3A_958, %gather3A_962 : vector<16xf32>
        %mul3A_1015 = arith.mulf %mul3A_1014, %exp3A_950 : vector<16xf32>
        %swap3A_1016 = arith.constant 2 : i32
        %swap3A_1017 = arith.constant 5 : i32
        %swap3A_1018 = arith.index_cast %swap3A_1016 : i32 to index
        %swap3A_1019 = arith.index_cast %swap3A_1017 : i32 to index
        %swap3A_1020 = arith.constant 16 : index
        %swap3A_1021 = tpu.vector_load %arg13[%swap3A_1018, %swap3A_1019, %swap3A_1020] {strides = array<i32>} : memref<4x16x32xf32, #tpu.memory_space<vmem>>, vector<16xf32>,
        tpu.vector_store %arg13[%swap3A_1018, %swap3A_1019, %swap3A_1020], %mul3A_1015 {strides = array<i32>} : memref<4x16x32xf32, #tpu.memory_space<vmem>>, vector<16xf32>,
        %swap3A_1022 = arith.constant 2 : i32
        %swap3A_1023 = arith.constant 7 : i32
        %swap3A_1024 = arith.index_cast %swap3A_1022 : i32 to index
        %swap3A_1025 = arith.index_cast %swap3A_1023 : i32 to index
        %swap3A_1026 = arith.constant 16 : index
        %swap3A_1027 = tpu.vector_load %arg13[%swap3A_1024, %swap3A_1025, %swap3A_1026] {strides = array<i32>} : memref<4x16x32xf32, #tpu.memory_space<vmem>>, vector<16xf32>,
        tpu.vector_store %arg13[%swap3A_1024, %swap3A_1025, %swap3A_1026], %mul3A_1015 {strides = array<i32>} : memref<4x16x32xf32, #tpu.memory_space<vmem>>, vector<16xf32>,
        %mul3A_1028 = arith.mulf %gather3A_958, %exp3A_950 : vector<16xf32>
        %swap3A_1029 = arith.constant 2 : i32
        %swap3A_1030 = arith.constant 10 : i32
        %swap3A_1031 = arith.index_cast %swap3A_1029 : i32 to index
        %swap3A_1032 = arith.index_cast %swap3A_1030 : i32 to index
        %swap3A_1033 = arith.constant 16 : index
        %swap3A_1034 = tpu.vector_load %arg13[%swap3A_1031, %swap3A_1032, %swap3A_1033] {strides = array<i32>} : memref<4x16x32xf32, #tpu.memory_space<vmem>>, vector<16xf32>,
        tpu.vector_store %arg13[%swap3A_1031, %swap3A_1032, %swap3A_1033], %mul3A_1028 {strides = array<i32>} : memref<4x16x32xf32, #tpu.memory_space<vmem>>, vector<16xf32>,
        %mul3A_1035 = arith.mulf %gather3A_962, %gather3A_962 : vector<16xf32>
        %mul3A_1036 = arith.mulf %mul3A_1035, %exp3A_950 : vector<16xf32>
        %swap3A_1037 = arith.constant 2 : i32
        %swap3A_1038 = arith.constant 8 : i32
        %swap3A_1039 = arith.index_cast %swap3A_1037 : i32 to index
        %swap3A_1040 = arith.index_cast %swap3A_1038 : i32 to index
        %swap3A_1041 = arith.constant 16 : index
        %swap3A_1042 = tpu.vector_load %arg13[%swap3A_1039, %swap3A_1040, %swap3A_1041] {strides = array<i32>} : memref<4x16x32xf32, #tpu.memory_space<vmem>>, vector<16xf32>,
        tpu.vector_store %arg13[%swap3A_1039, %swap3A_1040, %swap3A_1041], %mul3A_1036 {strides = array<i32>} : memref<4x16x32xf32, #tpu.memory_space<vmem>>, vector<16xf32>,
        %mul3A_1043 = arith.mulf %gather3A_962, %exp3A_950 : vector<16xf32>
        %swap3A_1044 = arith.constant 2 : i32
        %swap3A_1045 = arith.constant 11 : i32
        %swap3A_1046 = arith.index_cast %swap3A_1044 : i32 to index
        %swap3A_1047 = arith.index_cast %swap3A_1045 : i32 to index
        %swap3A_1048 = arith.constant 16 : index
        %swap3A_1049 = tpu.vector_load %arg13[%swap3A_1046, %swap3A_1047, %swap3A_1048] {strides = array<i32>} : memref<4x16x32xf32, #tpu.memory_space<vmem>>, vector<16xf32>,
        tpu.vector_store %arg13[%swap3A_1046, %swap3A_1047, %swap3A_1048], %mul3A_1043 {strides = array<i32>} : memref<4x16x32xf32, #tpu.memory_space<vmem>>, vector<16xf32>,
        %swap3A_1050 = arith.constant 2 : i32
        %swap3A_1051 = arith.constant 12 : i32
        %swap3A_1052 = arith.index_cast %swap3A_1050 : i32 to index
        %swap3A_1053 = arith.index_cast %swap3A_1051 : i32 to index
        %swap3A_1054 = arith.constant 16 : index
        %swap3A_1055 = tpu.vector_load %arg13[%swap3A_1052, %swap3A_1053, %swap3A_1054] {strides = array<i32>} : memref<4x16x32xf32, #tpu.memory_space<vmem>>, vector<16xf32>,
        tpu.vector_store %arg13[%swap3A_1052, %swap3A_1053, %swap3A_1054], %exp3A_950 {strides = array<i32>} : memref<4x16x32xf32, #tpu.memory_space<vmem>>, vector<16xf32>,
        %get3A_1056 = arith.index_cast %add3A_368 : i32 to index
        %get3A_1057 = arith.constant 96 : index
        %get3A_1058 = tpu.vector_load %arg8[%get3A_1056, %get3A_1057] {strides = array<i32>} : memref<160x128xi32, #tpu.memory_space<vmem>>, vector<16xi32>,
        %get3A_1059 = arith.index_cast %add3A_368 : i32 to index
        %get3A_1060 = arith.constant 96 : index
        %get3A_1061 = tpu.vector_load %arg9[%get3A_1059, %get3A_1060] {strides = array<i32>} : memref<160x128xf32, #tpu.memory_space<vmem>>, vector<16xf32>,
        %mul3A_1062 = arith.constant -1.000000e+01 : f32
        %mul3A_1063 = vector.broadcast %mul3A_1062 : f32 to vector<16xf32>
        %mul3A_1064 = arith.mulf %get3A_1061, %mul3A_1063 : vector<16xf32>
        %exp3A_1065 = math.exp %mul3A_1064 : vector<16xf32>
        %add3A_1066 = arith.constant 0 : i32
        %add3A_1067 = vector.broadcast %add3A_1066 : i32 to vector<16xi32>
        %add3A_1068 = arith.addi %get3A_1058, %add3A_1067 : vector<16xi32>
        %gather3A_1069 = tpu.vector_load_idx %arg10[%add3A_1068] : memref<30000xf32, #tpu.memory_space<vmem>>[vector<16xi32>], vector<16xf32>,
        %add3A_1070 = arith.constant 10000 : i32
        %add3A_1071 = vector.broadcast %add3A_1070 : i32 to vector<16xi32>
        %add3A_1072 = arith.addi %get3A_1058, %add3A_1071 : vector<16xi32>
        %gather3A_1073 = tpu.vector_load_idx %arg10[%add3A_1072] : memref<30000xf32, #tpu.memory_space<vmem>>[vector<16xi32>], vector<16xf32>,
        %add3A_1074 = arith.constant 20000 : i32
        %add3A_1075 = vector.broadcast %add3A_1074 : i32 to vector<16xi32>
        %add3A_1076 = arith.addi %get3A_1058, %add3A_1075 : vector<16xi32>
        %gather3A_1077 = tpu.vector_load_idx %arg10[%add3A_1076] : memref<30000xf32, #tpu.memory_space<vmem>>[vector<16xi32>], vector<16xf32>,
        %mul3A_1078 = arith.mulf %gather3A_1069, %gather3A_1069 : vector<16xf32>
        %mul3A_1079 = arith.mulf %mul3A_1078, %exp3A_1065 : vector<16xf32>
        %swap3A_1080 = arith.constant 3 : i32
        %swap3A_1081 = arith.constant 0 : i32
        %swap3A_1082 = arith.index_cast %swap3A_1080 : i32 to index
        %swap3A_1083 = arith.index_cast %swap3A_1081 : i32 to index
        %swap3A_1084 = arith.constant 0 : index
        %swap3A_1085 = tpu.vector_load %arg13[%swap3A_1082, %swap3A_1083, %swap3A_1084] {strides = array<i32>} : memref<4x16x32xf32, #tpu.memory_space<vmem>>, vector<16xf32>,
        tpu.vector_store %arg13[%swap3A_1082, %swap3A_1083, %swap3A_1084], %mul3A_1079 {strides = array<i32>} : memref<4x16x32xf32, #tpu.memory_space<vmem>>, vector<16xf32>,
        %mul3A_1086 = arith.mulf %gather3A_1069, %gather3A_1073 : vector<16xf32>
        %mul3A_1087 = arith.mulf %mul3A_1086, %exp3A_1065 : vector<16xf32>
        %swap3A_1088 = arith.constant 3 : i32
        %swap3A_1089 = arith.constant 1 : i32
        %swap3A_1090 = arith.index_cast %swap3A_1088 : i32 to index
        %swap3A_1091 = arith.index_cast %swap3A_1089 : i32 to index
        %swap3A_1092 = arith.constant 0 : index
        %swap3A_1093 = tpu.vector_load %arg13[%swap3A_1090, %swap3A_1091, %swap3A_1092] {strides = array<i32>} : memref<4x16x32xf32, #tpu.memory_space<vmem>>, vector<16xf32>,
        tpu.vector_store %arg13[%swap3A_1090, %swap3A_1091, %swap3A_1092], %mul3A_1087 {strides = array<i32>} : memref<4x16x32xf32, #tpu.memory_space<vmem>>, vector<16xf32>,
        %swap3A_1094 = arith.constant 3 : i32
        %swap3A_1095 = arith.constant 3 : i32
        %swap3A_1096 = arith.index_cast %swap3A_1094 : i32 to index
        %swap3A_1097 = arith.index_cast %swap3A_1095 : i32 to index
        %swap3A_1098 = arith.constant 0 : index
        %swap3A_1099 = tpu.vector_load %arg13[%swap3A_1096, %swap3A_1097, %swap3A_1098] {strides = array<i32>} : memref<4x16x32xf32, #tpu.memory_space<vmem>>, vector<16xf32>,
        tpu.vector_store %arg13[%swap3A_1096, %swap3A_1097, %swap3A_1098], %mul3A_1087 {strides = array<i32>} : memref<4x16x32xf32, #tpu.memory_space<vmem>>, vector<16xf32>,
        %mul3A_1100 = arith.mulf %gather3A_1069, %gather3A_1077 : vector<16xf32>
        %mul3A_1101 = arith.mulf %mul3A_1100, %exp3A_1065 : vector<16xf32>
        %swap3A_1102 = arith.constant 3 : i32
        %swap3A_1103 = arith.constant 2 : i32
        %swap3A_1104 = arith.index_cast %swap3A_1102 : i32 to index
        %swap3A_1105 = arith.index_cast %swap3A_1103 : i32 to index
        %swap3A_1106 = arith.constant 0 : index
        %swap3A_1107 = tpu.vector_load %arg13[%swap3A_1104, %swap3A_1105, %swap3A_1106] {strides = array<i32>} : memref<4x16x32xf32, #tpu.memory_space<vmem>>, vector<16xf32>,
        tpu.vector_store %arg13[%swap3A_1104, %swap3A_1105, %swap3A_1106], %mul3A_1101 {strides = array<i32>} : memref<4x16x32xf32, #tpu.memory_space<vmem>>, vector<16xf32>,
        %swap3A_1108 = arith.constant 3 : i32
        %swap3A_1109 = arith.constant 6 : i32
        %swap3A_1110 = arith.index_cast %swap3A_1108 : i32 to index
        %swap3A_1111 = arith.index_cast %swap3A_1109 : i32 to index
        %swap3A_1112 = arith.constant 0 : index
        %swap3A_1113 = tpu.vector_load %arg13[%swap3A_1110, %swap3A_1111, %swap3A_1112] {strides = array<i32>} : memref<4x16x32xf32, #tpu.memory_space<vmem>>, vector<16xf32>,
        tpu.vector_store %arg13[%swap3A_1110, %swap3A_1111, %swap3A_1112], %mul3A_1101 {strides = array<i32>} : memref<4x16x32xf32, #tpu.memory_space<vmem>>, vector<16xf32>,
        %mul3A_1114 = arith.mulf %gather3A_1069, %exp3A_1065 : vector<16xf32>
        %swap3A_1115 = arith.constant 3 : i32
        %swap3A_1116 = arith.constant 9 : i32
        %swap3A_1117 = arith.index_cast %swap3A_1115 : i32 to index
        %swap3A_1118 = arith.index_cast %swap3A_1116 : i32 to index
        %swap3A_1119 = arith.constant 0 : index
        %swap3A_1120 = tpu.vector_load %arg13[%swap3A_1117, %swap3A_1118, %swap3A_1119] {strides = array<i32>} : memref<4x16x32xf32, #tpu.memory_space<vmem>>, vector<16xf32>,
        tpu.vector_store %arg13[%swap3A_1117, %swap3A_1118, %swap3A_1119], %mul3A_1114 {strides = array<i32>} : memref<4x16x32xf32, #tpu.memory_space<vmem>>, vector<16xf32>,
        %mul3A_1121 = arith.mulf %gather3A_1073, %gather3A_1073 : vector<16xf32>
        %mul3A_1122 = arith.mulf %mul3A_1121, %exp3A_1065 : vector<16xf32>
        %swap3A_1123 = arith.constant 3 : i32
        %swap3A_1124 = arith.constant 4 : i32
        %swap3A_1125 = arith.index_cast %swap3A_1123 : i32 to index
        %swap3A_1126 = arith.index_cast %swap3A_1124 : i32 to index
        %swap3A_1127 = arith.constant 0 : index
        %swap3A_1128 = tpu.vector_load %arg13[%swap3A_1125, %swap3A_1126, %swap3A_1127] {strides = array<i32>} : memref<4x16x32xf32, #tpu.memory_space<vmem>>, vector<16xf32>,
        tpu.vector_store %arg13[%swap3A_1125, %swap3A_1126, %swap3A_1127], %mul3A_1122 {strides = array<i32>} : memref<4x16x32xf32, #tpu.memory_space<vmem>>, vector<16xf32>,
        %mul3A_1129 = arith.mulf %gather3A_1073, %gather3A_1077 : vector<16xf32>
        %mul3A_1130 = arith.mulf %mul3A_1129, %exp3A_1065 : vector<16xf32>
        %swap3A_1131 = arith.constant 3 : i32
        %swap3A_1132 = arith.constant 5 : i32
        %swap3A_1133 = arith.index_cast %swap3A_1131 : i32 to index
        %swap3A_1134 = arith.index_cast %swap3A_1132 : i32 to index
        %swap3A_1135 = arith.constant 0 : index
        %swap3A_1136 = tpu.vector_load %arg13[%swap3A_1133, %swap3A_1134, %swap3A_1135] {strides = array<i32>} : memref<4x16x32xf32, #tpu.memory_space<vmem>>, vector<16xf32>,
        tpu.vector_store %arg13[%swap3A_1133, %swap3A_1134, %swap3A_1135], %mul3A_1130 {strides = array<i32>} : memref<4x16x32xf32, #tpu.memory_space<vmem>>, vector<16xf32>,
        %swap3A_1137 = arith.constant 3 : i32
        %swap3A_1138 = arith.constant 7 : i32
        %swap3A_1139 = arith.index_cast %swap3A_1137 : i32 to index
        %swap3A_1140 = arith.index_cast %swap3A_1138 : i32 to index
        %swap3A_1141 = arith.constant 0 : index
        %swap3A_1142 = tpu.vector_load %arg13[%swap3A_1139, %swap3A_1140, %swap3A_1141] {strides = array<i32>} : memref<4x16x32xf32, #tpu.memory_space<vmem>>, vector<16xf32>,
        tpu.vector_store %arg13[%swap3A_1139, %swap3A_1140, %swap3A_1141], %mul3A_1130 {strides = array<i32>} : memref<4x16x32xf32, #tpu.memory_space<vmem>>, vector<16xf32>,
        %mul3A_1143 = arith.mulf %gather3A_1073, %exp3A_1065 : vector<16xf32>
        %swap3A_1144 = arith.constant 3 : i32
        %swap3A_1145 = arith.constant 10 : i32
        %swap3A_1146 = arith.index_cast %swap3A_1144 : i32 to index
        %swap3A_1147 = arith.index_cast %swap3A_1145 : i32 to index
        %swap3A_1148 = arith.constant 0 : index
        %swap3A_1149 = tpu.vector_load %arg13[%swap3A_1146, %swap3A_1147, %swap3A_1148] {strides = array<i32>} : memref<4x16x32xf32, #tpu.memory_space<vmem>>, vector<16xf32>,
        tpu.vector_store %arg13[%swap3A_1146, %swap3A_1147, %swap3A_1148], %mul3A_1143 {strides = array<i32>} : memref<4x16x32xf32, #tpu.memory_space<vmem>>, vector<16xf32>,
        %mul3A_1150 = arith.mulf %gather3A_1077, %gather3A_1077 : vector<16xf32>
        %mul3A_1151 = arith.mulf %mul3A_1150, %exp3A_1065 : vector<16xf32>
        %swap3A_1152 = arith.constant 3 : i32
        %swap3A_1153 = arith.constant 8 : i32
        %swap3A_1154 = arith.index_cast %swap3A_1152 : i32 to index
        %swap3A_1155 = arith.index_cast %swap3A_1153 : i32 to index
        %swap3A_1156 = arith.constant 0 : index
        %swap3A_1157 = tpu.vector_load %arg13[%swap3A_1154, %swap3A_1155, %swap3A_1156] {strides = array<i32>} : memref<4x16x32xf32, #tpu.memory_space<vmem>>, vector<16xf32>,
        tpu.vector_store %arg13[%swap3A_1154, %swap3A_1155, %swap3A_1156], %mul3A_1151 {strides = array<i32>} : memref<4x16x32xf32, #tpu.memory_space<vmem>>, vector<16xf32>,
        %mul3A_1158 = arith.mulf %gather3A_1077, %exp3A_1065 : vector<16xf32>
        %swap3A_1159 = arith.constant 3 : i32
        %swap3A_1160 = arith.constant 11 : i32
        %swap3A_1161 = arith.index_cast %swap3A_1159 : i32 to index
        %swap3A_1162 = arith.index_cast %swap3A_1160 : i32 to index
        %swap3A_1163 = arith.constant 0 : index
        %swap3A_1164 = tpu.vector_load %arg13[%swap3A_1161, %swap3A_1162, %swap3A_1163] {strides = array<i32>} : memref<4x16x32xf32, #tpu.memory_space<vmem>>, vector<16xf32>,
        tpu.vector_store %arg13[%swap3A_1161, %swap3A_1162, %swap3A_1163], %mul3A_1158 {strides = array<i32>} : memref<4x16x32xf32, #tpu.memory_space<vmem>>, vector<16xf32>,
        %swap3A_1165 = arith.constant 3 : i32
        %swap3A_1166 = arith.constant 12 : i32
        %swap3A_1167 = arith.index_cast %swap3A_1165 : i32 to index
        %swap3A_1168 = arith.index_cast %swap3A_1166 : i32 to index
        %swap3A_1169 = arith.constant 0 : index
        %swap3A_1170 = tpu.vector_load %arg13[%swap3A_1167, %swap3A_1168, %swap3A_1169] {strides = array<i32>} : memref<4x16x32xf32, #tpu.memory_space<vmem>>, vector<16xf32>,
        tpu.vector_store %arg13[%swap3A_1167, %swap3A_1168, %swap3A_1169], %exp3A_1065 {strides = array<i32>} : memref<4x16x32xf32, #tpu.memory_space<vmem>>, vector<16xf32>,
        %get3A_1171 = arith.index_cast %add3A_368 : i32 to index
        %get3A_1172 = arith.constant 112 : index
        %get3A_1173 = tpu.vector_load %arg8[%get3A_1171, %get3A_1172] {strides = array<i32>} : memref<160x128xi32, #tpu.memory_space<vmem>>, vector<16xi32>,
        %get3A_1174 = arith.index_cast %add3A_368 : i32 to index
        %get3A_1175 = arith.constant 112 : index
        %get3A_1176 = tpu.vector_load %arg9[%get3A_1174, %get3A_1175] {strides = array<i32>} : memref<160x128xf32, #tpu.memory_space<vmem>>, vector<16xf32>,
        %mul3A_1177 = arith.constant -1.000000e+01 : f32
        %mul3A_1178 = vector.broadcast %mul3A_1177 : f32 to vector<16xf32>
        %mul3A_1179 = arith.mulf %get3A_1176, %mul3A_1178 : vector<16xf32>
        %exp3A_1180 = math.exp %mul3A_1179 : vector<16xf32>
        %add3A_1181 = arith.constant 0 : i32
        %add3A_1182 = vector.broadcast %add3A_1181 : i32 to vector<16xi32>
        %add3A_1183 = arith.addi %get3A_1173, %add3A_1182 : vector<16xi32>
        %gather3A_1184 = tpu.vector_load_idx %arg10[%add3A_1183] : memref<30000xf32, #tpu.memory_space<vmem>>[vector<16xi32>], vector<16xf32>,
        %add3A_1185 = arith.constant 10000 : i32
        %add3A_1186 = vector.broadcast %add3A_1185 : i32 to vector<16xi32>
        %add3A_1187 = arith.addi %get3A_1173, %add3A_1186 : vector<16xi32>
        %gather3A_1188 = tpu.vector_load_idx %arg10[%add3A_1187] : memref<30000xf32, #tpu.memory_space<vmem>>[vector<16xi32>], vector<16xf32>,
        %add3A_1189 = arith.constant 20000 : i32
        %add3A_1190 = vector.broadcast %add3A_1189 : i32 to vector<16xi32>
        %add3A_1191 = arith.addi %get3A_1173, %add3A_1190 : vector<16xi32>
        %gather3A_1192 = tpu.vector_load_idx %arg10[%add3A_1191] : memref<30000xf32, #tpu.memory_space<vmem>>[vector<16xi32>], vector<16xf32>,
        %mul3A_1193 = arith.mulf %gather3A_1184, %gather3A_1184 : vector<16xf32>
        %mul3A_1194 = arith.mulf %mul3A_1193, %exp3A_1180 : vector<16xf32>
        %swap3A_1195 = arith.constant 3 : i32
        %swap3A_1196 = arith.constant 0 : i32
        %swap3A_1197 = arith.index_cast %swap3A_1195 : i32 to index
        %swap3A_1198 = arith.index_cast %swap3A_1196 : i32 to index
        %swap3A_1199 = arith.constant 16 : index
        %swap3A_1200 = tpu.vector_load %arg13[%swap3A_1197, %swap3A_1198, %swap3A_1199] {strides = array<i32>} : memref<4x16x32xf32, #tpu.memory_space<vmem>>, vector<16xf32>,
        tpu.vector_store %arg13[%swap3A_1197, %swap3A_1198, %swap3A_1199], %mul3A_1194 {strides = array<i32>} : memref<4x16x32xf32, #tpu.memory_space<vmem>>, vector<16xf32>,
        %mul3A_1201 = arith.mulf %gather3A_1184, %gather3A_1188 : vector<16xf32>
        %mul3A_1202 = arith.mulf %mul3A_1201, %exp3A_1180 : vector<16xf32>
        %swap3A_1203 = arith.constant 3 : i32
        %swap3A_1204 = arith.constant 1 : i32
        %swap3A_1205 = arith.index_cast %swap3A_1203 : i32 to index
        %swap3A_1206 = arith.index_cast %swap3A_1204 : i32 to index
        %swap3A_1207 = arith.constant 16 : index
        %swap3A_1208 = tpu.vector_load %arg13[%swap3A_1205, %swap3A_1206, %swap3A_1207] {strides = array<i32>} : memref<4x16x32xf32, #tpu.memory_space<vmem>>, vector<16xf32>,
        tpu.vector_store %arg13[%swap3A_1205, %swap3A_1206, %swap3A_1207], %mul3A_1202 {strides = array<i32>} : memref<4x16x32xf32, #tpu.memory_space<vmem>>, vector<16xf32>,
        %swap3A_1209 = arith.constant 3 : i32
        %swap3A_1210 = arith.constant 3 : i32
        %swap3A_1211 = arith.index_cast %swap3A_1209 : i32 to index
        %swap3A_1212 = arith.index_cast %swap3A_1210 : i32 to index
        %swap3A_1213 = arith.constant 16 : index
        %swap3A_1214 = tpu.vector_load %arg13[%swap3A_1211, %swap3A_1212, %swap3A_1213] {strides = array<i32>} : memref<4x16x32xf32, #tpu.memory_space<vmem>>, vector<16xf32>,
        tpu.vector_store %arg13[%swap3A_1211, %swap3A_1212, %swap3A_1213], %mul3A_1202 {strides = array<i32>} : memref<4x16x32xf32, #tpu.memory_space<vmem>>, vector<16xf32>,
        %mul3A_1215 = arith.mulf %gather3A_1184, %gather3A_1192 : vector<16xf32>
        %mul3A_1216 = arith.mulf %mul3A_1215, %exp3A_1180 : vector<16xf32>
        %swap3A_1217 = arith.constant 3 : i32
        %swap3A_1218 = arith.constant 2 : i32
        %swap3A_1219 = arith.index_cast %swap3A_1217 : i32 to index
        %swap3A_1220 = arith.index_cast %swap3A_1218 : i32 to index
        %swap3A_1221 = arith.constant 16 : index
        %swap3A_1222 = tpu.vector_load %arg13[%swap3A_1219, %swap3A_1220, %swap3A_1221] {strides = array<i32>} : memref<4x16x32xf32, #tpu.memory_space<vmem>>, vector<16xf32>,
        tpu.vector_store %arg13[%swap3A_1219, %swap3A_1220, %swap3A_1221], %mul3A_1216 {strides = array<i32>} : memref<4x16x32xf32, #tpu.memory_space<vmem>>, vector<16xf32>,
        %swap3A_1223 = arith.constant 3 : i32
        %swap3A_1224 = arith.constant 6 : i32
        %swap3A_1225 = arith.index_cast %swap3A_1223 : i32 to index
        %swap3A_1226 = arith.index_cast %swap3A_1224 : i32 to index
        %swap3A_1227 = arith.constant 16 : index
        %swap3A_1228 = tpu.vector_load %arg13[%swap3A_1225, %swap3A_1226, %swap3A_1227] {strides = array<i32>} : memref<4x16x32xf32, #tpu.memory_space<vmem>>, vector<16xf32>,
        tpu.vector_store %arg13[%swap3A_1225, %swap3A_1226, %swap3A_1227], %mul3A_1216 {strides = array<i32>} : memref<4x16x32xf32, #tpu.memory_space<vmem>>, vector<16xf32>,
        %mul3A_1229 = arith.mulf %gather3A_1184, %exp3A_1180 : vector<16xf32>
        %swap3A_1230 = arith.constant 3 : i32
        %swap3A_1231 = arith.constant 9 : i32
        %swap3A_1232 = arith.index_cast %swap3A_1230 : i32 to index
        %swap3A_1233 = arith.index_cast %swap3A_1231 : i32 to index
        %swap3A_1234 = arith.constant 16 : index
        %swap3A_1235 = tpu.vector_load %arg13[%swap3A_1232, %swap3A_1233, %swap3A_1234] {strides = array<i32>} : memref<4x16x32xf32, #tpu.memory_space<vmem>>, vector<16xf32>,
        tpu.vector_store %arg13[%swap3A_1232, %swap3A_1233, %swap3A_1234], %mul3A_1229 {strides = array<i32>} : memref<4x16x32xf32, #tpu.memory_space<vmem>>, vector<16xf32>,
        %mul3A_1236 = arith.mulf %gather3A_1188, %gather3A_1188 : vector<16xf32>
        %mul3A_1237 = arith.mulf %mul3A_1236, %exp3A_1180 : vector<16xf32>
        %swap3A_1238 = arith.constant 3 : i32
        %swap3A_1239 = arith.constant 4 : i32
        %swap3A_1240 = arith.index_cast %swap3A_1238 : i32 to index
        %swap3A_1241 = arith.index_cast %swap3A_1239 : i32 to index
        %swap3A_1242 = arith.constant 16 : index
        %swap3A_1243 = tpu.vector_load %arg13[%swap3A_1240, %swap3A_1241, %swap3A_1242] {strides = array<i32>} : memref<4x16x32xf32, #tpu.memory_space<vmem>>, vector<16xf32>,
        tpu.vector_store %arg13[%swap3A_1240, %swap3A_1241, %swap3A_1242], %mul3A_1237 {strides = array<i32>} : memref<4x16x32xf32, #tpu.memory_space<vmem>>, vector<16xf32>,
        %mul3A_1244 = arith.mulf %gather3A_1188, %gather3A_1192 : vector<16xf32>
        %mul3A_1245 = arith.mulf %mul3A_1244, %exp3A_1180 : vector<16xf32>
        %swap3A_1246 = arith.constant 3 : i32
        %swap3A_1247 = arith.constant 5 : i32
        %swap3A_1248 = arith.index_cast %swap3A_1246 : i32 to index
        %swap3A_1249 = arith.index_cast %swap3A_1247 : i32 to index
        %swap3A_1250 = arith.constant 16 : index
        %swap3A_1251 = tpu.vector_load %arg13[%swap3A_1248, %swap3A_1249, %swap3A_1250] {strides = array<i32>} : memref<4x16x32xf32, #tpu.memory_space<vmem>>, vector<16xf32>,
        tpu.vector_store %arg13[%swap3A_1248, %swap3A_1249, %swap3A_1250], %mul3A_1245 {strides = array<i32>} : memref<4x16x32xf32, #tpu.memory_space<vmem>>, vector<16xf32>,
        %swap3A_1252 = arith.constant 3 : i32
        %swap3A_1253 = arith.constant 7 : i32
        %swap3A_1254 = arith.index_cast %swap3A_1252 : i32 to index
        %swap3A_1255 = arith.index_cast %swap3A_1253 : i32 to index
        %swap3A_1256 = arith.constant 16 : index
        %swap3A_1257 = tpu.vector_load %arg13[%swap3A_1254, %swap3A_1255, %swap3A_1256] {strides = array<i32>} : memref<4x16x32xf32, #tpu.memory_space<vmem>>, vector<16xf32>,
        tpu.vector_store %arg13[%swap3A_1254, %swap3A_1255, %swap3A_1256], %mul3A_1245 {strides = array<i32>} : memref<4x16x32xf32, #tpu.memory_space<vmem>>, vector<16xf32>,
        %mul3A_1258 = arith.mulf %gather3A_1188, %exp3A_1180 : vector<16xf32>
        %swap3A_1259 = arith.constant 3 : i32
        %swap3A_1260 = arith.constant 10 : i32
        %swap3A_1261 = arith.index_cast %swap3A_1259 : i32 to index
        %swap3A_1262 = arith.index_cast %swap3A_1260 : i32 to index
        %swap3A_1263 = arith.constant 16 : index
        %swap3A_1264 = tpu.vector_load %arg13[%swap3A_1261, %swap3A_1262, %swap3A_1263] {strides = array<i32>} : memref<4x16x32xf32, #tpu.memory_space<vmem>>, vector<16xf32>,
        tpu.vector_store %arg13[%swap3A_1261, %swap3A_1262, %swap3A_1263], %mul3A_1258 {strides = array<i32>} : memref<4x16x32xf32, #tpu.memory_space<vmem>>, vector<16xf32>,
        %mul3A_1265 = arith.mulf %gather3A_1192, %gather3A_1192 : vector<16xf32>
        %mul3A_1266 = arith.mulf %mul3A_1265, %exp3A_1180 : vector<16xf32>
        %swap3A_1267 = arith.constant 3 : i32
        %swap3A_1268 = arith.constant 8 : i32
        %swap3A_1269 = arith.index_cast %swap3A_1267 : i32 to index
        %swap3A_1270 = arith.index_cast %swap3A_1268 : i32 to index
        %swap3A_1271 = arith.constant 16 : index
        %swap3A_1272 = tpu.vector_load %arg13[%swap3A_1269, %swap3A_1270, %swap3A_1271] {strides = array<i32>} : memref<4x16x32xf32, #tpu.memory_space<vmem>>, vector<16xf32>,
        tpu.vector_store %arg13[%swap3A_1269, %swap3A_1270, %swap3A_1271], %mul3A_1266 {strides = array<i32>} : memref<4x16x32xf32, #tpu.memory_space<vmem>>, vector<16xf32>,
        %mul3A_1273 = arith.mulf %gather3A_1192, %exp3A_1180 : vector<16xf32>
        %swap3A_1274 = arith.constant 3 : i32
        %swap3A_1275 = arith.constant 11 : i32
        %swap3A_1276 = arith.index_cast %swap3A_1274 : i32 to index
        %swap3A_1277 = arith.index_cast %swap3A_1275 : i32 to index
        %swap3A_1278 = arith.constant 16 : index
        %swap3A_1279 = tpu.vector_load %arg13[%swap3A_1276, %swap3A_1277, %swap3A_1278] {strides = array<i32>} : memref<4x16x32xf32, #tpu.memory_space<vmem>>, vector<16xf32>,
        tpu.vector_store %arg13[%swap3A_1276, %swap3A_1277, %swap3A_1278], %mul3A_1273 {strides = array<i32>} : memref<4x16x32xf32, #tpu.memory_space<vmem>>, vector<16xf32>,
        %swap3A_1280 = arith.constant 3 : i32
        %swap3A_1281 = arith.constant 12 : i32
        %swap3A_1282 = arith.index_cast %swap3A_1280 : i32 to index
        %swap3A_1283 = arith.index_cast %swap3A_1281 : i32 to index
        %swap3A_1284 = arith.constant 16 : index
        %swap3A_1285 = tpu.vector_load %arg13[%swap3A_1282, %swap3A_1283, %swap3A_1284] {strides = array<i32>} : memref<4x16x32xf32, #tpu.memory_space<vmem>>, vector<16xf32>,
        tpu.vector_store %arg13[%swap3A_1282, %swap3A_1283, %swap3A_1284], %exp3A_1180 {strides = array<i32>} : memref<4x16x32xf32, #tpu.memory_space<vmem>>, vector<16xf32>,
        %dma_wait3A_1286 = arith.constant 0 : i32
        %dma_wait3A_1287 = tpu.memref_slice %arg8[%add3A_368, %dma_wait3A_1286] : memref<160x128xi32, #tpu.memory_space<vmem>> -> memref<1x128xi32, #tpu.memory_space<vmem>>
        %dma_wait3A_1288 = tpu.memref_squeeze %dma_wait3A_1287 : memref<1x128xi32, #tpu.memory_space<vmem>> -> memref<128xi32, #tpu.memory_space<vmem>>
        %dma_wait3A_1289 = arith.constant 0 : i32
        %dma_wait3A_1290 = arith.constant 0 : i32
        %dma_wait3A_1291 = tpu.memref_slice %arg4[%dma_wait3A_1289, %dma_wait3A_1290] : memref<10000x128xf32, #tpu.memory_space<hbm>> -> memref<10000x128xf32, #tpu.memory_space<hbm>>
        tpu.wait_indirect_dma semaphore(%arg15 : memref<!tpu.dma_semaphore, #tpu.memory_space<semaphore_mem>>) src(%dma_wait3A_1291 : memref<10000x128xf32, #tpu.memory_space<hbm>>) dst(%arg11 : memref<128x128xf32, #tpu.memory_space<vmem>>)
        %add3A_1292 = arith.addi %multiple_of3A, %add3A_368 : i32
        %mul3A_1293 = arith.constant 4 : i32
        %mul3A_1294 = arith.muli %add3A_1292, %mul3A_1293 : i32
        %mul3A_1295 = arith.constant 32 : i32
        %mul3A_1296 = arith.muli %mul3A_1294, %mul3A_1295 : i32
        %multiple_of3A_1297 = tpu.assume_multiple %mul3A_1296, 128 : i32
        %dma_start3A_1298 = arith.constant 0 : i32
        %dma_start3A_1299 = tpu.memref_slice %arg6[%multiple_of3A_1297, %dma_start3A_1298] : memref<327680x128xf32, #tpu.memory_space<hbm>> -> memref<128x128xf32, #tpu.memory_space<hbm>>
        %dma_start3A_1300 = arith.constant 0 : i32
        %dma_start3A_1301 = tpu.memref_slice %arg6[%multiple_of3A_1297, %dma_start3A_1300] : memref<327680x128xf32, #tpu.memory_space<hbm>> -> memref<128x128xf32, #tpu.memory_space<hbm>>
        tpu.enqueue_dma source(%arg11 : memref<128x128xf32, #tpu.memory_space<vmem>>) target(%dma_start3A_1301 : memref<128x128xf32, #tpu.memory_space<hbm>>) target_semaphore(%arg17 : memref<!tpu.dma_semaphore, #tpu.memory_space<semaphore_mem>>)
        %add3A_1302 = arith.addi %multiple_of3A, %add3A_368 : i32
        %mul3A_1303 = arith.constant 4 : i32
        %mul3A_1304 = arith.muli %add3A_1302, %mul3A_1303 : i32
        %dma_start3A_1305 = arith.constant 0 : i32
        %dma_start3A_1306 = arith.constant 0 : i32
        %dma_start3A_1307 = tpu.memref_slice %arg7[%mul3A_1304, %dma_start3A_1305, %dma_start3A_1306] : memref<10240x16x32xf32, #tpu.memory_space<hbm>> -> memref<4x16x32xf32, #tpu.memory_space<hbm>>
        %dma_start3A_1308 = arith.constant 0 : i32
        %dma_start3A_1309 = arith.constant 0 : i32
        %dma_start3A_1310 = tpu.memref_slice %arg7[%mul3A_1304, %dma_start3A_1308, %dma_start3A_1309] : memref<10240x16x32xf32, #tpu.memory_space<hbm>> -> memref<4x16x32xf32, #tpu.memory_space<hbm>>
        tpu.enqueue_dma source(%arg13 : memref<4x16x32xf32, #tpu.memory_space<vmem>>) target(%dma_start3A_1310 : memref<4x16x32xf32, #tpu.memory_space<hbm>>) target_semaphore(%arg19 : memref<!tpu.dma_semaphore, #tpu.memory_space<semaphore_mem>>)
        %mul3A_1311 = arith.constant 2 : i32
        %mul3A_1312 = arith.muli %mul3A_1311, %scan3A_336 : i32
        %add3A_1313 = arith.constant 1 : i32
        %add3A_1314 = arith.addi %mul3A_1312, %add3A_1313 : i32
        %get3A_1315 = arith.index_cast %add3A_1314 : i32 to index
        %get3A_1316 = arith.constant 0 : index
        %get3A_1317 = tpu.vector_load %arg8[%get3A_1315, %get3A_1316] {strides = array<i32>} : memref<160x128xi32, #tpu.memory_space<vmem>>, vector<16xi32>,
        %get3A_1318 = arith.index_cast %add3A_1314 : i32 to index
        %get3A_1319 = arith.constant 0 : index
        %get3A_1320 = tpu.vector_load %arg9[%get3A_1318, %get3A_1319] {strides = array<i32>} : memref<160x128xf32, #tpu.memory_space<vmem>>, vector<16xf32>,
        %mul3A_1321 = arith.constant -1.000000e+01 : f32
        %mul3A_1322 = vector.broadcast %mul3A_1321 : f32 to vector<16xf32>
        %mul3A_1323 = arith.mulf %get3A_1320, %mul3A_1322 : vector<16xf32>
        %exp3A_1324 = math.exp %mul3A_1323 : vector<16xf32>
        %add3A_1325 = arith.constant 0 : i32
        %add3A_1326 = vector.broadcast %add3A_1325 : i32 to vector<16xi32>
        %add3A_1327 = arith.addi %get3A_1317, %add3A_1326 : vector<16xi32>
        %gather3A_1328 = tpu.vector_load_idx %arg10[%add3A_1327] : memref<30000xf32, #tpu.memory_space<vmem>>[vector<16xi32>], vector<16xf32>,
        %add3A_1329 = arith.constant 10000 : i32
        %add3A_1330 = vector.broadcast %add3A_1329 : i32 to vector<16xi32>
        %add3A_1331 = arith.addi %get3A_1317, %add3A_1330 : vector<16xi32>
        %gather3A_1332 = tpu.vector_load_idx %arg10[%add3A_1331] : memref<30000xf32, #tpu.memory_space<vmem>>[vector<16xi32>], vector<16xf32>,
        %add3A_1333 = arith.constant 20000 : i32
        %add3A_1334 = vector.broadcast %add3A_1333 : i32 to vector<16xi32>
        %add3A_1335 = arith.addi %get3A_1317, %add3A_1334 : vector<16xi32>
        %gather3A_1336 = tpu.vector_load_idx %arg10[%add3A_1335] : memref<30000xf32, #tpu.memory_space<vmem>>[vector<16xi32>], vector<16xf32>,
        %mul3A_1337 = arith.mulf %gather3A_1328, %gather3A_1328 : vector<16xf32>
        %mul3A_1338 = arith.mulf %mul3A_1337, %exp3A_1324 : vector<16xf32>
        %swap3A_1339 = arith.constant 0 : i32
        %swap3A_1340 = arith.constant 0 : i32
        %swap3A_1341 = arith.index_cast %swap3A_1339 : i32 to index
        %swap3A_1342 = arith.index_cast %swap3A_1340 : i32 to index
        %swap3A_1343 = arith.constant 0 : index
        %swap3A_1344 = tpu.vector_load %arg14[%swap3A_1341, %swap3A_1342, %swap3A_1343] {strides = array<i32>} : memref<4x16x32xf32, #tpu.memory_space<vmem>>, vector<16xf32>,
        tpu.vector_store %arg14[%swap3A_1341, %swap3A_1342, %swap3A_1343], %mul3A_1338 {strides = array<i32>} : memref<4x16x32xf32, #tpu.memory_space<vmem>>, vector<16xf32>,
        %mul3A_1345 = arith.mulf %gather3A_1328, %gather3A_1332 : vector<16xf32>
        %mul3A_1346 = arith.mulf %mul3A_1345, %exp3A_1324 : vector<16xf32>
        %swap3A_1347 = arith.constant 0 : i32
        %swap3A_1348 = arith.constant 1 : i32
        %swap3A_1349 = arith.index_cast %swap3A_1347 : i32 to index
        %swap3A_1350 = arith.index_cast %swap3A_1348 : i32 to index
        %swap3A_1351 = arith.constant 0 : index
        %swap3A_1352 = tpu.vector_load %arg14[%swap3A_1349, %swap3A_1350, %swap3A_1351] {strides = array<i32>} : memref<4x16x32xf32, #tpu.memory_space<vmem>>, vector<16xf32>,
        tpu.vector_store %arg14[%swap3A_1349, %swap3A_1350, %swap3A_1351], %mul3A_1346 {strides = array<i32>} : memref<4x16x32xf32, #tpu.memory_space<vmem>>, vector<16xf32>,
        %swap3A_1353 = arith.constant 0 : i32
        %swap3A_1354 = arith.constant 3 : i32
        %swap3A_1355 = arith.index_cast %swap3A_1353 : i32 to index
        %swap3A_1356 = arith.index_cast %swap3A_1354 : i32 to index
        %swap3A_1357 = arith.constant 0 : index
        %swap3A_1358 = tpu.vector_load %arg14[%swap3A_1355, %swap3A_1356, %swap3A_1357] {strides = array<i32>} : memref<4x16x32xf32, #tpu.memory_space<vmem>>, vector<16xf32>,
        tpu.vector_store %arg14[%swap3A_1355, %swap3A_1356, %swap3A_1357], %mul3A_1346 {strides = array<i32>} : memref<4x16x32xf32, #tpu.memory_space<vmem>>, vector<16xf32>,
        %mul3A_1359 = arith.mulf %gather3A_1328, %gather3A_1336 : vector<16xf32>
        %mul3A_1360 = arith.mulf %mul3A_1359, %exp3A_1324 : vector<16xf32>
        %swap3A_1361 = arith.constant 0 : i32
        %swap3A_1362 = arith.constant 2 : i32
        %swap3A_1363 = arith.index_cast %swap3A_1361 : i32 to index
        %swap3A_1364 = arith.index_cast %swap3A_1362 : i32 to index
        %swap3A_1365 = arith.constant 0 : index
        %swap3A_1366 = tpu.vector_load %arg14[%swap3A_1363, %swap3A_1364, %swap3A_1365] {strides = array<i32>} : memref<4x16x32xf32, #tpu.memory_space<vmem>>, vector<16xf32>,
        tpu.vector_store %arg14[%swap3A_1363, %swap3A_1364, %swap3A_1365], %mul3A_1360 {strides = array<i32>} : memref<4x16x32xf32, #tpu.memory_space<vmem>>, vector<16xf32>,
        %swap3A_1367 = arith.constant 0 : i32
        %swap3A_1368 = arith.constant 6 : i32
        %swap3A_1369 = arith.index_cast %swap3A_1367 : i32 to index
        %swap3A_1370 = arith.index_cast %swap3A_1368 : i32 to index
        %swap3A_1371 = arith.constant 0 : index
        %swap3A_1372 = tpu.vector_load %arg14[%swap3A_1369, %swap3A_1370, %swap3A_1371] {strides = array<i32>} : memref<4x16x32xf32, #tpu.memory_space<vmem>>, vector<16xf32>,
        tpu.vector_store %arg14[%swap3A_1369, %swap3A_1370, %swap3A_1371], %mul3A_1360 {strides = array<i32>} : memref<4x16x32xf32, #tpu.memory_space<vmem>>, vector<16xf32>,
        %mul3A_1373 = arith.mulf %gather3A_1328, %exp3A_1324 : vector<16xf32>
        %swap3A_1374 = arith.constant 0 : i32
        %swap3A_1375 = arith.constant 9 : i32
        %swap3A_1376 = arith.index_cast %swap3A_1374 : i32 to index
        %swap3A_1377 = arith.index_cast %swap3A_1375 : i32 to index
        %swap3A_1378 = arith.constant 0 : index
        %swap3A_1379 = tpu.vector_load %arg14[%swap3A_1376, %swap3A_1377, %swap3A_1378] {strides = array<i32>} : memref<4x16x32xf32, #tpu.memory_space<vmem>>, vector<16xf32>,
        tpu.vector_store %arg14[%swap3A_1376, %swap3A_1377, %swap3A_1378], %mul3A_1373 {strides = array<i32>} : memref<4x16x32xf32, #tpu.memory_space<vmem>>, vector<16xf32>,
        %mul3A_1380 = arith.mulf %gather3A_1332, %gather3A_1332 : vector<16xf32>
        %mul3A_1381 = arith.mulf %mul3A_1380, %exp3A_1324 : vector<16xf32>
        %swap3A_1382 = arith.constant 0 : i32
        %swap3A_1383 = arith.constant 4 : i32
        %swap3A_1384 = arith.index_cast %swap3A_1382 : i32 to index
        %swap3A_1385 = arith.index_cast %swap3A_1383 : i32 to index
        %swap3A_1386 = arith.constant 0 : index
        %swap3A_1387 = tpu.vector_load %arg14[%swap3A_1384, %swap3A_1385, %swap3A_1386] {strides = array<i32>} : memref<4x16x32xf32, #tpu.memory_space<vmem>>, vector<16xf32>,
        tpu.vector_store %arg14[%swap3A_1384, %swap3A_1385, %swap3A_1386], %mul3A_1381 {strides = array<i32>} : memref<4x16x32xf32, #tpu.memory_space<vmem>>, vector<16xf32>,
        %mul3A_1388 = arith.mulf %gather3A_1332, %gather3A_1336 : vector<16xf32>
        %mul3A_1389 = arith.mulf %mul3A_1388, %exp3A_1324 : vector<16xf32>
        %swap3A_1390 = arith.constant 0 : i32
        %swap3A_1391 = arith.constant 5 : i32
        %swap3A_1392 = arith.index_cast %swap3A_1390 : i32 to index
        %swap3A_1393 = arith.index_cast %swap3A_1391 : i32 to index
        %swap3A_1394 = arith.constant 0 : index
        %swap3A_1395 = tpu.vector_load %arg14[%swap3A_1392, %swap3A_1393, %swap3A_1394] {strides = array<i32>} : memref<4x16x32xf32, #tpu.memory_space<vmem>>, vector<16xf32>,
        tpu.vector_store %arg14[%swap3A_1392, %swap3A_1393, %swap3A_1394], %mul3A_1389 {strides = array<i32>} : memref<4x16x32xf32, #tpu.memory_space<vmem>>, vector<16xf32>,
        %swap3A_1396 = arith.constant 0 : i32
        %swap3A_1397 = arith.constant 7 : i32
        %swap3A_1398 = arith.index_cast %swap3A_1396 : i32 to index
        %swap3A_1399 = arith.index_cast %swap3A_1397 : i32 to index
        %swap3A_1400 = arith.constant 0 : index
        %swap3A_1401 = tpu.vector_load %arg14[%swap3A_1398, %swap3A_1399, %swap3A_1400] {strides = array<i32>} : memref<4x16x32xf32, #tpu.memory_space<vmem>>, vector<16xf32>,
        tpu.vector_store %arg14[%swap3A_1398, %swap3A_1399, %swap3A_1400], %mul3A_1389 {strides = array<i32>} : memref<4x16x32xf32, #tpu.memory_space<vmem>>, vector<16xf32>,
        %mul3A_1402 = arith.mulf %gather3A_1332, %exp3A_1324 : vector<16xf32>
        %swap3A_1403 = arith.constant 0 : i32
        %swap3A_1404 = arith.constant 10 : i32
        %swap3A_1405 = arith.index_cast %swap3A_1403 : i32 to index
        %swap3A_1406 = arith.index_cast %swap3A_1404 : i32 to index
        %swap3A_1407 = arith.constant 0 : index
        %swap3A_1408 = tpu.vector_load %arg14[%swap3A_1405, %swap3A_1406, %swap3A_1407] {strides = array<i32>} : memref<4x16x32xf32, #tpu.memory_space<vmem>>, vector<16xf32>,
        tpu.vector_store %arg14[%swap3A_1405, %swap3A_1406, %swap3A_1407], %mul3A_1402 {strides = array<i32>} : memref<4x16x32xf32, #tpu.memory_space<vmem>>, vector<16xf32>,
        %mul3A_1409 = arith.mulf %gather3A_1336, %gather3A_1336 : vector<16xf32>
        %mul3A_1410 = arith.mulf %mul3A_1409, %exp3A_1324 : vector<16xf32>
        %swap3A_1411 = arith.constant 0 : i32
        %swap3A_1412 = arith.constant 8 : i32
        %swap3A_1413 = arith.index_cast %swap3A_1411 : i32 to index
        %swap3A_1414 = arith.index_cast %swap3A_1412 : i32 to index
        %swap3A_1415 = arith.constant 0 : index
        %swap3A_1416 = tpu.vector_load %arg14[%swap3A_1413, %swap3A_1414, %swap3A_1415] {strides = array<i32>} : memref<4x16x32xf32, #tpu.memory_space<vmem>>, vector<16xf32>,
        tpu.vector_store %arg14[%swap3A_1413, %swap3A_1414, %swap3A_1415], %mul3A_1410 {strides = array<i32>} : memref<4x16x32xf32, #tpu.memory_space<vmem>>, vector<16xf32>,
        %mul3A_1417 = arith.mulf %gather3A_1336, %exp3A_1324 : vector<16xf32>
        %swap3A_1418 = arith.constant 0 : i32
        %swap3A_1419 = arith.constant 11 : i32
        %swap3A_1420 = arith.index_cast %swap3A_1418 : i32 to index
        %swap3A_1421 = arith.index_cast %swap3A_1419 : i32 to index
        %swap3A_1422 = arith.constant 0 : index
        %swap3A_1423 = tpu.vector_load %arg14[%swap3A_1420, %swap3A_1421, %swap3A_1422] {strides = array<i32>} : memref<4x16x32xf32, #tpu.memory_space<vmem>>, vector<16xf32>,
        tpu.vector_store %arg14[%swap3A_1420, %swap3A_1421, %swap3A_1422], %mul3A_1417 {strides = array<i32>} : memref<4x16x32xf32, #tpu.memory_space<vmem>>, vector<16xf32>,
        %swap3A_1424 = arith.constant 0 : i32
        %swap3A_1425 = arith.constant 12 : i32
        %swap3A_1426 = arith.index_cast %swap3A_1424 : i32 to index
        %swap3A_1427 = arith.index_cast %swap3A_1425 : i32 to index
        %swap3A_1428 = arith.constant 0 : index
        %swap3A_1429 = tpu.vector_load %arg14[%swap3A_1426, %swap3A_1427, %swap3A_1428] {strides = array<i32>} : memref<4x16x32xf32, #tpu.memory_space<vmem>>, vector<16xf32>,
        tpu.vector_store %arg14[%swap3A_1426, %swap3A_1427, %swap3A_1428], %exp3A_1324 {strides = array<i32>} : memref<4x16x32xf32, #tpu.memory_space<vmem>>, vector<16xf32>,
        %get3A_1430 = arith.index_cast %add3A_1314 : i32 to index
        %get3A_1431 = arith.constant 16 : index
        %get3A_1432 = tpu.vector_load %arg8[%get3A_1430, %get3A_1431] {strides = array<i32>} : memref<160x128xi32, #tpu.memory_space<vmem>>, vector<16xi32>,
        %get3A_1433 = arith.index_cast %add3A_1314 : i32 to index
        %get3A_1434 = arith.constant 16 : index
        %get3A_1435 = tpu.vector_load %arg9[%get3A_1433, %get3A_1434] {strides = array<i32>} : memref<160x128xf32, #tpu.memory_space<vmem>>, vector<16xf32>,
        %mul3A_1436 = arith.constant -1.000000e+01 : f32
        %mul3A_1437 = vector.broadcast %mul3A_1436 : f32 to vector<16xf32>
        %mul3A_1438 = arith.mulf %get3A_1435, %mul3A_1437 : vector<16xf32>
        %exp3A_1439 = math.exp %mul3A_1438 : vector<16xf32>
        %add3A_1440 = arith.constant 0 : i32
        %add3A_1441 = vector.broadcast %add3A_1440 : i32 to vector<16xi32>
        %add3A_1442 = arith.addi %get3A_1432, %add3A_1441 : vector<16xi32>
        %gather3A_1443 = tpu.vector_load_idx %arg10[%add3A_1442] : memref<30000xf32, #tpu.memory_space<vmem>>[vector<16xi32>], vector<16xf32>,
        %add3A_1444 = arith.constant 10000 : i32
        %add3A_1445 = vector.broadcast %add3A_1444 : i32 to vector<16xi32>
        %add3A_1446 = arith.addi %get3A_1432, %add3A_1445 : vector<16xi32>
        %gather3A_1447 = tpu.vector_load_idx %arg10[%add3A_1446] : memref<30000xf32, #tpu.memory_space<vmem>>[vector<16xi32>], vector<16xf32>,
        %add3A_1448 = arith.constant 20000 : i32
        %add3A_1449 = vector.broadcast %add3A_1448 : i32 to vector<16xi32>
        %add3A_1450 = arith.addi %get3A_1432, %add3A_1449 : vector<16xi32>
        %gather3A_1451 = tpu.vector_load_idx %arg10[%add3A_1450] : memref<30000xf32, #tpu.memory_space<vmem>>[vector<16xi32>], vector<16xf32>,
        %mul3A_1452 = arith.mulf %gather3A_1443, %gather3A_1443 : vector<16xf32>
        %mul3A_1453 = arith.mulf %mul3A_1452, %exp3A_1439 : vector<16xf32>
        %swap3A_1454 = arith.constant 0 : i32
        %swap3A_1455 = arith.constant 0 : i32
        %swap3A_1456 = arith.index_cast %swap3A_1454 : i32 to index
        %swap3A_1457 = arith.index_cast %swap3A_1455 : i32 to index
        %swap3A_1458 = arith.constant 16 : index
        %swap3A_1459 = tpu.vector_load %arg14[%swap3A_1456, %swap3A_1457, %swap3A_1458] {strides = array<i32>} : memref<4x16x32xf32, #tpu.memory_space<vmem>>, vector<16xf32>,
        tpu.vector_store %arg14[%swap3A_1456, %swap3A_1457, %swap3A_1458], %mul3A_1453 {strides = array<i32>} : memref<4x16x32xf32, #tpu.memory_space<vmem>>, vector<16xf32>,
        %mul3A_1460 = arith.mulf %gather3A_1443, %gather3A_1447 : vector<16xf32>
        %mul3A_1461 = arith.mulf %mul3A_1460, %exp3A_1439 : vector<16xf32>
        %swap3A_1462 = arith.constant 0 : i32
        %swap3A_1463 = arith.constant 1 : i32
        %swap3A_1464 = arith.index_cast %swap3A_1462 : i32 to index
        %swap3A_1465 = arith.index_cast %swap3A_1463 : i32 to index
        %swap3A_1466 = arith.constant 16 : index
        %swap3A_1467 = tpu.vector_load %arg14[%swap3A_1464, %swap3A_1465, %swap3A_1466] {strides = array<i32>} : memref<4x16x32xf32, #tpu.memory_space<vmem>>, vector<16xf32>,
        tpu.vector_store %arg14[%swap3A_1464, %swap3A_1465, %swap3A_1466], %mul3A_1461 {strides = array<i32>} : memref<4x16x32xf32, #tpu.memory_space<vmem>>, vector<16xf32>,
        %swap3A_1468 = arith.constant 0 : i32
        %swap3A_1469 = arith.constant 3 : i32
        %swap3A_1470 = arith.index_cast %swap3A_1468 : i32 to index
        %swap3A_1471 = arith.index_cast %swap3A_1469 : i32 to index
        %swap3A_1472 = arith.constant 16 : index
        %swap3A_1473 = tpu.vector_load %arg14[%swap3A_1470, %swap3A_1471, %swap3A_1472] {strides = array<i32>} : memref<4x16x32xf32, #tpu.memory_space<vmem>>, vector<16xf32>,
        tpu.vector_store %arg14[%swap3A_1470, %swap3A_1471, %swap3A_1472], %mul3A_1461 {strides = array<i32>} : memref<4x16x32xf32, #tpu.memory_space<vmem>>, vector<16xf32>,
        %mul3A_1474 = arith.mulf %gather3A_1443, %gather3A_1451 : vector<16xf32>
        %mul3A_1475 = arith.mulf %mul3A_1474, %exp3A_1439 : vector<16xf32>
        %swap3A_1476 = arith.constant 0 : i32
        %swap3A_1477 = arith.constant 2 : i32
        %swap3A_1478 = arith.index_cast %swap3A_1476 : i32 to index
        %swap3A_1479 = arith.index_cast %swap3A_1477 : i32 to index
        %swap3A_1480 = arith.constant 16 : index
        %swap3A_1481 = tpu.vector_load %arg14[%swap3A_1478, %swap3A_1479, %swap3A_1480] {strides = array<i32>} : memref<4x16x32xf32, #tpu.memory_space<vmem>>, vector<16xf32>,
        tpu.vector_store %arg14[%swap3A_1478, %swap3A_1479, %swap3A_1480], %mul3A_1475 {strides = array<i32>} : memref<4x16x32xf32, #tpu.memory_space<vmem>>, vector<16xf32>,
        %swap3A_1482 = arith.constant 0 : i32
        %swap3A_1483 = arith.constant 6 : i32
        %swap3A_1484 = arith.index_cast %swap3A_1482 : i32 to index
        %swap3A_1485 = arith.index_cast %swap3A_1483 : i32 to index
        %swap3A_1486 = arith.constant 16 : index
        %swap3A_1487 = tpu.vector_load %arg14[%swap3A_1484, %swap3A_1485, %swap3A_1486] {strides = array<i32>} : memref<4x16x32xf32, #tpu.memory_space<vmem>>, vector<16xf32>,
        tpu.vector_store %arg14[%swap3A_1484, %swap3A_1485, %swap3A_1486], %mul3A_1475 {strides = array<i32>} : memref<4x16x32xf32, #tpu.memory_space<vmem>>, vector<16xf32>,
        %mul3A_1488 = arith.mulf %gather3A_1443, %exp3A_1439 : vector<16xf32>
        %swap3A_1489 = arith.constant 0 : i32
        %swap3A_1490 = arith.constant 9 : i32
        %swap3A_1491 = arith.index_cast %swap3A_1489 : i32 to index
        %swap3A_1492 = arith.index_cast %swap3A_1490 : i32 to index
        %swap3A_1493 = arith.constant 16 : index
        %swap3A_1494 = tpu.vector_load %arg14[%swap3A_1491, %swap3A_1492, %swap3A_1493] {strides = array<i32>} : memref<4x16x32xf32, #tpu.memory_space<vmem>>, vector<16xf32>,
        tpu.vector_store %arg14[%swap3A_1491, %swap3A_1492, %swap3A_1493], %mul3A_1488 {strides = array<i32>} : memref<4x16x32xf32, #tpu.memory_space<vmem>>, vector<16xf32>,
        %mul3A_1495 = arith.mulf %gather3A_1447, %gather3A_1447 : vector<16xf32>
        %mul3A_1496 = arith.mulf %mul3A_1495, %exp3A_1439 : vector<16xf32>
        %swap3A_1497 = arith.constant 0 : i32
        %swap3A_1498 = arith.constant 4 : i32
        %swap3A_1499 = arith.index_cast %swap3A_1497 : i32 to index
        %swap3A_1500 = arith.index_cast %swap3A_1498 : i32 to index
        %swap3A_1501 = arith.constant 16 : index
        %swap3A_1502 = tpu.vector_load %arg14[%swap3A_1499, %swap3A_1500, %swap3A_1501] {strides = array<i32>} : memref<4x16x32xf32, #tpu.memory_space<vmem>>, vector<16xf32>,
        tpu.vector_store %arg14[%swap3A_1499, %swap3A_1500, %swap3A_1501], %mul3A_1496 {strides = array<i32>} : memref<4x16x32xf32, #tpu.memory_space<vmem>>, vector<16xf32>,
        %mul3A_1503 = arith.mulf %gather3A_1447, %gather3A_1451 : vector<16xf32>
        %mul3A_1504 = arith.mulf %mul3A_1503, %exp3A_1439 : vector<16xf32>
        %swap3A_1505 = arith.constant 0 : i32
        %swap3A_1506 = arith.constant 5 : i32
        %swap3A_1507 = arith.index_cast %swap3A_1505 : i32 to index
        %swap3A_1508 = arith.index_cast %swap3A_1506 : i32 to index
        %swap3A_1509 = arith.constant 16 : index
        %swap3A_1510 = tpu.vector_load %arg14[%swap3A_1507, %swap3A_1508, %swap3A_1509] {strides = array<i32>} : memref<4x16x32xf32, #tpu.memory_space<vmem>>, vector<16xf32>,
        tpu.vector_store %arg14[%swap3A_1507, %swap3A_1508, %swap3A_1509], %mul3A_1504 {strides = array<i32>} : memref<4x16x32xf32, #tpu.memory_space<vmem>>, vector<16xf32>,
        %swap3A_1511 = arith.constant 0 : i32
        %swap3A_1512 = arith.constant 7 : i32
        %swap3A_1513 = arith.index_cast %swap3A_1511 : i32 to index
        %swap3A_1514 = arith.index_cast %swap3A_1512 : i32 to index
        %swap3A_1515 = arith.constant 16 : index
        %swap3A_1516 = tpu.vector_load %arg14[%swap3A_1513, %swap3A_1514, %swap3A_1515] {strides = array<i32>} : memref<4x16x32xf32, #tpu.memory_space<vmem>>, vector<16xf32>,
        tpu.vector_store %arg14[%swap3A_1513, %swap3A_1514, %swap3A_1515], %mul3A_1504 {strides = array<i32>} : memref<4x16x32xf32, #tpu.memory_space<vmem>>, vector<16xf32>,
        %mul3A_1517 = arith.mulf %gather3A_1447, %exp3A_1439 : vector<16xf32>
        %swap3A_1518 = arith.constant 0 : i32
        %swap3A_1519 = arith.constant 10 : i32
        %swap3A_1520 = arith.index_cast %swap3A_1518 : i32 to index
        %swap3A_1521 = arith.index_cast %swap3A_1519 : i32 to index
        %swap3A_1522 = arith.constant 16 : index
        %swap3A_1523 = tpu.vector_load %arg14[%swap3A_1520, %swap3A_1521, %swap3A_1522] {strides = array<i32>} : memref<4x16x32xf32, #tpu.memory_space<vmem>>, vector<16xf32>,
        tpu.vector_store %arg14[%swap3A_1520, %swap3A_1521, %swap3A_1522], %mul3A_1517 {strides = array<i32>} : memref<4x16x32xf32, #tpu.memory_space<vmem>>, vector<16xf32>,
        %mul3A_1524 = arith.mulf %gather3A_1451, %gather3A_1451 : vector<16xf32>
        %mul3A_1525 = arith.mulf %mul3A_1524, %exp3A_1439 : vector<16xf32>
        %swap3A_1526 = arith.constant 0 : i32
        %swap3A_1527 = arith.constant 8 : i32
        %swap3A_1528 = arith.index_cast %swap3A_1526 : i32 to index
        %swap3A_1529 = arith.index_cast %swap3A_1527 : i32 to index
        %swap3A_1530 = arith.constant 16 : index
        %swap3A_1531 = tpu.vector_load %arg14[%swap3A_1528, %swap3A_1529, %swap3A_1530] {strides = array<i32>} : memref<4x16x32xf32, #tpu.memory_space<vmem>>, vector<16xf32>,
        tpu.vector_store %arg14[%swap3A_1528, %swap3A_1529, %swap3A_1530], %mul3A_1525 {strides = array<i32>} : memref<4x16x32xf32, #tpu.memory_space<vmem>>, vector<16xf32>,
        %mul3A_1532 = arith.mulf %gather3A_1451, %exp3A_1439 : vector<16xf32>
        %swap3A_1533 = arith.constant 0 : i32
        %swap3A_1534 = arith.constant 11 : i32
        %swap3A_1535 = arith.index_cast %swap3A_1533 : i32 to index
        %swap3A_1536 = arith.index_cast %swap3A_1534 : i32 to index
        %swap3A_1537 = arith.constant 16 : index
        %swap3A_1538 = tpu.vector_load %arg14[%swap3A_1535, %swap3A_1536, %swap3A_1537] {strides = array<i32>} : memref<4x16x32xf32, #tpu.memory_space<vmem>>, vector<16xf32>,
        tpu.vector_store %arg14[%swap3A_1535, %swap3A_1536, %swap3A_1537], %mul3A_1532 {strides = array<i32>} : memref<4x16x32xf32, #tpu.memory_space<vmem>>, vector<16xf32>,
        %swap3A_1539 = arith.constant 0 : i32
        %swap3A_1540 = arith.constant 12 : i32
        %swap3A_1541 = arith.index_cast %swap3A_1539 : i32 to index
        %swap3A_1542 = arith.index_cast %swap3A_1540 : i32 to index
        %swap3A_1543 = arith.constant 16 : index
        %swap3A_1544 = tpu.vector_load %arg14[%swap3A_1541, %swap3A_1542, %swap3A_1543] {strides = array<i32>} : memref<4x16x32xf32, #tpu.memory_space<vmem>>, vector<16xf32>,
        tpu.vector_store %arg14[%swap3A_1541, %swap3A_1542, %swap3A_1543], %exp3A_1439 {strides = array<i32>} : memref<4x16x32xf32, #tpu.memory_space<vmem>>, vector<16xf32>,
        %get3A_1545 = arith.index_cast %add3A_1314 : i32 to index
        %get3A_1546 = arith.constant 32 : index
        %get3A_1547 = tpu.vector_load %arg8[%get3A_1545, %get3A_1546] {strides = array<i32>} : memref<160x128xi32, #tpu.memory_space<vmem>>, vector<16xi32>,
        %get3A_1548 = arith.index_cast %add3A_1314 : i32 to index
        %get3A_1549 = arith.constant 32 : index
        %get3A_1550 = tpu.vector_load %arg9[%get3A_1548, %get3A_1549] {strides = array<i32>} : memref<160x128xf32, #tpu.memory_space<vmem>>, vector<16xf32>,
        %mul3A_1551 = arith.constant -1.000000e+01 : f32
        %mul3A_1552 = vector.broadcast %mul3A_1551 : f32 to vector<16xf32>
        %mul3A_1553 = arith.mulf %get3A_1550, %mul3A_1552 : vector<16xf32>
        %exp3A_1554 = math.exp %mul3A_1553 : vector<16xf32>
        %add3A_1555 = arith.constant 0 : i32
        %add3A_1556 = vector.broadcast %add3A_1555 : i32 to vector<16xi32>
        %add3A_1557 = arith.addi %get3A_1547, %add3A_1556 : vector<16xi32>
        %gather3A_1558 = tpu.vector_load_idx %arg10[%add3A_1557] : memref<30000xf32, #tpu.memory_space<vmem>>[vector<16xi32>], vector<16xf32>,
        %add3A_1559 = arith.constant 10000 : i32
        %add3A_1560 = vector.broadcast %add3A_1559 : i32 to vector<16xi32>
        %add3A_1561 = arith.addi %get3A_1547, %add3A_1560 : vector<16xi32>
        %gather3A_1562 = tpu.vector_load_idx %arg10[%add3A_1561] : memref<30000xf32, #tpu.memory_space<vmem>>[vector<16xi32>], vector<16xf32>,
        %add3A_1563 = arith.constant 20000 : i32
        %add3A_1564 = vector.broadcast %add3A_1563 : i32 to vector<16xi32>
        %add3A_1565 = arith.addi %get3A_1547, %add3A_1564 : vector<16xi32>
        %gather3A_1566 = tpu.vector_load_idx %arg10[%add3A_1565] : memref<30000xf32, #tpu.memory_space<vmem>>[vector<16xi32>], vector<16xf32>,
        %mul3A_1567 = arith.mulf %gather3A_1558, %gather3A_1558 : vector<16xf32>
        %mul3A_1568 = arith.mulf %mul3A_1567, %exp3A_1554 : vector<16xf32>
        %swap3A_1569 = arith.constant 1 : i32
        %swap3A_1570 = arith.constant 0 : i32
        %swap3A_1571 = arith.index_cast %swap3A_1569 : i32 to index
        %swap3A_1572 = arith.index_cast %swap3A_1570 : i32 to index
        %swap3A_1573 = arith.constant 0 : index
        %swap3A_1574 = tpu.vector_load %arg14[%swap3A_1571, %swap3A_1572, %swap3A_1573] {strides = array<i32>} : memref<4x16x32xf32, #tpu.memory_space<vmem>>, vector<16xf32>,
        tpu.vector_store %arg14[%swap3A_1571, %swap3A_1572, %swap3A_1573], %mul3A_1568 {strides = array<i32>} : memref<4x16x32xf32, #tpu.memory_space<vmem>>, vector<16xf32>,
        %mul3A_1575 = arith.mulf %gather3A_1558, %gather3A_1562 : vector<16xf32>
        %mul3A_1576 = arith.mulf %mul3A_1575, %exp3A_1554 : vector<16xf32>
        %swap3A_1577 = arith.constant 1 : i32
        %swap3A_1578 = arith.constant 1 : i32
        %swap3A_1579 = arith.index_cast %swap3A_1577 : i32 to index
        %swap3A_1580 = arith.index_cast %swap3A_1578 : i32 to index
        %swap3A_1581 = arith.constant 0 : index
        %swap3A_1582 = tpu.vector_load %arg14[%swap3A_1579, %swap3A_1580, %swap3A_1581] {strides = array<i32>} : memref<4x16x32xf32, #tpu.memory_space<vmem>>, vector<16xf32>,
        tpu.vector_store %arg14[%swap3A_1579, %swap3A_1580, %swap3A_1581], %mul3A_1576 {strides = array<i32>} : memref<4x16x32xf32, #tpu.memory_space<vmem>>, vector<16xf32>,
        %swap3A_1583 = arith.constant 1 : i32
        %swap3A_1584 = arith.constant 3 : i32
        %swap3A_1585 = arith.index_cast %swap3A_1583 : i32 to index
        %swap3A_1586 = arith.index_cast %swap3A_1584 : i32 to index
        %swap3A_1587 = arith.constant 0 : index
        %swap3A_1588 = tpu.vector_load %arg14[%swap3A_1585, %swap3A_1586, %swap3A_1587] {strides = array<i32>} : memref<4x16x32xf32, #tpu.memory_space<vmem>>, vector<16xf32>,
        tpu.vector_store %arg14[%swap3A_1585, %swap3A_1586, %swap3A_1587], %mul3A_1576 {strides = array<i32>} : memref<4x16x32xf32, #tpu.memory_space<vmem>>, vector<16xf32>,
        %mul3A_1589 = arith.mulf %gather3A_1558, %gather3A_1566 : vector<16xf32>
        %mul3A_1590 = arith.mulf %mul3A_1589, %exp3A_1554 : vector<16xf32>
        %swap3A_1591 = arith.constant 1 : i32
        %swap3A_1592 = arith.constant 2 : i32
        %swap3A_1593 = arith.index_cast %swap3A_1591 : i32 to index
        %swap3A_1594 = arith.index_cast %swap3A_1592 : i32 to index
        %swap3A_1595 = arith.constant 0 : index
        %swap3A_1596 = tpu.vector_load %arg14[%swap3A_1593, %swap3A_1594, %swap3A_1595] {strides = array<i32>} : memref<4x16x32xf32, #tpu.memory_space<vmem>>, vector<16xf32>,
        tpu.vector_store %arg14[%swap3A_1593, %swap3A_1594, %swap3A_1595], %mul3A_1590 {strides = array<i32>} : memref<4x16x32xf32, #tpu.memory_space<vmem>>, vector<16xf32>,
        %swap3A_1597 = arith.constant 1 : i32
        %swap3A_1598 = arith.constant 6 : i32
        %swap3A_1599 = arith.index_cast %swap3A_1597 : i32 to index
        %swap3A_1600 = arith.index_cast %swap3A_1598 : i32 to index
        %swap3A_1601 = arith.constant 0 : index
        %swap3A_1602 = tpu.vector_load %arg14[%swap3A_1599, %swap3A_1600, %swap3A_1601] {strides = array<i32>} : memref<4x16x32xf32, #tpu.memory_space<vmem>>, vector<16xf32>,
        tpu.vector_store %arg14[%swap3A_1599, %swap3A_1600, %swap3A_1601], %mul3A_1590 {strides = array<i32>} : memref<4x16x32xf32, #tpu.memory_space<vmem>>, vector<16xf32>,
        %mul3A_1603 = arith.mulf %gather3A_1558, %exp3A_1554 : vector<16xf32>
        %swap3A_1604 = arith.constant 1 : i32
        %swap3A_1605 = arith.constant 9 : i32
        %swap3A_1606 = arith.index_cast %swap3A_1604 : i32 to index
        %swap3A_1607 = arith.index_cast %swap3A_1605 : i32 to index
        %swap3A_1608 = arith.constant 0 : index
        %swap3A_1609 = tpu.vector_load %arg14[%swap3A_1606, %swap3A_1607, %swap3A_1608] {strides = array<i32>} : memref<4x16x32xf32, #tpu.memory_space<vmem>>, vector<16xf32>,
        tpu.vector_store %arg14[%swap3A_1606, %swap3A_1607, %swap3A_1608], %mul3A_1603 {strides = array<i32>} : memref<4x16x32xf32, #tpu.memory_space<vmem>>, vector<16xf32>,
        %mul3A_1610 = arith.mulf %gather3A_1562, %gather3A_1562 : vector<16xf32>
        %mul3A_1611 = arith.mulf %mul3A_1610, %exp3A_1554 : vector<16xf32>
        %swap3A_1612 = arith.constant 1 : i32
        %swap3A_1613 = arith.constant 4 : i32
        %swap3A_1614 = arith.index_cast %swap3A_1612 : i32 to index
        %swap3A_1615 = arith.index_cast %swap3A_1613 : i32 to index
        %swap3A_1616 = arith.constant 0 : index
        %swap3A_1617 = tpu.vector_load %arg14[%swap3A_1614, %swap3A_1615, %swap3A_1616] {strides = array<i32>} : memref<4x16x32xf32, #tpu.memory_space<vmem>>, vector<16xf32>,
        tpu.vector_store %arg14[%swap3A_1614, %swap3A_1615, %swap3A_1616], %mul3A_1611 {strides = array<i32>} : memref<4x16x32xf32, #tpu.memory_space<vmem>>, vector<16xf32>,
        %mul3A_1618 = arith.mulf %gather3A_1562, %gather3A_1566 : vector<16xf32>
        %mul3A_1619 = arith.mulf %mul3A_1618, %exp3A_1554 : vector<16xf32>
        %swap3A_1620 = arith.constant 1 : i32
        %swap3A_1621 = arith.constant 5 : i32
        %swap3A_1622 = arith.index_cast %swap3A_1620 : i32 to index
        %swap3A_1623 = arith.index_cast %swap3A_1621 : i32 to index
        %swap3A_1624 = arith.constant 0 : index
        %swap3A_1625 = tpu.vector_load %arg14[%swap3A_1622, %swap3A_1623, %swap3A_1624] {strides = array<i32>} : memref<4x16x32xf32, #tpu.memory_space<vmem>>, vector<16xf32>,
        tpu.vector_store %arg14[%swap3A_1622, %swap3A_1623, %swap3A_1624], %mul3A_1619 {strides = array<i32>} : memref<4x16x32xf32, #tpu.memory_space<vmem>>, vector<16xf32>,
        %swap3A_1626 = arith.constant 1 : i32
        %swap3A_1627 = arith.constant 7 : i32
        %swap3A_1628 = arith.index_cast %swap3A_1626 : i32 to index
        %swap3A_1629 = arith.index_cast %swap3A_1627 : i32 to index
        %swap3A_1630 = arith.constant 0 : index
        %swap3A_1631 = tpu.vector_load %arg14[%swap3A_1628, %swap3A_1629, %swap3A_1630] {strides = array<i32>} : memref<4x16x32xf32, #tpu.memory_space<vmem>>, vector<16xf32>,
        tpu.vector_store %arg14[%swap3A_1628, %swap3A_1629, %swap3A_1630], %mul3A_1619 {strides = array<i32>} : memref<4x16x32xf32, #tpu.memory_space<vmem>>, vector<16xf32>,
        %mul3A_1632 = arith.mulf %gather3A_1562, %exp3A_1554 : vector<16xf32>
        %swap3A_1633 = arith.constant 1 : i32
        %swap3A_1634 = arith.constant 10 : i32
        %swap3A_1635 = arith.index_cast %swap3A_1633 : i32 to index
        %swap3A_1636 = arith.index_cast %swap3A_1634 : i32 to index
        %swap3A_1637 = arith.constant 0 : index
        %swap3A_1638 = tpu.vector_load %arg14[%swap3A_1635, %swap3A_1636, %swap3A_1637] {strides = array<i32>} : memref<4x16x32xf32, #tpu.memory_space<vmem>>, vector<16xf32>,
        tpu.vector_store %arg14[%swap3A_1635, %swap3A_1636, %swap3A_1637], %mul3A_1632 {strides = array<i32>} : memref<4x16x32xf32, #tpu.memory_space<vmem>>, vector<16xf32>,
        %mul3A_1639 = arith.mulf %gather3A_1566, %gather3A_1566 : vector<16xf32>
        %mul3A_1640 = arith.mulf %mul3A_1639, %exp3A_1554 : vector<16xf32>
        %swap3A_1641 = arith.constant 1 : i32
        %swap3A_1642 = arith.constant 8 : i32
        %swap3A_1643 = arith.index_cast %swap3A_1641 : i32 to index
        %swap3A_1644 = arith.index_cast %swap3A_1642 : i32 to index
        %swap3A_1645 = arith.constant 0 : index
        %swap3A_1646 = tpu.vector_load %arg14[%swap3A_1643, %swap3A_1644, %swap3A_1645] {strides = array<i32>} : memref<4x16x32xf32, #tpu.memory_space<vmem>>, vector<16xf32>,
        tpu.vector_store %arg14[%swap3A_1643, %swap3A_1644, %swap3A_1645], %mul3A_1640 {strides = array<i32>} : memref<4x16x32xf32, #tpu.memory_space<vmem>>, vector<16xf32>,
        %mul3A_1647 = arith.mulf %gather3A_1566, %exp3A_1554 : vector<16xf32>
        %swap3A_1648 = arith.constant 1 : i32
        %swap3A_1649 = arith.constant 11 : i32
        %swap3A_1650 = arith.index_cast %swap3A_1648 : i32 to index
        %swap3A_1651 = arith.index_cast %swap3A_1649 : i32 to index
        %swap3A_1652 = arith.constant 0 : index
        %swap3A_1653 = tpu.vector_load %arg14[%swap3A_1650, %swap3A_1651, %swap3A_1652] {strides = array<i32>} : memref<4x16x32xf32, #tpu.memory_space<vmem>>, vector<16xf32>,
        tpu.vector_store %arg14[%swap3A_1650, %swap3A_1651, %swap3A_1652], %mul3A_1647 {strides = array<i32>} : memref<4x16x32xf32, #tpu.memory_space<vmem>>, vector<16xf32>,
        %swap3A_1654 = arith.constant 1 : i32
        %swap3A_1655 = arith.constant 12 : i32
        %swap3A_1656 = arith.index_cast %swap3A_1654 : i32 to index
        %swap3A_1657 = arith.index_cast %swap3A_1655 : i32 to index
        %swap3A_1658 = arith.constant 0 : index
        %swap3A_1659 = tpu.vector_load %arg14[%swap3A_1656, %swap3A_1657, %swap3A_1658] {strides = array<i32>} : memref<4x16x32xf32, #tpu.memory_space<vmem>>, vector<16xf32>,
        tpu.vector_store %arg14[%swap3A_1656, %swap3A_1657, %swap3A_1658], %exp3A_1554 {strides = array<i32>} : memref<4x16x32xf32, #tpu.memory_space<vmem>>, vector<16xf32>,
        %get3A_1660 = arith.index_cast %add3A_1314 : i32 to index
        %get3A_1661 = arith.constant 48 : index
        %get3A_1662 = tpu.vector_load %arg8[%get3A_1660, %get3A_1661] {strides = array<i32>} : memref<160x128xi32, #tpu.memory_space<vmem>>, vector<16xi32>,
        %get3A_1663 = arith.index_cast %add3A_1314 : i32 to index
        %get3A_1664 = arith.constant 48 : index
        %get3A_1665 = tpu.vector_load %arg9[%get3A_1663, %get3A_1664] {strides = array<i32>} : memref<160x128xf32, #tpu.memory_space<vmem>>, vector<16xf32>,
        %mul3A_1666 = arith.constant -1.000000e+01 : f32
        %mul3A_1667 = vector.broadcast %mul3A_1666 : f32 to vector<16xf32>
        %mul3A_1668 = arith.mulf %get3A_1665, %mul3A_1667 : vector<16xf32>
        %exp3A_1669 = math.exp %mul3A_1668 : vector<16xf32>
        %add3A_1670 = arith.constant 0 : i32
        %add3A_1671 = vector.broadcast %add3A_1670 : i32 to vector<16xi32>
        %add3A_1672 = arith.addi %get3A_1662, %add3A_1671 : vector<16xi32>
        %gather3A_1673 = tpu.vector_load_idx %arg10[%add3A_1672] : memref<30000xf32, #tpu.memory_space<vmem>>[vector<16xi32>], vector<16xf32>,
        %add3A_1674 = arith.constant 10000 : i32
        %add3A_1675 = vector.broadcast %add3A_1674 : i32 to vector<16xi32>
        %add3A_1676 = arith.addi %get3A_1662, %add3A_1675 : vector<16xi32>
        %gather3A_1677 = tpu.vector_load_idx %arg10[%add3A_1676] : memref<30000xf32, #tpu.memory_space<vmem>>[vector<16xi32>], vector<16xf32>,
        %add3A_1678 = arith.constant 20000 : i32
        %add3A_1679 = vector.broadcast %add3A_1678 : i32 to vector<16xi32>
        %add3A_1680 = arith.addi %get3A_1662, %add3A_1679 : vector<16xi32>
        %gather3A_1681 = tpu.vector_load_idx %arg10[%add3A_1680] : memref<30000xf32, #tpu.memory_space<vmem>>[vector<16xi32>], vector<16xf32>,
        %mul3A_1682 = arith.mulf %gather3A_1673, %gather3A_1673 : vector<16xf32>
        %mul3A_1683 = arith.mulf %mul3A_1682, %exp3A_1669 : vector<16xf32>
        %swap3A_1684 = arith.constant 1 : i32
        %swap3A_1685 = arith.constant 0 : i32
        %swap3A_1686 = arith.index_cast %swap3A_1684 : i32 to index
        %swap3A_1687 = arith.index_cast %swap3A_1685 : i32 to index
        %swap3A_1688 = arith.constant 16 : index
        %swap3A_1689 = tpu.vector_load %arg14[%swap3A_1686, %swap3A_1687, %swap3A_1688] {strides = array<i32>} : memref<4x16x32xf32, #tpu.memory_space<vmem>>, vector<16xf32>,
        tpu.vector_store %arg14[%swap3A_1686, %swap3A_1687, %swap3A_1688], %mul3A_1683 {strides = array<i32>} : memref<4x16x32xf32, #tpu.memory_space<vmem>>, vector<16xf32>,
        %mul3A_1690 = arith.mulf %gather3A_1673, %gather3A_1677 : vector<16xf32>
        %mul3A_1691 = arith.mulf %mul3A_1690, %exp3A_1669 : vector<16xf32>
        %swap3A_1692 = arith.constant 1 : i32
        %swap3A_1693 = arith.constant 1 : i32
        %swap3A_1694 = arith.index_cast %swap3A_1692 : i32 to index
        %swap3A_1695 = arith.index_cast %swap3A_1693 : i32 to index
        %swap3A_1696 = arith.constant 16 : index
        %swap3A_1697 = tpu.vector_load %arg14[%swap3A_1694, %swap3A_1695, %swap3A_1696] {strides = array<i32>} : memref<4x16x32xf32, #tpu.memory_space<vmem>>, vector<16xf32>,
        tpu.vector_store %arg14[%swap3A_1694, %swap3A_1695, %swap3A_1696], %mul3A_1691 {strides = array<i32>} : memref<4x16x32xf32, #tpu.memory_space<vmem>>, vector<16xf32>,
        %swap3A_1698 = arith.constant 1 : i32
        %swap3A_1699 = arith.constant 3 : i32
        %swap3A_1700 = arith.index_cast %swap3A_1698 : i32 to index
        %swap3A_1701 = arith.index_cast %swap3A_1699 : i32 to index
        %swap3A_1702 = arith.constant 16 : index
        %swap3A_1703 = tpu.vector_load %arg14[%swap3A_1700, %swap3A_1701, %swap3A_1702] {strides = array<i32>} : memref<4x16x32xf32, #tpu.memory_space<vmem>>, vector<16xf32>,
        tpu.vector_store %arg14[%swap3A_1700, %swap3A_1701, %swap3A_1702], %mul3A_1691 {strides = array<i32>} : memref<4x16x32xf32, #tpu.memory_space<vmem>>, vector<16xf32>,
        %mul3A_1704 = arith.mulf %gather3A_1673, %gather3A_1681 : vector<16xf32>
        %mul3A_1705 = arith.mulf %mul3A_1704, %exp3A_1669 : vector<16xf32>
        %swap3A_1706 = arith.constant 1 : i32
        %swap3A_1707 = arith.constant 2 : i32
        %swap3A_1708 = arith.index_cast %swap3A_1706 : i32 to index
        %swap3A_1709 = arith.index_cast %swap3A_1707 : i32 to index
        %swap3A_1710 = arith.constant 16 : index
        %swap3A_1711 = tpu.vector_load %arg14[%swap3A_1708, %swap3A_1709, %swap3A_1710] {strides = array<i32>} : memref<4x16x32xf32, #tpu.memory_space<vmem>>, vector<16xf32>,
        tpu.vector_store %arg14[%swap3A_1708, %swap3A_1709, %swap3A_1710], %mul3A_1705 {strides = array<i32>} : memref<4x16x32xf32, #tpu.memory_space<vmem>>, vector<16xf32>,
        %swap3A_1712 = arith.constant 1 : i32
        %swap3A_1713 = arith.constant 6 : i32
        %swap3A_1714 = arith.index_cast %swap3A_1712 : i32 to index
        %swap3A_1715 = arith.index_cast %swap3A_1713 : i32 to index
        %swap3A_1716 = arith.constant 16 : index
        %swap3A_1717 = tpu.vector_load %arg14[%swap3A_1714, %swap3A_1715, %swap3A_1716] {strides = array<i32>} : memref<4x16x32xf32, #tpu.memory_space<vmem>>, vector<16xf32>,
        tpu.vector_store %arg14[%swap3A_1714, %swap3A_1715, %swap3A_1716], %mul3A_1705 {strides = array<i32>} : memref<4x16x32xf32, #tpu.memory_space<vmem>>, vector<16xf32>,
        %mul3A_1718 = arith.mulf %gather3A_1673, %exp3A_1669 : vector<16xf32>
        %swap3A_1719 = arith.constant 1 : i32
        %swap3A_1720 = arith.constant 9 : i32
        %swap3A_1721 = arith.index_cast %swap3A_1719 : i32 to index
        %swap3A_1722 = arith.index_cast %swap3A_1720 : i32 to index
        %swap3A_1723 = arith.constant 16 : index
        %swap3A_1724 = tpu.vector_load %arg14[%swap3A_1721, %swap3A_1722, %swap3A_1723] {strides = array<i32>} : memref<4x16x32xf32, #tpu.memory_space<vmem>>, vector<16xf32>,
        tpu.vector_store %arg14[%swap3A_1721, %swap3A_1722, %swap3A_1723], %mul3A_1718 {strides = array<i32>} : memref<4x16x32xf32, #tpu.memory_space<vmem>>, vector<16xf32>,
        %mul3A_1725 = arith.mulf %gather3A_1677, %gather3A_1677 : vector<16xf32>
        %mul3A_1726 = arith.mulf %mul3A_1725, %exp3A_1669 : vector<16xf32>
        %swap3A_1727 = arith.constant 1 : i32
        %swap3A_1728 = arith.constant 4 : i32
        %swap3A_1729 = arith.index_cast %swap3A_1727 : i32 to index
        %swap3A_1730 = arith.index_cast %swap3A_1728 : i32 to index
        %swap3A_1731 = arith.constant 16 : index
        %swap3A_1732 = tpu.vector_load %arg14[%swap3A_1729, %swap3A_1730, %swap3A_1731] {strides = array<i32>} : memref<4x16x32xf32, #tpu.memory_space<vmem>>, vector<16xf32>,
        tpu.vector_store %arg14[%swap3A_1729, %swap3A_1730, %swap3A_1731], %mul3A_1726 {strides = array<i32>} : memref<4x16x32xf32, #tpu.memory_space<vmem>>, vector<16xf32>,
        %mul3A_1733 = arith.mulf %gather3A_1677, %gather3A_1681 : vector<16xf32>
        %mul3A_1734 = arith.mulf %mul3A_1733, %exp3A_1669 : vector<16xf32>
        %swap3A_1735 = arith.constant 1 : i32
        %swap3A_1736 = arith.constant 5 : i32
        %swap3A_1737 = arith.index_cast %swap3A_1735 : i32 to index
        %swap3A_1738 = arith.index_cast %swap3A_1736 : i32 to index
        %swap3A_1739 = arith.constant 16 : index
        %swap3A_1740 = tpu.vector_load %arg14[%swap3A_1737, %swap3A_1738, %swap3A_1739] {strides = array<i32>} : memref<4x16x32xf32, #tpu.memory_space<vmem>>, vector<16xf32>,
        tpu.vector_store %arg14[%swap3A_1737, %swap3A_1738, %swap3A_1739], %mul3A_1734 {strides = array<i32>} : memref<4x16x32xf32, #tpu.memory_space<vmem>>, vector<16xf32>,
        %swap3A_1741 = arith.constant 1 : i32
        %swap3A_1742 = arith.constant 7 : i32
        %swap3A_1743 = arith.index_cast %swap3A_1741 : i32 to index
        %swap3A_1744 = arith.index_cast %swap3A_1742 : i32 to index
        %swap3A_1745 = arith.constant 16 : index
        %swap3A_1746 = tpu.vector_load %arg14[%swap3A_1743, %swap3A_1744, %swap3A_1745] {strides = array<i32>} : memref<4x16x32xf32, #tpu.memory_space<vmem>>, vector<16xf32>,
        tpu.vector_store %arg14[%swap3A_1743, %swap3A_1744, %swap3A_1745], %mul3A_1734 {strides = array<i32>} : memref<4x16x32xf32, #tpu.memory_space<vmem>>, vector<16xf32>,
        %mul3A_1747 = arith.mulf %gather3A_1677, %exp3A_1669 : vector<16xf32>
        %swap3A_1748 = arith.constant 1 : i32
        %swap3A_1749 = arith.constant 10 : i32
        %swap3A_1750 = arith.index_cast %swap3A_1748 : i32 to index
        %swap3A_1751 = arith.index_cast %swap3A_1749 : i32 to index
        %swap3A_1752 = arith.constant 16 : index
        %swap3A_1753 = tpu.vector_load %arg14[%swap3A_1750, %swap3A_1751, %swap3A_1752] {strides = array<i32>} : memref<4x16x32xf32, #tpu.memory_space<vmem>>, vector<16xf32>,
        tpu.vector_store %arg14[%swap3A_1750, %swap3A_1751, %swap3A_1752], %mul3A_1747 {strides = array<i32>} : memref<4x16x32xf32, #tpu.memory_space<vmem>>, vector<16xf32>,
        %mul3A_1754 = arith.mulf %gather3A_1681, %gather3A_1681 : vector<16xf32>
        %mul3A_1755 = arith.mulf %mul3A_1754, %exp3A_1669 : vector<16xf32>
        %swap3A_1756 = arith.constant 1 : i32
        %swap3A_1757 = arith.constant 8 : i32
        %swap3A_1758 = arith.index_cast %swap3A_1756 : i32 to index
        %swap3A_1759 = arith.index_cast %swap3A_1757 : i32 to index
        %swap3A_1760 = arith.constant 16 : index
        %swap3A_1761 = tpu.vector_load %arg14[%swap3A_1758, %swap3A_1759, %swap3A_1760] {strides = array<i32>} : memref<4x16x32xf32, #tpu.memory_space<vmem>>, vector<16xf32>,
        tpu.vector_store %arg14[%swap3A_1758, %swap3A_1759, %swap3A_1760], %mul3A_1755 {strides = array<i32>} : memref<4x16x32xf32, #tpu.memory_space<vmem>>, vector<16xf32>,
        %mul3A_1762 = arith.mulf %gather3A_1681, %exp3A_1669 : vector<16xf32>
        %swap3A_1763 = arith.constant 1 : i32
        %swap3A_1764 = arith.constant 11 : i32
        %swap3A_1765 = arith.index_cast %swap3A_1763 : i32 to index
        %swap3A_1766 = arith.index_cast %swap3A_1764 : i32 to index
        %swap3A_1767 = arith.constant 16 : index
        %swap3A_1768 = tpu.vector_load %arg14[%swap3A_1765, %swap3A_1766, %swap3A_1767] {strides = array<i32>} : memref<4x16x32xf32, #tpu.memory_space<vmem>>, vector<16xf32>,
        tpu.vector_store %arg14[%swap3A_1765, %swap3A_1766, %swap3A_1767], %mul3A_1762 {strides = array<i32>} : memref<4x16x32xf32, #tpu.memory_space<vmem>>, vector<16xf32>,
        %swap3A_1769 = arith.constant 1 : i32
        %swap3A_1770 = arith.constant 12 : i32
        %swap3A_1771 = arith.index_cast %swap3A_1769 : i32 to index
        %swap3A_1772 = arith.index_cast %swap3A_1770 : i32 to index
        %swap3A_1773 = arith.constant 16 : index
        %swap3A_1774 = tpu.vector_load %arg14[%swap3A_1771, %swap3A_1772, %swap3A_1773] {strides = array<i32>} : memref<4x16x32xf32, #tpu.memory_space<vmem>>, vector<16xf32>,
        tpu.vector_store %arg14[%swap3A_1771, %swap3A_1772, %swap3A_1773], %exp3A_1669 {strides = array<i32>} : memref<4x16x32xf32, #tpu.memory_space<vmem>>, vector<16xf32>,
        %get3A_1775 = arith.index_cast %add3A_1314 : i32 to index
        %get3A_1776 = arith.constant 64 : index
        %get3A_1777 = tpu.vector_load %arg8[%get3A_1775, %get3A_1776] {strides = array<i32>} : memref<160x128xi32, #tpu.memory_space<vmem>>, vector<16xi32>,
        %get3A_1778 = arith.index_cast %add3A_1314 : i32 to index
        %get3A_1779 = arith.constant 64 : index
        %get3A_1780 = tpu.vector_load %arg9[%get3A_1778, %get3A_1779] {strides = array<i32>} : memref<160x128xf32, #tpu.memory_space<vmem>>, vector<16xf32>,
        %mul3A_1781 = arith.constant -1.000000e+01 : f32
        %mul3A_1782 = vector.broadcast %mul3A_1781 : f32 to vector<16xf32>
        %mul3A_1783 = arith.mulf %get3A_1780, %mul3A_1782 : vector<16xf32>
        %exp3A_1784 = math.exp %mul3A_1783 : vector<16xf32>
        %add3A_1785 = arith.constant 0 : i32
        %add3A_1786 = vector.broadcast %add3A_1785 : i32 to vector<16xi32>
        %add3A_1787 = arith.addi %get3A_1777, %add3A_1786 : vector<16xi32>
        %gather3A_1788 = tpu.vector_load_idx %arg10[%add3A_1787] : memref<30000xf32, #tpu.memory_space<vmem>>[vector<16xi32>], vector<16xf32>,
        %add3A_1789 = arith.constant 10000 : i32
        %add3A_1790 = vector.broadcast %add3A_1789 : i32 to vector<16xi32>
        %add3A_1791 = arith.addi %get3A_1777, %add3A_1790 : vector<16xi32>
        %gather3A_1792 = tpu.vector_load_idx %arg10[%add3A_1791] : memref<30000xf32, #tpu.memory_space<vmem>>[vector<16xi32>], vector<16xf32>,
        %add3A_1793 = arith.constant 20000 : i32
        %add3A_1794 = vector.broadcast %add3A_1793 : i32 to vector<16xi32>
        %add3A_1795 = arith.addi %get3A_1777, %add3A_1794 : vector<16xi32>
        %gather3A_1796 = tpu.vector_load_idx %arg10[%add3A_1795] : memref<30000xf32, #tpu.memory_space<vmem>>[vector<16xi32>], vector<16xf32>,
        %mul3A_1797 = arith.mulf %gather3A_1788, %gather3A_1788 : vector<16xf32>
        %mul3A_1798 = arith.mulf %mul3A_1797, %exp3A_1784 : vector<16xf32>
        %swap3A_1799 = arith.constant 2 : i32
        %swap3A_1800 = arith.constant 0 : i32
        %swap3A_1801 = arith.index_cast %swap3A_1799 : i32 to index
        %swap3A_1802 = arith.index_cast %swap3A_1800 : i32 to index
        %swap3A_1803 = arith.constant 0 : index
        %swap3A_1804 = tpu.vector_load %arg14[%swap3A_1801, %swap3A_1802, %swap3A_1803] {strides = array<i32>} : memref<4x16x32xf32, #tpu.memory_space<vmem>>, vector<16xf32>,
        tpu.vector_store %arg14[%swap3A_1801, %swap3A_1802, %swap3A_1803], %mul3A_1798 {strides = array<i32>} : memref<4x16x32xf32, #tpu.memory_space<vmem>>, vector<16xf32>,
        %mul3A_1805 = arith.mulf %gather3A_1788, %gather3A_1792 : vector<16xf32>
        %mul3A_1806 = arith.mulf %mul3A_1805, %exp3A_1784 : vector<16xf32>
        %swap3A_1807 = arith.constant 2 : i32
        %swap3A_1808 = arith.constant 1 : i32
        %swap3A_1809 = arith.index_cast %swap3A_1807 : i32 to index
        %swap3A_1810 = arith.index_cast %swap3A_1808 : i32 to index
        %swap3A_1811 = arith.constant 0 : index
        %swap3A_1812 = tpu.vector_load %arg14[%swap3A_1809, %swap3A_1810, %swap3A_1811] {strides = array<i32>} : memref<4x16x32xf32, #tpu.memory_space<vmem>>, vector<16xf32>,
        tpu.vector_store %arg14[%swap3A_1809, %swap3A_1810, %swap3A_1811], %mul3A_1806 {strides = array<i32>} : memref<4x16x32xf32, #tpu.memory_space<vmem>>, vector<16xf32>,
        %swap3A_1813 = arith.constant 2 : i32
        %swap3A_1814 = arith.constant 3 : i32
        %swap3A_1815 = arith.index_cast %swap3A_1813 : i32 to index
        %swap3A_1816 = arith.index_cast %swap3A_1814 : i32 to index
        %swap3A_1817 = arith.constant 0 : index
        %swap3A_1818 = tpu.vector_load %arg14[%swap3A_1815, %swap3A_1816, %swap3A_1817] {strides = array<i32>} : memref<4x16x32xf32, #tpu.memory_space<vmem>>, vector<16xf32>,
        tpu.vector_store %arg14[%swap3A_1815, %swap3A_1816, %swap3A_1817], %mul3A_1806 {strides = array<i32>} : memref<4x16x32xf32, #tpu.memory_space<vmem>>, vector<16xf32>,
        %mul3A_1819 = arith.mulf %gather3A_1788, %gather3A_1796 : vector<16xf32>
        %mul3A_1820 = arith.mulf %mul3A_1819, %exp3A_1784 : vector<16xf32>
        %swap3A_1821 = arith.constant 2 : i32
        %swap3A_1822 = arith.constant 2 : i32
        %swap3A_1823 = arith.index_cast %swap3A_1821 : i32 to index
        %swap3A_1824 = arith.index_cast %swap3A_1822 : i32 to index
        %swap3A_1825 = arith.constant 0 : index
        %swap3A_1826 = tpu.vector_load %arg14[%swap3A_1823, %swap3A_1824, %swap3A_1825] {strides = array<i32>} : memref<4x16x32xf32, #tpu.memory_space<vmem>>, vector<16xf32>,
        tpu.vector_store %arg14[%swap3A_1823, %swap3A_1824, %swap3A_1825], %mul3A_1820 {strides = array<i32>} : memref<4x16x32xf32, #tpu.memory_space<vmem>>, vector<16xf32>,
        %swap3A_1827 = arith.constant 2 : i32
        %swap3A_1828 = arith.constant 6 : i32
        %swap3A_1829 = arith.index_cast %swap3A_1827 : i32 to index
        %swap3A_1830 = arith.index_cast %swap3A_1828 : i32 to index
        %swap3A_1831 = arith.constant 0 : index
        %swap3A_1832 = tpu.vector_load %arg14[%swap3A_1829, %swap3A_1830, %swap3A_1831] {strides = array<i32>} : memref<4x16x32xf32, #tpu.memory_space<vmem>>, vector<16xf32>,
        tpu.vector_store %arg14[%swap3A_1829, %swap3A_1830, %swap3A_1831], %mul3A_1820 {strides = array<i32>} : memref<4x16x32xf32, #tpu.memory_space<vmem>>, vector<16xf32>,
        %mul3A_1833 = arith.mulf %gather3A_1788, %exp3A_1784 : vector<16xf32>
        %swap3A_1834 = arith.constant 2 : i32
        %swap3A_1835 = arith.constant 9 : i32
        %swap3A_1836 = arith.index_cast %swap3A_1834 : i32 to index
        %swap3A_1837 = arith.index_cast %swap3A_1835 : i32 to index
        %swap3A_1838 = arith.constant 0 : index
        %swap3A_1839 = tpu.vector_load %arg14[%swap3A_1836, %swap3A_1837, %swap3A_1838] {strides = array<i32>} : memref<4x16x32xf32, #tpu.memory_space<vmem>>, vector<16xf32>,
        tpu.vector_store %arg14[%swap3A_1836, %swap3A_1837, %swap3A_1838], %mul3A_1833 {strides = array<i32>} : memref<4x16x32xf32, #tpu.memory_space<vmem>>, vector<16xf32>,
        %mul3A_1840 = arith.mulf %gather3A_1792, %gather3A_1792 : vector<16xf32>
        %mul3A_1841 = arith.mulf %mul3A_1840, %exp3A_1784 : vector<16xf32>
        %swap3A_1842 = arith.constant 2 : i32
        %swap3A_1843 = arith.constant 4 : i32
        %swap3A_1844 = arith.index_cast %swap3A_1842 : i32 to index
        %swap3A_1845 = arith.index_cast %swap3A_1843 : i32 to index
        %swap3A_1846 = arith.constant 0 : index
        %swap3A_1847 = tpu.vector_load %arg14[%swap3A_1844, %swap3A_1845, %swap3A_1846] {strides = array<i32>} : memref<4x16x32xf32, #tpu.memory_space<vmem>>, vector<16xf32>,
        tpu.vector_store %arg14[%swap3A_1844, %swap3A_1845, %swap3A_1846], %mul3A_1841 {strides = array<i32>} : memref<4x16x32xf32, #tpu.memory_space<vmem>>, vector<16xf32>,
        %mul3A_1848 = arith.mulf %gather3A_1792, %gather3A_1796 : vector<16xf32>
        %mul3A_1849 = arith.mulf %mul3A_1848, %exp3A_1784 : vector<16xf32>
        %swap3A_1850 = arith.constant 2 : i32
        %swap3A_1851 = arith.constant 5 : i32
        %swap3A_1852 = arith.index_cast %swap3A_1850 : i32 to index
        %swap3A_1853 = arith.index_cast %swap3A_1851 : i32 to index
        %swap3A_1854 = arith.constant 0 : index
        %swap3A_1855 = tpu.vector_load %arg14[%swap3A_1852, %swap3A_1853, %swap3A_1854] {strides = array<i32>} : memref<4x16x32xf32, #tpu.memory_space<vmem>>, vector<16xf32>,
        tpu.vector_store %arg14[%swap3A_1852, %swap3A_1853, %swap3A_1854], %mul3A_1849 {strides = array<i32>} : memref<4x16x32xf32, #tpu.memory_space<vmem>>, vector<16xf32>,
        %swap3A_1856 = arith.constant 2 : i32
        %swap3A_1857 = arith.constant 7 : i32
        %swap3A_1858 = arith.index_cast %swap3A_1856 : i32 to index
        %swap3A_1859 = arith.index_cast %swap3A_1857 : i32 to index
        %swap3A_1860 = arith.constant 0 : index
        %swap3A_1861 = tpu.vector_load %arg14[%swap3A_1858, %swap3A_1859, %swap3A_1860] {strides = array<i32>} : memref<4x16x32xf32, #tpu.memory_space<vmem>>, vector<16xf32>,
        tpu.vector_store %arg14[%swap3A_1858, %swap3A_1859, %swap3A_1860], %mul3A_1849 {strides = array<i32>} : memref<4x16x32xf32, #tpu.memory_space<vmem>>, vector<16xf32>,
        %mul3A_1862 = arith.mulf %gather3A_1792, %exp3A_1784 : vector<16xf32>
        %swap3A_1863 = arith.constant 2 : i32
        %swap3A_1864 = arith.constant 10 : i32
        %swap3A_1865 = arith.index_cast %swap3A_1863 : i32 to index
        %swap3A_1866 = arith.index_cast %swap3A_1864 : i32 to index
        %swap3A_1867 = arith.constant 0 : index
        %swap3A_1868 = tpu.vector_load %arg14[%swap3A_1865, %swap3A_1866, %swap3A_1867] {strides = array<i32>} : memref<4x16x32xf32, #tpu.memory_space<vmem>>, vector<16xf32>,
        tpu.vector_store %arg14[%swap3A_1865, %swap3A_1866, %swap3A_1867], %mul3A_1862 {strides = array<i32>} : memref<4x16x32xf32, #tpu.memory_space<vmem>>, vector<16xf32>,
        %mul3A_1869 = arith.mulf %gather3A_1796, %gather3A_1796 : vector<16xf32>
        %mul3A_1870 = arith.mulf %mul3A_1869, %exp3A_1784 : vector<16xf32>
        %swap3A_1871 = arith.constant 2 : i32
        %swap3A_1872 = arith.constant 8 : i32
        %swap3A_1873 = arith.index_cast %swap3A_1871 : i32 to index
        %swap3A_1874 = arith.index_cast %swap3A_1872 : i32 to index
        %swap3A_1875 = arith.constant 0 : index
        %swap3A_1876 = tpu.vector_load %arg14[%swap3A_1873, %swap3A_1874, %swap3A_1875] {strides = array<i32>} : memref<4x16x32xf32, #tpu.memory_space<vmem>>, vector<16xf32>,
        tpu.vector_store %arg14[%swap3A_1873, %swap3A_1874, %swap3A_1875], %mul3A_1870 {strides = array<i32>} : memref<4x16x32xf32, #tpu.memory_space<vmem>>, vector<16xf32>,
        %mul3A_1877 = arith.mulf %gather3A_1796, %exp3A_1784 : vector<16xf32>
        %swap3A_1878 = arith.constant 2 : i32
        %swap3A_1879 = arith.constant 11 : i32
        %swap3A_1880 = arith.index_cast %swap3A_1878 : i32 to index
        %swap3A_1881 = arith.index_cast %swap3A_1879 : i32 to index
        %swap3A_1882 = arith.constant 0 : index
        %swap3A_1883 = tpu.vector_load %arg14[%swap3A_1880, %swap3A_1881, %swap3A_1882] {strides = array<i32>} : memref<4x16x32xf32, #tpu.memory_space<vmem>>, vector<16xf32>,
        tpu.vector_store %arg14[%swap3A_1880, %swap3A_1881, %swap3A_1882], %mul3A_1877 {strides = array<i32>} : memref<4x16x32xf32, #tpu.memory_space<vmem>>, vector<16xf32>,
        %swap3A_1884 = arith.constant 2 : i32
        %swap3A_1885 = arith.constant 12 : i32
        %swap3A_1886 = arith.index_cast %swap3A_1884 : i32 to index
        %swap3A_1887 = arith.index_cast %swap3A_1885 : i32 to index
        %swap3A_1888 = arith.constant 0 : index
        %swap3A_1889 = tpu.vector_load %arg14[%swap3A_1886, %swap3A_1887, %swap3A_1888] {strides = array<i32>} : memref<4x16x32xf32, #tpu.memory_space<vmem>>, vector<16xf32>,
        tpu.vector_store %arg14[%swap3A_1886, %swap3A_1887, %swap3A_1888], %exp3A_1784 {strides = array<i32>} : memref<4x16x32xf32, #tpu.memory_space<vmem>>, vector<16xf32>,
        %get3A_1890 = arith.index_cast %add3A_1314 : i32 to index
        %get3A_1891 = arith.constant 80 : index
        %get3A_1892 = tpu.vector_load %arg8[%get3A_1890, %get3A_1891] {strides = array<i32>} : memref<160x128xi32, #tpu.memory_space<vmem>>, vector<16xi32>,
        %get3A_1893 = arith.index_cast %add3A_1314 : i32 to index
        %get3A_1894 = arith.constant 80 : index
        %get3A_1895 = tpu.vector_load %arg9[%get3A_1893, %get3A_1894] {strides = array<i32>} : memref<160x128xf32, #tpu.memory_space<vmem>>, vector<16xf32>,
        %mul3A_1896 = arith.constant -1.000000e+01 : f32
        %mul3A_1897 = vector.broadcast %mul3A_1896 : f32 to vector<16xf32>
        %mul3A_1898 = arith.mulf %get3A_1895, %mul3A_1897 : vector<16xf32>
        %exp3A_1899 = math.exp %mul3A_1898 : vector<16xf32>
        %add3A_1900 = arith.constant 0 : i32
        %add3A_1901 = vector.broadcast %add3A_1900 : i32 to vector<16xi32>
        %add3A_1902 = arith.addi %get3A_1892, %add3A_1901 : vector<16xi32>
        %gather3A_1903 = tpu.vector_load_idx %arg10[%add3A_1902] : memref<30000xf32, #tpu.memory_space<vmem>>[vector<16xi32>], vector<16xf32>,
        %add3A_1904 = arith.constant 10000 : i32
        %add3A_1905 = vector.broadcast %add3A_1904 : i32 to vector<16xi32>
        %add3A_1906 = arith.addi %get3A_1892, %add3A_1905 : vector<16xi32>
        %gather3A_1907 = tpu.vector_load_idx %arg10[%add3A_1906] : memref<30000xf32, #tpu.memory_space<vmem>>[vector<16xi32>], vector<16xf32>,
        %add3A_1908 = arith.constant 20000 : i32
        %add3A_1909 = vector.broadcast %add3A_1908 : i32 to vector<16xi32>
        %add3A_1910 = arith.addi %get3A_1892, %add3A_1909 : vector<16xi32>
        %gather3A_1911 = tpu.vector_load_idx %arg10[%add3A_1910] : memref<30000xf32, #tpu.memory_space<vmem>>[vector<16xi32>], vector<16xf32>,
        %mul3A_1912 = arith.mulf %gather3A_1903, %gather3A_1903 : vector<16xf32>
        %mul3A_1913 = arith.mulf %mul3A_1912, %exp3A_1899 : vector<16xf32>
        %swap3A_1914 = arith.constant 2 : i32
        %swap3A_1915 = arith.constant 0 : i32
        %swap3A_1916 = arith.index_cast %swap3A_1914 : i32 to index
        %swap3A_1917 = arith.index_cast %swap3A_1915 : i32 to index
        %swap3A_1918 = arith.constant 16 : index
        %swap3A_1919 = tpu.vector_load %arg14[%swap3A_1916, %swap3A_1917, %swap3A_1918] {strides = array<i32>} : memref<4x16x32xf32, #tpu.memory_space<vmem>>, vector<16xf32>,
        tpu.vector_store %arg14[%swap3A_1916, %swap3A_1917, %swap3A_1918], %mul3A_1913 {strides = array<i32>} : memref<4x16x32xf32, #tpu.memory_space<vmem>>, vector<16xf32>,
        %mul3A_1920 = arith.mulf %gather3A_1903, %gather3A_1907 : vector<16xf32>
        %mul3A_1921 = arith.mulf %mul3A_1920, %exp3A_1899 : vector<16xf32>
        %swap3A_1922 = arith.constant 2 : i32
        %swap3A_1923 = arith.constant 1 : i32
        %swap3A_1924 = arith.index_cast %swap3A_1922 : i32 to index
        %swap3A_1925 = arith.index_cast %swap3A_1923 : i32 to index
        %swap3A_1926 = arith.constant 16 : index
        %swap3A_1927 = tpu.vector_load %arg14[%swap3A_1924, %swap3A_1925, %swap3A_1926] {strides = array<i32>} : memref<4x16x32xf32, #tpu.memory_space<vmem>>, vector<16xf32>,
        tpu.vector_store %arg14[%swap3A_1924, %swap3A_1925, %swap3A_1926], %mul3A_1921 {strides = array<i32>} : memref<4x16x32xf32, #tpu.memory_space<vmem>>, vector<16xf32>,
        %swap3A_1928 = arith.constant 2 : i32
        %swap3A_1929 = arith.constant 3 : i32
        %swap3A_1930 = arith.index_cast %swap3A_1928 : i32 to index
        %swap3A_1931 = arith.index_cast %swap3A_1929 : i32 to index
        %swap3A_1932 = arith.constant 16 : index
        %swap3A_1933 = tpu.vector_load %arg14[%swap3A_1930, %swap3A_1931, %swap3A_1932] {strides = array<i32>} : memref<4x16x32xf32, #tpu.memory_space<vmem>>, vector<16xf32>,
        tpu.vector_store %arg14[%swap3A_1930, %swap3A_1931, %swap3A_1932], %mul3A_1921 {strides = array<i32>} : memref<4x16x32xf32, #tpu.memory_space<vmem>>, vector<16xf32>,
        %mul3A_1934 = arith.mulf %gather3A_1903, %gather3A_1911 : vector<16xf32>
        %mul3A_1935 = arith.mulf %mul3A_1934, %exp3A_1899 : vector<16xf32>
        %swap3A_1936 = arith.constant 2 : i32
        %swap3A_1937 = arith.constant 2 : i32
        %swap3A_1938 = arith.index_cast %swap3A_1936 : i32 to index
        %swap3A_1939 = arith.index_cast %swap3A_1937 : i32 to index
        %swap3A_1940 = arith.constant 16 : index
        %swap3A_1941 = tpu.vector_load %arg14[%swap3A_1938, %swap3A_1939, %swap3A_1940] {strides = array<i32>} : memref<4x16x32xf32, #tpu.memory_space<vmem>>, vector<16xf32>,
        tpu.vector_store %arg14[%swap3A_1938, %swap3A_1939, %swap3A_1940], %mul3A_1935 {strides = array<i32>} : memref<4x16x32xf32, #tpu.memory_space<vmem>>, vector<16xf32>,
        %swap3A_1942 = arith.constant 2 : i32
        %swap3A_1943 = arith.constant 6 : i32
        %swap3A_1944 = arith.index_cast %swap3A_1942 : i32 to index
        %swap3A_1945 = arith.index_cast %swap3A_1943 : i32 to index
        %swap3A_1946 = arith.constant 16 : index
        %swap3A_1947 = tpu.vector_load %arg14[%swap3A_1944, %swap3A_1945, %swap3A_1946] {strides = array<i32>} : memref<4x16x32xf32, #tpu.memory_space<vmem>>, vector<16xf32>,
        tpu.vector_store %arg14[%swap3A_1944, %swap3A_1945, %swap3A_1946], %mul3A_1935 {strides = array<i32>} : memref<4x16x32xf32, #tpu.memory_space<vmem>>, vector<16xf32>,
        %mul3A_1948 = arith.mulf %gather3A_1903, %exp3A_1899 : vector<16xf32>
        %swap3A_1949 = arith.constant 2 : i32
        %swap3A_1950 = arith.constant 9 : i32
        %swap3A_1951 = arith.index_cast %swap3A_1949 : i32 to index
        %swap3A_1952 = arith.index_cast %swap3A_1950 : i32 to index
        %swap3A_1953 = arith.constant 16 : index
        %swap3A_1954 = tpu.vector_load %arg14[%swap3A_1951, %swap3A_1952, %swap3A_1953] {strides = array<i32>} : memref<4x16x32xf32, #tpu.memory_space<vmem>>, vector<16xf32>,
        tpu.vector_store %arg14[%swap3A_1951, %swap3A_1952, %swap3A_1953], %mul3A_1948 {strides = array<i32>} : memref<4x16x32xf32, #tpu.memory_space<vmem>>, vector<16xf32>,
        %mul3A_1955 = arith.mulf %gather3A_1907, %gather3A_1907 : vector<16xf32>
        %mul3A_1956 = arith.mulf %mul3A_1955, %exp3A_1899 : vector<16xf32>
        %swap3A_1957 = arith.constant 2 : i32
        %swap3A_1958 = arith.constant 4 : i32
        %swap3A_1959 = arith.index_cast %swap3A_1957 : i32 to index
        %swap3A_1960 = arith.index_cast %swap3A_1958 : i32 to index
        %swap3A_1961 = arith.constant 16 : index
        %swap3A_1962 = tpu.vector_load %arg14[%swap3A_1959, %swap3A_1960, %swap3A_1961] {strides = array<i32>} : memref<4x16x32xf32, #tpu.memory_space<vmem>>, vector<16xf32>,
        tpu.vector_store %arg14[%swap3A_1959, %swap3A_1960, %swap3A_1961], %mul3A_1956 {strides = array<i32>} : memref<4x16x32xf32, #tpu.memory_space<vmem>>, vector<16xf32>,
        %mul3A_1963 = arith.mulf %gather3A_1907, %gather3A_1911 : vector<16xf32>
        %mul3A_1964 = arith.mulf %mul3A_1963, %exp3A_1899 : vector<16xf32>
        %swap3A_1965 = arith.constant 2 : i32
        %swap3A_1966 = arith.constant 5 : i32
        %swap3A_1967 = arith.index_cast %swap3A_1965 : i32 to index
        %swap3A_1968 = arith.index_cast %swap3A_1966 : i32 to index
        %swap3A_1969 = arith.constant 16 : index
        %swap3A_1970 = tpu.vector_load %arg14[%swap3A_1967, %swap3A_1968, %swap3A_1969] {strides = array<i32>} : memref<4x16x32xf32, #tpu.memory_space<vmem>>, vector<16xf32>,
        tpu.vector_store %arg14[%swap3A_1967, %swap3A_1968, %swap3A_1969], %mul3A_1964 {strides = array<i32>} : memref<4x16x32xf32, #tpu.memory_space<vmem>>, vector<16xf32>,
        %swap3A_1971 = arith.constant 2 : i32
        %swap3A_1972 = arith.constant 7 : i32
        %swap3A_1973 = arith.index_cast %swap3A_1971 : i32 to index
        %swap3A_1974 = arith.index_cast %swap3A_1972 : i32 to index
        %swap3A_1975 = arith.constant 16 : index
        %swap3A_1976 = tpu.vector_load %arg14[%swap3A_1973, %swap3A_1974, %swap3A_1975] {strides = array<i32>} : memref<4x16x32xf32, #tpu.memory_space<vmem>>, vector<16xf32>,
        tpu.vector_store %arg14[%swap3A_1973, %swap3A_1974, %swap3A_1975], %mul3A_1964 {strides = array<i32>} : memref<4x16x32xf32, #tpu.memory_space<vmem>>, vector<16xf32>,
        %mul3A_1977 = arith.mulf %gather3A_1907, %exp3A_1899 : vector<16xf32>
        %swap3A_1978 = arith.constant 2 : i32
        %swap3A_1979 = arith.constant 10 : i32
        %swap3A_1980 = arith.index_cast %swap3A_1978 : i32 to index
        %swap3A_1981 = arith.index_cast %swap3A_1979 : i32 to index
        %swap3A_1982 = arith.constant 16 : index
        %swap3A_1983 = tpu.vector_load %arg14[%swap3A_1980, %swap3A_1981, %swap3A_1982] {strides = array<i32>} : memref<4x16x32xf32, #tpu.memory_space<vmem>>, vector<16xf32>,
        tpu.vector_store %arg14[%swap3A_1980, %swap3A_1981, %swap3A_1982], %mul3A_1977 {strides = array<i32>} : memref<4x16x32xf32, #tpu.memory_space<vmem>>, vector<16xf32>,
        %mul3A_1984 = arith.mulf %gather3A_1911, %gather3A_1911 : vector<16xf32>
        %mul3A_1985 = arith.mulf %mul3A_1984, %exp3A_1899 : vector<16xf32>
        %swap3A_1986 = arith.constant 2 : i32
        %swap3A_1987 = arith.constant 8 : i32
        %swap3A_1988 = arith.index_cast %swap3A_1986 : i32 to index
        %swap3A_1989 = arith.index_cast %swap3A_1987 : i32 to index
        %swap3A_1990 = arith.constant 16 : index
        %swap3A_1991 = tpu.vector_load %arg14[%swap3A_1988, %swap3A_1989, %swap3A_1990] {strides = array<i32>} : memref<4x16x32xf32, #tpu.memory_space<vmem>>, vector<16xf32>,
        tpu.vector_store %arg14[%swap3A_1988, %swap3A_1989, %swap3A_1990], %mul3A_1985 {strides = array<i32>} : memref<4x16x32xf32, #tpu.memory_space<vmem>>, vector<16xf32>,
        %mul3A_1992 = arith.mulf %gather3A_1911, %exp3A_1899 : vector<16xf32>
        %swap3A_1993 = arith.constant 2 : i32
        %swap3A_1994 = arith.constant 11 : i32
        %swap3A_1995 = arith.index_cast %swap3A_1993 : i32 to index
        %swap3A_1996 = arith.index_cast %swap3A_1994 : i32 to index
        %swap3A_1997 = arith.constant 16 : index
        %swap3A_1998 = tpu.vector_load %arg14[%swap3A_1995, %swap3A_1996, %swap3A_1997] {strides = array<i32>} : memref<4x16x32xf32, #tpu.memory_space<vmem>>, vector<16xf32>,
        tpu.vector_store %arg14[%swap3A_1995, %swap3A_1996, %swap3A_1997], %mul3A_1992 {strides = array<i32>} : memref<4x16x32xf32, #tpu.memory_space<vmem>>, vector<16xf32>,
        %swap3A_1999 = arith.constant 2 : i32
        %swap3A_2000 = arith.constant 12 : i32
        %swap3A_2001 = arith.index_cast %swap3A_1999 : i32 to index
        %swap3A_2002 = arith.index_cast %swap3A_2000 : i32 to index
        %swap3A_2003 = arith.constant 16 : index
        %swap3A_2004 = tpu.vector_load %arg14[%swap3A_2001, %swap3A_2002, %swap3A_2003] {strides = array<i32>} : memref<4x16x32xf32, #tpu.memory_space<vmem>>, vector<16xf32>,
        tpu.vector_store %arg14[%swap3A_2001, %swap3A_2002, %swap3A_2003], %exp3A_1899 {strides = array<i32>} : memref<4x16x32xf32, #tpu.memory_space<vmem>>, vector<16xf32>,
        %get3A_2005 = arith.index_cast %add3A_1314 : i32 to index
        %get3A_2006 = arith.constant 96 : index
        %get3A_2007 = tpu.vector_load %arg8[%get3A_2005, %get3A_2006] {strides = array<i32>} : memref<160x128xi32, #tpu.memory_space<vmem>>, vector<16xi32>,
        %get3A_2008 = arith.index_cast %add3A_1314 : i32 to index
        %get3A_2009 = arith.constant 96 : index
        %get3A_2010 = tpu.vector_load %arg9[%get3A_2008, %get3A_2009] {strides = array<i32>} : memref<160x128xf32, #tpu.memory_space<vmem>>, vector<16xf32>,
        %mul3A_2011 = arith.constant -1.000000e+01 : f32
        %mul3A_2012 = vector.broadcast %mul3A_2011 : f32 to vector<16xf32>
        %mul3A_2013 = arith.mulf %get3A_2010, %mul3A_2012 : vector<16xf32>
        %exp3A_2014 = math.exp %mul3A_2013 : vector<16xf32>
        %add3A_2015 = arith.constant 0 : i32
        %add3A_2016 = vector.broadcast %add3A_2015 : i32 to vector<16xi32>
        %add3A_2017 = arith.addi %get3A_2007, %add3A_2016 : vector<16xi32>
        %gather3A_2018 = tpu.vector_load_idx %arg10[%add3A_2017] : memref<30000xf32, #tpu.memory_space<vmem>>[vector<16xi32>], vector<16xf32>,
        %add3A_2019 = arith.constant 10000 : i32
        %add3A_2020 = vector.broadcast %add3A_2019 : i32 to vector<16xi32>
        %add3A_2021 = arith.addi %get3A_2007, %add3A_2020 : vector<16xi32>
        %gather3A_2022 = tpu.vector_load_idx %arg10[%add3A_2021] : memref<30000xf32, #tpu.memory_space<vmem>>[vector<16xi32>], vector<16xf32>,
        %add3A_2023 = arith.constant 20000 : i32
        %add3A_2024 = vector.broadcast %add3A_2023 : i32 to vector<16xi32>
        %add3A_2025 = arith.addi %get3A_2007, %add3A_2024 : vector<16xi32>
        %gather3A_2026 = tpu.vector_load_idx %arg10[%add3A_2025] : memref<30000xf32, #tpu.memory_space<vmem>>[vector<16xi32>], vector<16xf32>,
        %mul3A_2027 = arith.mulf %gather3A_2018, %gather3A_2018 : vector<16xf32>
        %mul3A_2028 = arith.mulf %mul3A_2027, %exp3A_2014 : vector<16xf32>
        %swap3A_2029 = arith.constant 3 : i32
        %swap3A_2030 = arith.constant 0 : i32
        %swap3A_2031 = arith.index_cast %swap3A_2029 : i32 to index
        %swap3A_2032 = arith.index_cast %swap3A_2030 : i32 to index
        %swap3A_2033 = arith.constant 0 : index
        %swap3A_2034 = tpu.vector_load %arg14[%swap3A_2031, %swap3A_2032, %swap3A_2033] {strides = array<i32>} : memref<4x16x32xf32, #tpu.memory_space<vmem>>, vector<16xf32>,
        tpu.vector_store %arg14[%swap3A_2031, %swap3A_2032, %swap3A_2033], %mul3A_2028 {strides = array<i32>} : memref<4x16x32xf32, #tpu.memory_space<vmem>>, vector<16xf32>,
        %mul3A_2035 = arith.mulf %gather3A_2018, %gather3A_2022 : vector<16xf32>
        %mul3A_2036 = arith.mulf %mul3A_2035, %exp3A_2014 : vector<16xf32>
        %swap3A_2037 = arith.constant 3 : i32
        %swap3A_2038 = arith.constant 1 : i32
        %swap3A_2039 = arith.index_cast %swap3A_2037 : i32 to index
        %swap3A_2040 = arith.index_cast %swap3A_2038 : i32 to index
        %swap3A_2041 = arith.constant 0 : index
        %swap3A_2042 = tpu.vector_load %arg14[%swap3A_2039, %swap3A_2040, %swap3A_2041] {strides = array<i32>} : memref<4x16x32xf32, #tpu.memory_space<vmem>>, vector<16xf32>,
        tpu.vector_store %arg14[%swap3A_2039, %swap3A_2040, %swap3A_2041], %mul3A_2036 {strides = array<i32>} : memref<4x16x32xf32, #tpu.memory_space<vmem>>, vector<16xf32>,
        %swap3A_2043 = arith.constant 3 : i32
        %swap3A_2044 = arith.constant 3 : i32
        %swap3A_2045 = arith.index_cast %swap3A_2043 : i32 to index
        %swap3A_2046 = arith.index_cast %swap3A_2044 : i32 to index
        %swap3A_2047 = arith.constant 0 : index
        %swap3A_2048 = tpu.vector_load %arg14[%swap3A_2045, %swap3A_2046, %swap3A_2047] {strides = array<i32>} : memref<4x16x32xf32, #tpu.memory_space<vmem>>, vector<16xf32>,
        tpu.vector_store %arg14[%swap3A_2045, %swap3A_2046, %swap3A_2047], %mul3A_2036 {strides = array<i32>} : memref<4x16x32xf32, #tpu.memory_space<vmem>>, vector<16xf32>,
        %mul3A_2049 = arith.mulf %gather3A_2018, %gather3A_2026 : vector<16xf32>
        %mul3A_2050 = arith.mulf %mul3A_2049, %exp3A_2014 : vector<16xf32>
        %swap3A_2051 = arith.constant 3 : i32
        %swap3A_2052 = arith.constant 2 : i32
        %swap3A_2053 = arith.index_cast %swap3A_2051 : i32 to index
        %swap3A_2054 = arith.index_cast %swap3A_2052 : i32 to index
        %swap3A_2055 = arith.constant 0 : index
        %swap3A_2056 = tpu.vector_load %arg14[%swap3A_2053, %swap3A_2054, %swap3A_2055] {strides = array<i32>} : memref<4x16x32xf32, #tpu.memory_space<vmem>>, vector<16xf32>,
        tpu.vector_store %arg14[%swap3A_2053, %swap3A_2054, %swap3A_2055], %mul3A_2050 {strides = array<i32>} : memref<4x16x32xf32, #tpu.memory_space<vmem>>, vector<16xf32>,
        %swap3A_2057 = arith.constant 3 : i32
        %swap3A_2058 = arith.constant 6 : i32
        %swap3A_2059 = arith.index_cast %swap3A_2057 : i32 to index
        %swap3A_2060 = arith.index_cast %swap3A_2058 : i32 to index
        %swap3A_2061 = arith.constant 0 : index
        %swap3A_2062 = tpu.vector_load %arg14[%swap3A_2059, %swap3A_2060, %swap3A_2061] {strides = array<i32>} : memref<4x16x32xf32, #tpu.memory_space<vmem>>, vector<16xf32>,
        tpu.vector_store %arg14[%swap3A_2059, %swap3A_2060, %swap3A_2061], %mul3A_2050 {strides = array<i32>} : memref<4x16x32xf32, #tpu.memory_space<vmem>>, vector<16xf32>,
        %mul3A_2063 = arith.mulf %gather3A_2018, %exp3A_2014 : vector<16xf32>
        %swap3A_2064 = arith.constant 3 : i32
        %swap3A_2065 = arith.constant 9 : i32
        %swap3A_2066 = arith.index_cast %swap3A_2064 : i32 to index
        %swap3A_2067 = arith.index_cast %swap3A_2065 : i32 to index
        %swap3A_2068 = arith.constant 0 : index
        %swap3A_2069 = tpu.vector_load %arg14[%swap3A_2066, %swap3A_2067, %swap3A_2068] {strides = array<i32>} : memref<4x16x32xf32, #tpu.memory_space<vmem>>, vector<16xf32>,
        tpu.vector_store %arg14[%swap3A_2066, %swap3A_2067, %swap3A_2068], %mul3A_2063 {strides = array<i32>} : memref<4x16x32xf32, #tpu.memory_space<vmem>>, vector<16xf32>,
        %mul3A_2070 = arith.mulf %gather3A_2022, %gather3A_2022 : vector<16xf32>
        %mul3A_2071 = arith.mulf %mul3A_2070, %exp3A_2014 : vector<16xf32>
        %swap3A_2072 = arith.constant 3 : i32
        %swap3A_2073 = arith.constant 4 : i32
        %swap3A_2074 = arith.index_cast %swap3A_2072 : i32 to index
        %swap3A_2075 = arith.index_cast %swap3A_2073 : i32 to index
        %swap3A_2076 = arith.constant 0 : index
        %swap3A_2077 = tpu.vector_load %arg14[%swap3A_2074, %swap3A_2075, %swap3A_2076] {strides = array<i32>} : memref<4x16x32xf32, #tpu.memory_space<vmem>>, vector<16xf32>,
        tpu.vector_store %arg14[%swap3A_2074, %swap3A_2075, %swap3A_2076], %mul3A_2071 {strides = array<i32>} : memref<4x16x32xf32, #tpu.memory_space<vmem>>, vector<16xf32>,
        %mul3A_2078 = arith.mulf %gather3A_2022, %gather3A_2026 : vector<16xf32>
        %mul3A_2079 = arith.mulf %mul3A_2078, %exp3A_2014 : vector<16xf32>
        %swap3A_2080 = arith.constant 3 : i32
        %swap3A_2081 = arith.constant 5 : i32
        %swap3A_2082 = arith.index_cast %swap3A_2080 : i32 to index
        %swap3A_2083 = arith.index_cast %swap3A_2081 : i32 to index
        %swap3A_2084 = arith.constant 0 : index
        %swap3A_2085 = tpu.vector_load %arg14[%swap3A_2082, %swap3A_2083, %swap3A_2084] {strides = array<i32>} : memref<4x16x32xf32, #tpu.memory_space<vmem>>, vector<16xf32>,
        tpu.vector_store %arg14[%swap3A_2082, %swap3A_2083, %swap3A_2084], %mul3A_2079 {strides = array<i32>} : memref<4x16x32xf32, #tpu.memory_space<vmem>>, vector<16xf32>,
        %swap3A_2086 = arith.constant 3 : i32
        %swap3A_2087 = arith.constant 7 : i32
        %swap3A_2088 = arith.index_cast %swap3A_2086 : i32 to index
        %swap3A_2089 = arith.index_cast %swap3A_2087 : i32 to index
        %swap3A_2090 = arith.constant 0 : index
        %swap3A_2091 = tpu.vector_load %arg14[%swap3A_2088, %swap3A_2089, %swap3A_2090] {strides = array<i32>} : memref<4x16x32xf32, #tpu.memory_space<vmem>>, vector<16xf32>,
        tpu.vector_store %arg14[%swap3A_2088, %swap3A_2089, %swap3A_2090], %mul3A_2079 {strides = array<i32>} : memref<4x16x32xf32, #tpu.memory_space<vmem>>, vector<16xf32>,
        %mul3A_2092 = arith.mulf %gather3A_2022, %exp3A_2014 : vector<16xf32>
        %swap3A_2093 = arith.constant 3 : i32
        %swap3A_2094 = arith.constant 10 : i32
        %swap3A_2095 = arith.index_cast %swap3A_2093 : i32 to index
        %swap3A_2096 = arith.index_cast %swap3A_2094 : i32 to index
        %swap3A_2097 = arith.constant 0 : index
        %swap3A_2098 = tpu.vector_load %arg14[%swap3A_2095, %swap3A_2096, %swap3A_2097] {strides = array<i32>} : memref<4x16x32xf32, #tpu.memory_space<vmem>>, vector<16xf32>,
        tpu.vector_store %arg14[%swap3A_2095, %swap3A_2096, %swap3A_2097], %mul3A_2092 {strides = array<i32>} : memref<4x16x32xf32, #tpu.memory_space<vmem>>, vector<16xf32>,
        %mul3A_2099 = arith.mulf %gather3A_2026, %gather3A_2026 : vector<16xf32>
        %mul3A_2100 = arith.mulf %mul3A_2099, %exp3A_2014 : vector<16xf32>
        %swap3A_2101 = arith.constant 3 : i32
        %swap3A_2102 = arith.constant 8 : i32
        %swap3A_2103 = arith.index_cast %swap3A_2101 : i32 to index
        %swap3A_2104 = arith.index_cast %swap3A_2102 : i32 to index
        %swap3A_2105 = arith.constant 0 : index
        %swap3A_2106 = tpu.vector_load %arg14[%swap3A_2103, %swap3A_2104, %swap3A_2105] {strides = array<i32>} : memref<4x16x32xf32, #tpu.memory_space<vmem>>, vector<16xf32>,
        tpu.vector_store %arg14[%swap3A_2103, %swap3A_2104, %swap3A_2105], %mul3A_2100 {strides = array<i32>} : memref<4x16x32xf32, #tpu.memory_space<vmem>>, vector<16xf32>,
        %mul3A_2107 = arith.mulf %gather3A_2026, %exp3A_2014 : vector<16xf32>
        %swap3A_2108 = arith.constant 3 : i32
        %swap3A_2109 = arith.constant 11 : i32
        %swap3A_2110 = arith.index_cast %swap3A_2108 : i32 to index
        %swap3A_2111 = arith.index_cast %swap3A_2109 : i32 to index
        %swap3A_2112 = arith.constant 0 : index
        %swap3A_2113 = tpu.vector_load %arg14[%swap3A_2110, %swap3A_2111, %swap3A_2112] {strides = array<i32>} : memref<4x16x32xf32, #tpu.memory_space<vmem>>, vector<16xf32>,
        tpu.vector_store %arg14[%swap3A_2110, %swap3A_2111, %swap3A_2112], %mul3A_2107 {strides = array<i32>} : memref<4x16x32xf32, #tpu.memory_space<vmem>>, vector<16xf32>,
        %swap3A_2114 = arith.constant 3 : i32
        %swap3A_2115 = arith.constant 12 : i32
        %swap3A_2116 = arith.index_cast %swap3A_2114 : i32 to index
        %swap3A_2117 = arith.index_cast %swap3A_2115 : i32 to index
        %swap3A_2118 = arith.constant 0 : index
        %swap3A_2119 = tpu.vector_load %arg14[%swap3A_2116, %swap3A_2117, %swap3A_2118] {strides = array<i32>} : memref<4x16x32xf32, #tpu.memory_space<vmem>>, vector<16xf32>,
        tpu.vector_store %arg14[%swap3A_2116, %swap3A_2117, %swap3A_2118], %exp3A_2014 {strides = array<i32>} : memref<4x16x32xf32, #tpu.memory_space<vmem>>, vector<16xf32>,
        %get3A_2120 = arith.index_cast %add3A_1314 : i32 to index
        %get3A_2121 = arith.constant 112 : index
        %get3A_2122 = tpu.vector_load %arg8[%get3A_2120, %get3A_2121] {strides = array<i32>} : memref<160x128xi32, #tpu.memory_space<vmem>>, vector<16xi32>,
        %get3A_2123 = arith.index_cast %add3A_1314 : i32 to index
        %get3A_2124 = arith.constant 112 : index
        %get3A_2125 = tpu.vector_load %arg9[%get3A_2123, %get3A_2124] {strides = array<i32>} : memref<160x128xf32, #tpu.memory_space<vmem>>, vector<16xf32>,
        %mul3A_2126 = arith.constant -1.000000e+01 : f32
        %mul3A_2127 = vector.broadcast %mul3A_2126 : f32 to vector<16xf32>
        %mul3A_2128 = arith.mulf %get3A_2125, %mul3A_2127 : vector<16xf32>
        %exp3A_2129 = math.exp %mul3A_2128 : vector<16xf32>
        %add3A_2130 = arith.constant 0 : i32
        %add3A_2131 = vector.broadcast %add3A_2130 : i32 to vector<16xi32>
        %add3A_2132 = arith.addi %get3A_2122, %add3A_2131 : vector<16xi32>
        %gather3A_2133 = tpu.vector_load_idx %arg10[%add3A_2132] : memref<30000xf32, #tpu.memory_space<vmem>>[vector<16xi32>], vector<16xf32>,
        %add3A_2134 = arith.constant 10000 : i32
        %add3A_2135 = vector.broadcast %add3A_2134 : i32 to vector<16xi32>
        %add3A_2136 = arith.addi %get3A_2122, %add3A_2135 : vector<16xi32>
        %gather3A_2137 = tpu.vector_load_idx %arg10[%add3A_2136] : memref<30000xf32, #tpu.memory_space<vmem>>[vector<16xi32>], vector<16xf32>,
        %add3A_2138 = arith.constant 20000 : i32
        %add3A_2139 = vector.broadcast %add3A_2138 : i32 to vector<16xi32>
        %add3A_2140 = arith.addi %get3A_2122, %add3A_2139 : vector<16xi32>
        %gather3A_2141 = tpu.vector_load_idx %arg10[%add3A_2140] : memref<30000xf32, #tpu.memory_space<vmem>>[vector<16xi32>], vector<16xf32>,
        %mul3A_2142 = arith.mulf %gather3A_2133, %gather3A_2133 : vector<16xf32>
        %mul3A_2143 = arith.mulf %mul3A_2142, %exp3A_2129 : vector<16xf32>
        %swap3A_2144 = arith.constant 3 : i32
        %swap3A_2145 = arith.constant 0 : i32
        %swap3A_2146 = arith.index_cast %swap3A_2144 : i32 to index
        %swap3A_2147 = arith.index_cast %swap3A_2145 : i32 to index
        %swap3A_2148 = arith.constant 16 : index
        %swap3A_2149 = tpu.vector_load %arg14[%swap3A_2146, %swap3A_2147, %swap3A_2148] {strides = array<i32>} : memref<4x16x32xf32, #tpu.memory_space<vmem>>, vector<16xf32>,
        tpu.vector_store %arg14[%swap3A_2146, %swap3A_2147, %swap3A_2148], %mul3A_2143 {strides = array<i32>} : memref<4x16x32xf32, #tpu.memory_space<vmem>>, vector<16xf32>,
        %mul3A_2150 = arith.mulf %gather3A_2133, %gather3A_2137 : vector<16xf32>
        %mul3A_2151 = arith.mulf %mul3A_2150, %exp3A_2129 : vector<16xf32>
        %swap3A_2152 = arith.constant 3 : i32
        %swap3A_2153 = arith.constant 1 : i32
        %swap3A_2154 = arith.index_cast %swap3A_2152 : i32 to index
        %swap3A_2155 = arith.index_cast %swap3A_2153 : i32 to index
        %swap3A_2156 = arith.constant 16 : index
        %swap3A_2157 = tpu.vector_load %arg14[%swap3A_2154, %swap3A_2155, %swap3A_2156] {strides = array<i32>} : memref<4x16x32xf32, #tpu.memory_space<vmem>>, vector<16xf32>,
        tpu.vector_store %arg14[%swap3A_2154, %swap3A_2155, %swap3A_2156], %mul3A_2151 {strides = array<i32>} : memref<4x16x32xf32, #tpu.memory_space<vmem>>, vector<16xf32>,
        %swap3A_2158 = arith.constant 3 : i32
        %swap3A_2159 = arith.constant 3 : i32
        %swap3A_2160 = arith.index_cast %swap3A_2158 : i32 to index
        %swap3A_2161 = arith.index_cast %swap3A_2159 : i32 to index
        %swap3A_2162 = arith.constant 16 : index
        %swap3A_2163 = tpu.vector_load %arg14[%swap3A_2160, %swap3A_2161, %swap3A_2162] {strides = array<i32>} : memref<4x16x32xf32, #tpu.memory_space<vmem>>, vector<16xf32>,
        tpu.vector_store %arg14[%swap3A_2160, %swap3A_2161, %swap3A_2162], %mul3A_2151 {strides = array<i32>} : memref<4x16x32xf32, #tpu.memory_space<vmem>>, vector<16xf32>,
        %mul3A_2164 = arith.mulf %gather3A_2133, %gather3A_2141 : vector<16xf32>
        %mul3A_2165 = arith.mulf %mul3A_2164, %exp3A_2129 : vector<16xf32>
        %swap3A_2166 = arith.constant 3 : i32
        %swap3A_2167 = arith.constant 2 : i32
        %swap3A_2168 = arith.index_cast %swap3A_2166 : i32 to index
        %swap3A_2169 = arith.index_cast %swap3A_2167 : i32 to index
        %swap3A_2170 = arith.constant 16 : index
        %swap3A_2171 = tpu.vector_load %arg14[%swap3A_2168, %swap3A_2169, %swap3A_2170] {strides = array<i32>} : memref<4x16x32xf32, #tpu.memory_space<vmem>>, vector<16xf32>,
        tpu.vector_store %arg14[%swap3A_2168, %swap3A_2169, %swap3A_2170], %mul3A_2165 {strides = array<i32>} : memref<4x16x32xf32, #tpu.memory_space<vmem>>, vector<16xf32>,
        %swap3A_2172 = arith.constant 3 : i32
        %swap3A_2173 = arith.constant 6 : i32
        %swap3A_2174 = arith.index_cast %swap3A_2172 : i32 to index
        %swap3A_2175 = arith.index_cast %swap3A_2173 : i32 to index
        %swap3A_2176 = arith.constant 16 : index
        %swap3A_2177 = tpu.vector_load %arg14[%swap3A_2174, %swap3A_2175, %swap3A_2176] {strides = array<i32>} : memref<4x16x32xf32, #tpu.memory_space<vmem>>, vector<16xf32>,
        tpu.vector_store %arg14[%swap3A_2174, %swap3A_2175, %swap3A_2176], %mul3A_2165 {strides = array<i32>} : memref<4x16x32xf32, #tpu.memory_space<vmem>>, vector<16xf32>,
        %mul3A_2178 = arith.mulf %gather3A_2133, %exp3A_2129 : vector<16xf32>
        %swap3A_2179 = arith.constant 3 : i32
        %swap3A_2180 = arith.constant 9 : i32
        %swap3A_2181 = arith.index_cast %swap3A_2179 : i32 to index
        %swap3A_2182 = arith.index_cast %swap3A_2180 : i32 to index
        %swap3A_2183 = arith.constant 16 : index
        %swap3A_2184 = tpu.vector_load %arg14[%swap3A_2181, %swap3A_2182, %swap3A_2183] {strides = array<i32>} : memref<4x16x32xf32, #tpu.memory_space<vmem>>, vector<16xf32>,
        tpu.vector_store %arg14[%swap3A_2181, %swap3A_2182, %swap3A_2183], %mul3A_2178 {strides = array<i32>} : memref<4x16x32xf32, #tpu.memory_space<vmem>>, vector<16xf32>,
        %mul3A_2185 = arith.mulf %gather3A_2137, %gather3A_2137 : vector<16xf32>
        %mul3A_2186 = arith.mulf %mul3A_2185, %exp3A_2129 : vector<16xf32>
        %swap3A_2187 = arith.constant 3 : i32
        %swap3A_2188 = arith.constant 4 : i32
        %swap3A_2189 = arith.index_cast %swap3A_2187 : i32 to index
        %swap3A_2190 = arith.index_cast %swap3A_2188 : i32 to index
        %swap3A_2191 = arith.constant 16 : index
        %swap3A_2192 = tpu.vector_load %arg14[%swap3A_2189, %swap3A_2190, %swap3A_2191] {strides = array<i32>} : memref<4x16x32xf32, #tpu.memory_space<vmem>>, vector<16xf32>,
        tpu.vector_store %arg14[%swap3A_2189, %swap3A_2190, %swap3A_2191], %mul3A_2186 {strides = array<i32>} : memref<4x16x32xf32, #tpu.memory_space<vmem>>, vector<16xf32>,
        %mul3A_2193 = arith.mulf %gather3A_2137, %gather3A_2141 : vector<16xf32>
        %mul3A_2194 = arith.mulf %mul3A_2193, %exp3A_2129 : vector<16xf32>
        %swap3A_2195 = arith.constant 3 : i32
        %swap3A_2196 = arith.constant 5 : i32
        %swap3A_2197 = arith.index_cast %swap3A_2195 : i32 to index
        %swap3A_2198 = arith.index_cast %swap3A_2196 : i32 to index
        %swap3A_2199 = arith.constant 16 : index
        %swap3A_2200 = tpu.vector_load %arg14[%swap3A_2197, %swap3A_2198, %swap3A_2199] {strides = array<i32>} : memref<4x16x32xf32, #tpu.memory_space<vmem>>, vector<16xf32>,
        tpu.vector_store %arg14[%swap3A_2197, %swap3A_2198, %swap3A_2199], %mul3A_2194 {strides = array<i32>} : memref<4x16x32xf32, #tpu.memory_space<vmem>>, vector<16xf32>,
        %swap3A_2201 = arith.constant 3 : i32
        %swap3A_2202 = arith.constant 7 : i32
        %swap3A_2203 = arith.index_cast %swap3A_2201 : i32 to index
        %swap3A_2204 = arith.index_cast %swap3A_2202 : i32 to index
        %swap3A_2205 = arith.constant 16 : index
        %swap3A_2206 = tpu.vector_load %arg14[%swap3A_2203, %swap3A_2204, %swap3A_2205] {strides = array<i32>} : memref<4x16x32xf32, #tpu.memory_space<vmem>>, vector<16xf32>,
        tpu.vector_store %arg14[%swap3A_2203, %swap3A_2204, %swap3A_2205], %mul3A_2194 {strides = array<i32>} : memref<4x16x32xf32, #tpu.memory_space<vmem>>, vector<16xf32>,
        %mul3A_2207 = arith.mulf %gather3A_2137, %exp3A_2129 : vector<16xf32>
        %swap3A_2208 = arith.constant 3 : i32
        %swap3A_2209 = arith.constant 10 : i32
        %swap3A_2210 = arith.index_cast %swap3A_2208 : i32 to index
        %swap3A_2211 = arith.index_cast %swap3A_2209 : i32 to index
        %swap3A_2212 = arith.constant 16 : index
        %swap3A_2213 = tpu.vector_load %arg14[%swap3A_2210, %swap3A_2211, %swap3A_2212] {strides = array<i32>} : memref<4x16x32xf32, #tpu.memory_space<vmem>>, vector<16xf32>,
        tpu.vector_store %arg14[%swap3A_2210, %swap3A_2211, %swap3A_2212], %mul3A_2207 {strides = array<i32>} : memref<4x16x32xf32, #tpu.memory_space<vmem>>, vector<16xf32>,
        %mul3A_2214 = arith.mulf %gather3A_2141, %gather3A_2141 : vector<16xf32>
        %mul3A_2215 = arith.mulf %mul3A_2214, %exp3A_2129 : vector<16xf32>
        %swap3A_2216 = arith.constant 3 : i32
        %swap3A_2217 = arith.constant 8 : i32
        %swap3A_2218 = arith.index_cast %swap3A_2216 : i32 to index
        %swap3A_2219 = arith.index_cast %swap3A_2217 : i32 to index
        %swap3A_2220 = arith.constant 16 : index
        %swap3A_2221 = tpu.vector_load %arg14[%swap3A_2218, %swap3A_2219, %swap3A_2220] {strides = array<i32>} : memref<4x16x32xf32, #tpu.memory_space<vmem>>, vector<16xf32>,
        tpu.vector_store %arg14[%swap3A_2218, %swap3A_2219, %swap3A_2220], %mul3A_2215 {strides = array<i32>} : memref<4x16x32xf32, #tpu.memory_space<vmem>>, vector<16xf32>,
        %mul3A_2222 = arith.mulf %gather3A_2141, %exp3A_2129 : vector<16xf32>
        %swap3A_2223 = arith.constant 3 : i32
        %swap3A_2224 = arith.constant 11 : i32
        %swap3A_2225 = arith.index_cast %swap3A_2223 : i32 to index
        %swap3A_2226 = arith.index_cast %swap3A_2224 : i32 to index
        %swap3A_2227 = arith.constant 16 : index
        %swap3A_2228 = tpu.vector_load %arg14[%swap3A_2225, %swap3A_2226, %swap3A_2227] {strides = array<i32>} : memref<4x16x32xf32, #tpu.memory_space<vmem>>, vector<16xf32>,
        tpu.vector_store %arg14[%swap3A_2225, %swap3A_2226, %swap3A_2227], %mul3A_2222 {strides = array<i32>} : memref<4x16x32xf32, #tpu.memory_space<vmem>>, vector<16xf32>,
        %swap3A_2229 = arith.constant 3 : i32
        %swap3A_2230 = arith.constant 12 : i32
        %swap3A_2231 = arith.index_cast %swap3A_2229 : i32 to index
        %swap3A_2232 = arith.index_cast %swap3A_2230 : i32 to index
        %swap3A_2233 = arith.constant 16 : index
        %swap3A_2234 = tpu.vector_load %arg14[%swap3A_2231, %swap3A_2232, %swap3A_2233] {strides = array<i32>} : memref<4x16x32xf32, #tpu.memory_space<vmem>>, vector<16xf32>,
        tpu.vector_store %arg14[%swap3A_2231, %swap3A_2232, %swap3A_2233], %exp3A_2129 {strides = array<i32>} : memref<4x16x32xf32, #tpu.memory_space<vmem>>, vector<16xf32>,
        %dma_wait3A_2235 = arith.constant 0 : i32
        %dma_wait3A_2236 = tpu.memref_slice %arg8[%add3A_1314, %dma_wait3A_2235] : memref<160x128xi32, #tpu.memory_space<vmem>> -> memref<1x128xi32, #tpu.memory_space<vmem>>
        %dma_wait3A_2237 = tpu.memref_squeeze %dma_wait3A_2236 : memref<1x128xi32, #tpu.memory_space<vmem>> -> memref<128xi32, #tpu.memory_space<vmem>>
        %dma_wait3A_2238 = arith.constant 0 : i32
        %dma_wait3A_2239 = arith.constant 0 : i32
        %dma_wait3A_2240 = tpu.memref_slice %arg4[%dma_wait3A_2238, %dma_wait3A_2239] : memref<10000x128xf32, #tpu.memory_space<hbm>> -> memref<10000x128xf32, #tpu.memory_space<hbm>>
        tpu.wait_indirect_dma semaphore(%arg16 : memref<!tpu.dma_semaphore, #tpu.memory_space<semaphore_mem>>) src(%dma_wait3A_2240 : memref<10000x128xf32, #tpu.memory_space<hbm>>) dst(%arg12 : memref<128x128xf32, #tpu.memory_space<vmem>>)
        %add3A_2241 = arith.addi %multiple_of3A, %add3A_1314 : i32
        %mul3A_2242 = arith.constant 4 : i32
        %mul3A_2243 = arith.muli %add3A_2241, %mul3A_2242 : i32
        %mul3A_2244 = arith.constant 32 : i32
        %mul3A_2245 = arith.muli %mul3A_2243, %mul3A_2244 : i32
        %multiple_of3A_2246 = tpu.assume_multiple %mul3A_2245, 128 : i32
        %dma_start3A_2247 = arith.constant 0 : i32
        %dma_start3A_2248 = tpu.memref_slice %arg6[%multiple_of3A_2246, %dma_start3A_2247] : memref<327680x128xf32, #tpu.memory_space<hbm>> -> memref<128x128xf32, #tpu.memory_space<hbm>>
        %dma_start3A_2249 = arith.constant 0 : i32
        %dma_start3A_2250 = tpu.memref_slice %arg6[%multiple_of3A_2246, %dma_start3A_2249] : memref<327680x128xf32, #tpu.memory_space<hbm>> -> memref<128x128xf32, #tpu.memory_space<hbm>>
        tpu.enqueue_dma source(%arg12 : memref<128x128xf32, #tpu.memory_space<vmem>>) target(%dma_start3A_2250 : memref<128x128xf32, #tpu.memory_space<hbm>>) target_semaphore(%arg18 : memref<!tpu.dma_semaphore, #tpu.memory_space<semaphore_mem>>)
        %add3A_2251 = arith.addi %multiple_of3A, %add3A_1314 : i32
        %mul3A_2252 = arith.constant 4 : i32
        %mul3A_2253 = arith.muli %add3A_2251, %mul3A_2252 : i32
        %dma_start3A_2254 = arith.constant 0 : i32
        %dma_start3A_2255 = arith.constant 0 : i32
        %dma_start3A_2256 = tpu.memref_slice %arg7[%mul3A_2253, %dma_start3A_2254, %dma_start3A_2255] : memref<10240x16x32xf32, #tpu.memory_space<hbm>> -> memref<4x16x32xf32, #tpu.memory_space<hbm>>
        %dma_start3A_2257 = arith.constant 0 : i32
        %dma_start3A_2258 = arith.constant 0 : i32
        %dma_start3A_2259 = tpu.memref_slice %arg7[%mul3A_2253, %dma_start3A_2257, %dma_start3A_2258] : memref<10240x16x32xf32, #tpu.memory_space<hbm>> -> memref<4x16x32xf32, #tpu.memory_space<hbm>>
        tpu.enqueue_dma source(%arg14 : memref<4x16x32xf32, #tpu.memory_space<vmem>>) target(%dma_start3A_2259 : memref<4x16x32xf32, #tpu.memory_space<hbm>>) target_semaphore(%arg20 : memref<!tpu.dma_semaphore, #tpu.memory_space<semaphore_mem>>)
      }
      %scan3A_295 = arith.constant 80 : i32
      %add3A = arith.constant 158 : i32
      %add3A_296 = arith.addi %multiple_of3A, %add3A : i32
      %mul3A_297 = arith.constant 4 : i32
      %mul3A_298 = arith.muli %add3A_296, %mul3A_297 : i32
      %mul3A_299 = arith.constant 32 : i32
      %mul3A_300 = arith.muli %mul3A_298, %mul3A_299 : i32
      %multiple_of3A_301 = tpu.assume_multiple %mul3A_300, 128 : i32
      %dma_wait3A = arith.constant 0 : i32
      %dma_wait3A_302 = tpu.memref_slice %arg6[%multiple_of3A_301, %dma_wait3A] : memref<327680x128xf32, #tpu.memory_space<hbm>> -> memref<128x128xf32, #tpu.memory_space<hbm>>
      %dma_wait3A_303 = arith.constant 0 : i32
      %dma_wait3A_304 = tpu.memref_slice %arg6[%multiple_of3A_301, %dma_wait3A_303] : memref<327680x128xf32, #tpu.memory_space<hbm>> -> memref<128x128xf32, #tpu.memory_space<hbm>>
      tpu.wait_dma2 semaphore(%arg17 : memref<!tpu.dma_semaphore, #tpu.memory_space<semaphore_mem>>) src(%arg11 : memref<128x128xf32, #tpu.memory_space<vmem>>) dst(%dma_wait3A_304 : memref<128x128xf32, #tpu.memory_space<hbm>>)
      %add3A_305 = arith.constant 158 : i32
      %add3A_306 = arith.addi %multiple_of3A, %add3A_305 : i32
      %mul3A_307 = arith.constant 4 : i32
      %mul3A_308 = arith.muli %add3A_306, %mul3A_307 : i32
      %dma_wait3A_309 = arith.constant 0 : i32
      %dma_wait3A_310 = arith.constant 0 : i32
      %dma_wait3A_311 = tpu.memref_slice %arg7[%mul3A_308, %dma_wait3A_309, %dma_wait3A_310] : memref<10240x16x32xf32, #tpu.memory_space<hbm>> -> memref<4x16x32xf32, #tpu.memory_space<hbm>>
      %dma_wait3A_312 = arith.constant 0 : i32
      %dma_wait3A_313 = arith.constant 0 : i32
      %dma_wait3A_314 = tpu.memref_slice %arg7[%mul3A_308, %dma_wait3A_312, %dma_wait3A_313] : memref<10240x16x32xf32, #tpu.memory_space<hbm>> -> memref<4x16x32xf32, #tpu.memory_space<hbm>>
      tpu.wait_dma2 semaphore(%arg19 : memref<!tpu.dma_semaphore, #tpu.memory_space<semaphore_mem>>) src(%arg13 : memref<4x16x32xf32, #tpu.memory_space<vmem>>) dst(%dma_wait3A_314 : memref<4x16x32xf32, #tpu.memory_space<hbm>>)
      %add3A_315 = arith.constant 159 : i32
      %add3A_316 = arith.addi %multiple_of3A, %add3A_315 : i32
      %mul3A_317 = arith.constant 4 : i32
      %mul3A_318 = arith.muli %add3A_316, %mul3A_317 : i32
      %mul3A_319 = arith.constant 32 : i32
      %mul3A_320 = arith.muli %mul3A_318, %mul3A_319 : i32
      %multiple_of3A_321 = tpu.assume_multiple %mul3A_320, 128 : i32
      %dma_wait3A_322 = arith.constant 0 : i32
      %dma_wait3A_323 = tpu.memref_slice %arg6[%multiple_of3A_321, %dma_wait3A_322] : memref<327680x128xf32, #tpu.memory_space<hbm>> -> memref<128x128xf32, #tpu.memory_space<hbm>>
      %dma_wait3A_324 = arith.constant 0 : i32
      %dma_wait3A_325 = tpu.memref_slice %arg6[%multiple_of3A_321, %dma_wait3A_324] : memref<327680x128xf32, #tpu.memory_space<hbm>> -> memref<128x128xf32, #tpu.memory_space<hbm>>
      tpu.wait_dma2 semaphore(%arg18 : memref<!tpu.dma_semaphore, #tpu.memory_space<semaphore_mem>>) src(%arg12 : memref<128x128xf32, #tpu.memory_space<vmem>>) dst(%dma_wait3A_325 : memref<128x128xf32, #tpu.memory_space<hbm>>)
      %add3A_326 = arith.constant 159 : i32
      %add3A_327 = arith.addi %multiple_of3A, %add3A_326 : i32
      %mul3A_328 = arith.constant 4 : i32
      %mul3A_329 = arith.muli %add3A_327, %mul3A_328 : i32
      %dma_wait3A_330 = arith.constant 0 : i32
      %dma_wait3A_331 = arith.constant 0 : i32
      %dma_wait3A_332 = tpu.memref_slice %arg7[%mul3A_329, %dma_wait3A_330, %dma_wait3A_331] : memref<10240x16x32xf32, #tpu.memory_space<hbm>> -> memref<4x16x32xf32, #tpu.memory_space<hbm>>
      %dma_wait3A_333 = arith.constant 0 : i32
      %dma_wait3A_334 = arith.constant 0 : i32
      %dma_wait3A_335 = tpu.memref_slice %arg7[%mul3A_329, %dma_wait3A_333, %dma_wait3A_334] : memref<10240x16x32xf32, #tpu.memory_space<hbm>> -> memref<4x16x32xf32, #tpu.memory_space<hbm>>
      tpu.wait_dma2 semaphore(%arg20 : memref<!tpu.dma_semaphore, #tpu.memory_space<semaphore_mem>>) src(%arg14 : memref<4x16x32xf32, #tpu.memory_space<vmem>>) dst(%dma_wait3A_335 : memref<4x16x32xf32, #tpu.memory_space<hbm>>)
    } else {
    }
    return
  }
}

module attributes {stable_mosaic.version = 14 : i64} {
  func.func @_tc_body(%arg0: i32, %arg1: memref<80x16x32xf32, #tpu.memory_space<vmem>>, %arg2: memref<2560x128xf32, #tpu.memory_space<vmem>>, %arg3: memref<72x16xf32, #tpu.memory_space<vmem>>, %arg4: memref<72x72xf32, #tpu.memory_space<vmem>>, %arg5: memref<9x72xf32, #tpu.memory_space<vmem>>, %arg6: memref<80x1152xf32, #tpu.memory_space<vmem>>) attributes {dimension_semantics = [#tpu.dimension_semantics<arbitrary>], iteration_bounds = array<i64: 125>, scalar_prefetch = 0 : i64, scratch_operands = 0 : i64, tpu.core_type = #tpu.core_type<tc>, window_params = [{transform_indices = @transform_0, window_bounds = array<i64: 80, 16, 32>}, {transform_indices = @transform_1, window_bounds = array<i64: 2560, 128>}, {pipeline_mode = #tpu.pipeline_mode<synchronous>, transform_indices = @transform_2, window_bounds = array<i64: 72, 16>}, {pipeline_mode = #tpu.pipeline_mode<synchronous>, transform_indices = @transform_3, window_bounds = array<i64: 72, 72>}, {pipeline_mode = #tpu.pipeline_mode<synchronous>, transform_indices = @transform_4, window_bounds = array<i64: 9, 72>}, {transform_indices = @transform_5, window_bounds = array<i64: 80, 1152>}]} {
    %get3A = arith.constant 0 : index
    %get3A_0 = arith.constant 0 : index
    %get3A_1 = arith.constant 0 : index
    %get3A_2 = vector.load %arg1[%get3A, %get3A_0, %get3A_1] : memref<80x16x32xf32, #tpu.memory_space<vmem>>, vector<80x16x32xf32>
    %get3A_3 = arith.constant 0 : index
    %get3A_4 = arith.constant 0 : index
    %get3A_5 = vector.load %arg2[%get3A_3, %get3A_4] : memref<2560x128xf32, #tpu.memory_space<vmem>>, vector<2560x128xf32>
    %reshape3A = vector.shape_cast %get3A_5 : vector<2560x128xf32> to vector<80x32x128xf32>
    %dot_general3A = arith.constant dense<0.000000e+00> : vector<80x16x128xf32>
    %dot_general3A_6 = tpu.matmul %get3A_2, %reshape3A, %dot_general3A {dimension_numbers = #tpu.dot_dimension_numbers<[2], [1], [1], [2], [0, 0, 0, 1, 1, 2], [0], [0]>, transpose_lhs_hint = false} : vector<80x16x32xf32>, vector<80x32x128xf32>, vector<80x16x128xf32> -> vector<80x16x128xf32>
    %slice3A = vector.extract_strided_slice %dot_general3A_6 {offsets = [0, 0, 0], sizes = [1, 16, 128], strides = [1, 1, 1]} : vector<80x16x128xf32> to vector<1x16x128xf32>
    %squeeze3A = vector.shape_cast %slice3A : vector<1x16x128xf32> to vector<16x128xf32>
    %slice3A_7 = vector.extract_strided_slice %dot_general3A_6 {offsets = [1, 0, 0], sizes = [1, 16, 128], strides = [1, 1, 1]} : vector<80x16x128xf32> to vector<1x16x128xf32>
    %squeeze3A_8 = vector.shape_cast %slice3A_7 : vector<1x16x128xf32> to vector<16x128xf32>
    %slice3A_9 = vector.extract_strided_slice %dot_general3A_6 {offsets = [2, 0, 0], sizes = [1, 16, 128], strides = [1, 1, 1]} : vector<80x16x128xf32> to vector<1x16x128xf32>
    %squeeze3A_10 = vector.shape_cast %slice3A_9 : vector<1x16x128xf32> to vector<16x128xf32>
    %slice3A_11 = vector.extract_strided_slice %dot_general3A_6 {offsets = [3, 0, 0], sizes = [1, 16, 128], strides = [1, 1, 1]} : vector<80x16x128xf32> to vector<1x16x128xf32>
    %squeeze3A_12 = vector.shape_cast %slice3A_11 : vector<1x16x128xf32> to vector<16x128xf32>
    %slice3A_13 = vector.extract_strided_slice %dot_general3A_6 {offsets = [4, 0, 0], sizes = [1, 16, 128], strides = [1, 1, 1]} : vector<80x16x128xf32> to vector<1x16x128xf32>
    %squeeze3A_14 = vector.shape_cast %slice3A_13 : vector<1x16x128xf32> to vector<16x128xf32>
    %slice3A_15 = vector.extract_strided_slice %dot_general3A_6 {offsets = [5, 0, 0], sizes = [1, 16, 128], strides = [1, 1, 1]} : vector<80x16x128xf32> to vector<1x16x128xf32>
    %squeeze3A_16 = vector.shape_cast %slice3A_15 : vector<1x16x128xf32> to vector<16x128xf32>
    %slice3A_17 = vector.extract_strided_slice %dot_general3A_6 {offsets = [6, 0, 0], sizes = [1, 16, 128], strides = [1, 1, 1]} : vector<80x16x128xf32> to vector<1x16x128xf32>
    %squeeze3A_18 = vector.shape_cast %slice3A_17 : vector<1x16x128xf32> to vector<16x128xf32>
    %slice3A_19 = vector.extract_strided_slice %dot_general3A_6 {offsets = [7, 0, 0], sizes = [1, 16, 128], strides = [1, 1, 1]} : vector<80x16x128xf32> to vector<1x16x128xf32>
    %squeeze3A_20 = vector.shape_cast %slice3A_19 : vector<1x16x128xf32> to vector<16x128xf32>
    %slice3A_21 = vector.extract_strided_slice %dot_general3A_6 {offsets = [8, 0, 0], sizes = [1, 16, 128], strides = [1, 1, 1]} : vector<80x16x128xf32> to vector<1x16x128xf32>
    %squeeze3A_22 = vector.shape_cast %slice3A_21 : vector<1x16x128xf32> to vector<16x128xf32>
    %slice3A_23 = vector.extract_strided_slice %dot_general3A_6 {offsets = [9, 0, 0], sizes = [1, 16, 128], strides = [1, 1, 1]} : vector<80x16x128xf32> to vector<1x16x128xf32>
    %squeeze3A_24 = vector.shape_cast %slice3A_23 : vector<1x16x128xf32> to vector<16x128xf32>
    %slice3A_25 = vector.extract_strided_slice %dot_general3A_6 {offsets = [10, 0, 0], sizes = [1, 16, 128], strides = [1, 1, 1]} : vector<80x16x128xf32> to vector<1x16x128xf32>
    %squeeze3A_26 = vector.shape_cast %slice3A_25 : vector<1x16x128xf32> to vector<16x128xf32>
    %slice3A_27 = vector.extract_strided_slice %dot_general3A_6 {offsets = [11, 0, 0], sizes = [1, 16, 128], strides = [1, 1, 1]} : vector<80x16x128xf32> to vector<1x16x128xf32>
    %squeeze3A_28 = vector.shape_cast %slice3A_27 : vector<1x16x128xf32> to vector<16x128xf32>
    %slice3A_29 = vector.extract_strided_slice %dot_general3A_6 {offsets = [12, 0, 0], sizes = [1, 16, 128], strides = [1, 1, 1]} : vector<80x16x128xf32> to vector<1x16x128xf32>
    %squeeze3A_30 = vector.shape_cast %slice3A_29 : vector<1x16x128xf32> to vector<16x128xf32>
    %slice3A_31 = vector.extract_strided_slice %dot_general3A_6 {offsets = [13, 0, 0], sizes = [1, 16, 128], strides = [1, 1, 1]} : vector<80x16x128xf32> to vector<1x16x128xf32>
    %squeeze3A_32 = vector.shape_cast %slice3A_31 : vector<1x16x128xf32> to vector<16x128xf32>
    %slice3A_33 = vector.extract_strided_slice %dot_general3A_6 {offsets = [14, 0, 0], sizes = [1, 16, 128], strides = [1, 1, 1]} : vector<80x16x128xf32> to vector<1x16x128xf32>
    %squeeze3A_34 = vector.shape_cast %slice3A_33 : vector<1x16x128xf32> to vector<16x128xf32>
    %slice3A_35 = vector.extract_strided_slice %dot_general3A_6 {offsets = [15, 0, 0], sizes = [1, 16, 128], strides = [1, 1, 1]} : vector<80x16x128xf32> to vector<1x16x128xf32>
    %squeeze3A_36 = vector.shape_cast %slice3A_35 : vector<1x16x128xf32> to vector<16x128xf32>
    %slice3A_37 = vector.extract_strided_slice %dot_general3A_6 {offsets = [16, 0, 0], sizes = [1, 16, 128], strides = [1, 1, 1]} : vector<80x16x128xf32> to vector<1x16x128xf32>
    %squeeze3A_38 = vector.shape_cast %slice3A_37 : vector<1x16x128xf32> to vector<16x128xf32>
    %slice3A_39 = vector.extract_strided_slice %dot_general3A_6 {offsets = [17, 0, 0], sizes = [1, 16, 128], strides = [1, 1, 1]} : vector<80x16x128xf32> to vector<1x16x128xf32>
    %squeeze3A_40 = vector.shape_cast %slice3A_39 : vector<1x16x128xf32> to vector<16x128xf32>
    %slice3A_41 = vector.extract_strided_slice %dot_general3A_6 {offsets = [18, 0, 0], sizes = [1, 16, 128], strides = [1, 1, 1]} : vector<80x16x128xf32> to vector<1x16x128xf32>
    %squeeze3A_42 = vector.shape_cast %slice3A_41 : vector<1x16x128xf32> to vector<16x128xf32>
    %slice3A_43 = vector.extract_strided_slice %dot_general3A_6 {offsets = [19, 0, 0], sizes = [1, 16, 128], strides = [1, 1, 1]} : vector<80x16x128xf32> to vector<1x16x128xf32>
    %squeeze3A_44 = vector.shape_cast %slice3A_43 : vector<1x16x128xf32> to vector<16x128xf32>
    %slice3A_45 = vector.extract_strided_slice %dot_general3A_6 {offsets = [20, 0, 0], sizes = [1, 16, 128], strides = [1, 1, 1]} : vector<80x16x128xf32> to vector<1x16x128xf32>
    %squeeze3A_46 = vector.shape_cast %slice3A_45 : vector<1x16x128xf32> to vector<16x128xf32>
    %slice3A_47 = vector.extract_strided_slice %dot_general3A_6 {offsets = [21, 0, 0], sizes = [1, 16, 128], strides = [1, 1, 1]} : vector<80x16x128xf32> to vector<1x16x128xf32>
    %squeeze3A_48 = vector.shape_cast %slice3A_47 : vector<1x16x128xf32> to vector<16x128xf32>
    %slice3A_49 = vector.extract_strided_slice %dot_general3A_6 {offsets = [22, 0, 0], sizes = [1, 16, 128], strides = [1, 1, 1]} : vector<80x16x128xf32> to vector<1x16x128xf32>
    %squeeze3A_50 = vector.shape_cast %slice3A_49 : vector<1x16x128xf32> to vector<16x128xf32>
    %slice3A_51 = vector.extract_strided_slice %dot_general3A_6 {offsets = [23, 0, 0], sizes = [1, 16, 128], strides = [1, 1, 1]} : vector<80x16x128xf32> to vector<1x16x128xf32>
    %squeeze3A_52 = vector.shape_cast %slice3A_51 : vector<1x16x128xf32> to vector<16x128xf32>
    %slice3A_53 = vector.extract_strided_slice %dot_general3A_6 {offsets = [24, 0, 0], sizes = [1, 16, 128], strides = [1, 1, 1]} : vector<80x16x128xf32> to vector<1x16x128xf32>
    %squeeze3A_54 = vector.shape_cast %slice3A_53 : vector<1x16x128xf32> to vector<16x128xf32>
    %slice3A_55 = vector.extract_strided_slice %dot_general3A_6 {offsets = [25, 0, 0], sizes = [1, 16, 128], strides = [1, 1, 1]} : vector<80x16x128xf32> to vector<1x16x128xf32>
    %squeeze3A_56 = vector.shape_cast %slice3A_55 : vector<1x16x128xf32> to vector<16x128xf32>
    %slice3A_57 = vector.extract_strided_slice %dot_general3A_6 {offsets = [26, 0, 0], sizes = [1, 16, 128], strides = [1, 1, 1]} : vector<80x16x128xf32> to vector<1x16x128xf32>
    %squeeze3A_58 = vector.shape_cast %slice3A_57 : vector<1x16x128xf32> to vector<16x128xf32>
    %slice3A_59 = vector.extract_strided_slice %dot_general3A_6 {offsets = [27, 0, 0], sizes = [1, 16, 128], strides = [1, 1, 1]} : vector<80x16x128xf32> to vector<1x16x128xf32>
    %squeeze3A_60 = vector.shape_cast %slice3A_59 : vector<1x16x128xf32> to vector<16x128xf32>
    %slice3A_61 = vector.extract_strided_slice %dot_general3A_6 {offsets = [28, 0, 0], sizes = [1, 16, 128], strides = [1, 1, 1]} : vector<80x16x128xf32> to vector<1x16x128xf32>
    %squeeze3A_62 = vector.shape_cast %slice3A_61 : vector<1x16x128xf32> to vector<16x128xf32>
    %slice3A_63 = vector.extract_strided_slice %dot_general3A_6 {offsets = [29, 0, 0], sizes = [1, 16, 128], strides = [1, 1, 1]} : vector<80x16x128xf32> to vector<1x16x128xf32>
    %squeeze3A_64 = vector.shape_cast %slice3A_63 : vector<1x16x128xf32> to vector<16x128xf32>
    %slice3A_65 = vector.extract_strided_slice %dot_general3A_6 {offsets = [30, 0, 0], sizes = [1, 16, 128], strides = [1, 1, 1]} : vector<80x16x128xf32> to vector<1x16x128xf32>
    %squeeze3A_66 = vector.shape_cast %slice3A_65 : vector<1x16x128xf32> to vector<16x128xf32>
    %slice3A_67 = vector.extract_strided_slice %dot_general3A_6 {offsets = [31, 0, 0], sizes = [1, 16, 128], strides = [1, 1, 1]} : vector<80x16x128xf32> to vector<1x16x128xf32>
    %squeeze3A_68 = vector.shape_cast %slice3A_67 : vector<1x16x128xf32> to vector<16x128xf32>
    %slice3A_69 = vector.extract_strided_slice %dot_general3A_6 {offsets = [32, 0, 0], sizes = [1, 16, 128], strides = [1, 1, 1]} : vector<80x16x128xf32> to vector<1x16x128xf32>
    %squeeze3A_70 = vector.shape_cast %slice3A_69 : vector<1x16x128xf32> to vector<16x128xf32>
    %slice3A_71 = vector.extract_strided_slice %dot_general3A_6 {offsets = [33, 0, 0], sizes = [1, 16, 128], strides = [1, 1, 1]} : vector<80x16x128xf32> to vector<1x16x128xf32>
    %squeeze3A_72 = vector.shape_cast %slice3A_71 : vector<1x16x128xf32> to vector<16x128xf32>
    %slice3A_73 = vector.extract_strided_slice %dot_general3A_6 {offsets = [34, 0, 0], sizes = [1, 16, 128], strides = [1, 1, 1]} : vector<80x16x128xf32> to vector<1x16x128xf32>
    %squeeze3A_74 = vector.shape_cast %slice3A_73 : vector<1x16x128xf32> to vector<16x128xf32>
    %slice3A_75 = vector.extract_strided_slice %dot_general3A_6 {offsets = [35, 0, 0], sizes = [1, 16, 128], strides = [1, 1, 1]} : vector<80x16x128xf32> to vector<1x16x128xf32>
    %squeeze3A_76 = vector.shape_cast %slice3A_75 : vector<1x16x128xf32> to vector<16x128xf32>
    %slice3A_77 = vector.extract_strided_slice %dot_general3A_6 {offsets = [36, 0, 0], sizes = [1, 16, 128], strides = [1, 1, 1]} : vector<80x16x128xf32> to vector<1x16x128xf32>
    %squeeze3A_78 = vector.shape_cast %slice3A_77 : vector<1x16x128xf32> to vector<16x128xf32>
    %slice3A_79 = vector.extract_strided_slice %dot_general3A_6 {offsets = [37, 0, 0], sizes = [1, 16, 128], strides = [1, 1, 1]} : vector<80x16x128xf32> to vector<1x16x128xf32>
    %squeeze3A_80 = vector.shape_cast %slice3A_79 : vector<1x16x128xf32> to vector<16x128xf32>
    %slice3A_81 = vector.extract_strided_slice %dot_general3A_6 {offsets = [38, 0, 0], sizes = [1, 16, 128], strides = [1, 1, 1]} : vector<80x16x128xf32> to vector<1x16x128xf32>
    %squeeze3A_82 = vector.shape_cast %slice3A_81 : vector<1x16x128xf32> to vector<16x128xf32>
    %slice3A_83 = vector.extract_strided_slice %dot_general3A_6 {offsets = [39, 0, 0], sizes = [1, 16, 128], strides = [1, 1, 1]} : vector<80x16x128xf32> to vector<1x16x128xf32>
    %squeeze3A_84 = vector.shape_cast %slice3A_83 : vector<1x16x128xf32> to vector<16x128xf32>
    %slice3A_85 = vector.extract_strided_slice %dot_general3A_6 {offsets = [40, 0, 0], sizes = [1, 16, 128], strides = [1, 1, 1]} : vector<80x16x128xf32> to vector<1x16x128xf32>
    %squeeze3A_86 = vector.shape_cast %slice3A_85 : vector<1x16x128xf32> to vector<16x128xf32>
    %slice3A_87 = vector.extract_strided_slice %dot_general3A_6 {offsets = [41, 0, 0], sizes = [1, 16, 128], strides = [1, 1, 1]} : vector<80x16x128xf32> to vector<1x16x128xf32>
    %squeeze3A_88 = vector.shape_cast %slice3A_87 : vector<1x16x128xf32> to vector<16x128xf32>
    %slice3A_89 = vector.extract_strided_slice %dot_general3A_6 {offsets = [42, 0, 0], sizes = [1, 16, 128], strides = [1, 1, 1]} : vector<80x16x128xf32> to vector<1x16x128xf32>
    %squeeze3A_90 = vector.shape_cast %slice3A_89 : vector<1x16x128xf32> to vector<16x128xf32>
    %slice3A_91 = vector.extract_strided_slice %dot_general3A_6 {offsets = [43, 0, 0], sizes = [1, 16, 128], strides = [1, 1, 1]} : vector<80x16x128xf32> to vector<1x16x128xf32>
    %squeeze3A_92 = vector.shape_cast %slice3A_91 : vector<1x16x128xf32> to vector<16x128xf32>
    %slice3A_93 = vector.extract_strided_slice %dot_general3A_6 {offsets = [44, 0, 0], sizes = [1, 16, 128], strides = [1, 1, 1]} : vector<80x16x128xf32> to vector<1x16x128xf32>
    %squeeze3A_94 = vector.shape_cast %slice3A_93 : vector<1x16x128xf32> to vector<16x128xf32>
    %slice3A_95 = vector.extract_strided_slice %dot_general3A_6 {offsets = [45, 0, 0], sizes = [1, 16, 128], strides = [1, 1, 1]} : vector<80x16x128xf32> to vector<1x16x128xf32>
    %squeeze3A_96 = vector.shape_cast %slice3A_95 : vector<1x16x128xf32> to vector<16x128xf32>
    %slice3A_97 = vector.extract_strided_slice %dot_general3A_6 {offsets = [46, 0, 0], sizes = [1, 16, 128], strides = [1, 1, 1]} : vector<80x16x128xf32> to vector<1x16x128xf32>
    %squeeze3A_98 = vector.shape_cast %slice3A_97 : vector<1x16x128xf32> to vector<16x128xf32>
    %slice3A_99 = vector.extract_strided_slice %dot_general3A_6 {offsets = [47, 0, 0], sizes = [1, 16, 128], strides = [1, 1, 1]} : vector<80x16x128xf32> to vector<1x16x128xf32>
    %squeeze3A_100 = vector.shape_cast %slice3A_99 : vector<1x16x128xf32> to vector<16x128xf32>
    %slice3A_101 = vector.extract_strided_slice %dot_general3A_6 {offsets = [48, 0, 0], sizes = [1, 16, 128], strides = [1, 1, 1]} : vector<80x16x128xf32> to vector<1x16x128xf32>
    %squeeze3A_102 = vector.shape_cast %slice3A_101 : vector<1x16x128xf32> to vector<16x128xf32>
    %slice3A_103 = vector.extract_strided_slice %dot_general3A_6 {offsets = [49, 0, 0], sizes = [1, 16, 128], strides = [1, 1, 1]} : vector<80x16x128xf32> to vector<1x16x128xf32>
    %squeeze3A_104 = vector.shape_cast %slice3A_103 : vector<1x16x128xf32> to vector<16x128xf32>
    %slice3A_105 = vector.extract_strided_slice %dot_general3A_6 {offsets = [50, 0, 0], sizes = [1, 16, 128], strides = [1, 1, 1]} : vector<80x16x128xf32> to vector<1x16x128xf32>
    %squeeze3A_106 = vector.shape_cast %slice3A_105 : vector<1x16x128xf32> to vector<16x128xf32>
    %slice3A_107 = vector.extract_strided_slice %dot_general3A_6 {offsets = [51, 0, 0], sizes = [1, 16, 128], strides = [1, 1, 1]} : vector<80x16x128xf32> to vector<1x16x128xf32>
    %squeeze3A_108 = vector.shape_cast %slice3A_107 : vector<1x16x128xf32> to vector<16x128xf32>
    %slice3A_109 = vector.extract_strided_slice %dot_general3A_6 {offsets = [52, 0, 0], sizes = [1, 16, 128], strides = [1, 1, 1]} : vector<80x16x128xf32> to vector<1x16x128xf32>
    %squeeze3A_110 = vector.shape_cast %slice3A_109 : vector<1x16x128xf32> to vector<16x128xf32>
    %slice3A_111 = vector.extract_strided_slice %dot_general3A_6 {offsets = [53, 0, 0], sizes = [1, 16, 128], strides = [1, 1, 1]} : vector<80x16x128xf32> to vector<1x16x128xf32>
    %squeeze3A_112 = vector.shape_cast %slice3A_111 : vector<1x16x128xf32> to vector<16x128xf32>
    %slice3A_113 = vector.extract_strided_slice %dot_general3A_6 {offsets = [54, 0, 0], sizes = [1, 16, 128], strides = [1, 1, 1]} : vector<80x16x128xf32> to vector<1x16x128xf32>
    %squeeze3A_114 = vector.shape_cast %slice3A_113 : vector<1x16x128xf32> to vector<16x128xf32>
    %slice3A_115 = vector.extract_strided_slice %dot_general3A_6 {offsets = [55, 0, 0], sizes = [1, 16, 128], strides = [1, 1, 1]} : vector<80x16x128xf32> to vector<1x16x128xf32>
    %squeeze3A_116 = vector.shape_cast %slice3A_115 : vector<1x16x128xf32> to vector<16x128xf32>
    %slice3A_117 = vector.extract_strided_slice %dot_general3A_6 {offsets = [56, 0, 0], sizes = [1, 16, 128], strides = [1, 1, 1]} : vector<80x16x128xf32> to vector<1x16x128xf32>
    %squeeze3A_118 = vector.shape_cast %slice3A_117 : vector<1x16x128xf32> to vector<16x128xf32>
    %slice3A_119 = vector.extract_strided_slice %dot_general3A_6 {offsets = [57, 0, 0], sizes = [1, 16, 128], strides = [1, 1, 1]} : vector<80x16x128xf32> to vector<1x16x128xf32>
    %squeeze3A_120 = vector.shape_cast %slice3A_119 : vector<1x16x128xf32> to vector<16x128xf32>
    %slice3A_121 = vector.extract_strided_slice %dot_general3A_6 {offsets = [58, 0, 0], sizes = [1, 16, 128], strides = [1, 1, 1]} : vector<80x16x128xf32> to vector<1x16x128xf32>
    %squeeze3A_122 = vector.shape_cast %slice3A_121 : vector<1x16x128xf32> to vector<16x128xf32>
    %slice3A_123 = vector.extract_strided_slice %dot_general3A_6 {offsets = [59, 0, 0], sizes = [1, 16, 128], strides = [1, 1, 1]} : vector<80x16x128xf32> to vector<1x16x128xf32>
    %squeeze3A_124 = vector.shape_cast %slice3A_123 : vector<1x16x128xf32> to vector<16x128xf32>
    %slice3A_125 = vector.extract_strided_slice %dot_general3A_6 {offsets = [60, 0, 0], sizes = [1, 16, 128], strides = [1, 1, 1]} : vector<80x16x128xf32> to vector<1x16x128xf32>
    %squeeze3A_126 = vector.shape_cast %slice3A_125 : vector<1x16x128xf32> to vector<16x128xf32>
    %slice3A_127 = vector.extract_strided_slice %dot_general3A_6 {offsets = [61, 0, 0], sizes = [1, 16, 128], strides = [1, 1, 1]} : vector<80x16x128xf32> to vector<1x16x128xf32>
    %squeeze3A_128 = vector.shape_cast %slice3A_127 : vector<1x16x128xf32> to vector<16x128xf32>
    %slice3A_129 = vector.extract_strided_slice %dot_general3A_6 {offsets = [62, 0, 0], sizes = [1, 16, 128], strides = [1, 1, 1]} : vector<80x16x128xf32> to vector<1x16x128xf32>
    %squeeze3A_130 = vector.shape_cast %slice3A_129 : vector<1x16x128xf32> to vector<16x128xf32>
    %slice3A_131 = vector.extract_strided_slice %dot_general3A_6 {offsets = [63, 0, 0], sizes = [1, 16, 128], strides = [1, 1, 1]} : vector<80x16x128xf32> to vector<1x16x128xf32>
    %squeeze3A_132 = vector.shape_cast %slice3A_131 : vector<1x16x128xf32> to vector<16x128xf32>
    %slice3A_133 = vector.extract_strided_slice %dot_general3A_6 {offsets = [64, 0, 0], sizes = [1, 16, 128], strides = [1, 1, 1]} : vector<80x16x128xf32> to vector<1x16x128xf32>
    %squeeze3A_134 = vector.shape_cast %slice3A_133 : vector<1x16x128xf32> to vector<16x128xf32>
    %slice3A_135 = vector.extract_strided_slice %dot_general3A_6 {offsets = [65, 0, 0], sizes = [1, 16, 128], strides = [1, 1, 1]} : vector<80x16x128xf32> to vector<1x16x128xf32>
    %squeeze3A_136 = vector.shape_cast %slice3A_135 : vector<1x16x128xf32> to vector<16x128xf32>
    %slice3A_137 = vector.extract_strided_slice %dot_general3A_6 {offsets = [66, 0, 0], sizes = [1, 16, 128], strides = [1, 1, 1]} : vector<80x16x128xf32> to vector<1x16x128xf32>
    %squeeze3A_138 = vector.shape_cast %slice3A_137 : vector<1x16x128xf32> to vector<16x128xf32>
    %slice3A_139 = vector.extract_strided_slice %dot_general3A_6 {offsets = [67, 0, 0], sizes = [1, 16, 128], strides = [1, 1, 1]} : vector<80x16x128xf32> to vector<1x16x128xf32>
    %squeeze3A_140 = vector.shape_cast %slice3A_139 : vector<1x16x128xf32> to vector<16x128xf32>
    %slice3A_141 = vector.extract_strided_slice %dot_general3A_6 {offsets = [68, 0, 0], sizes = [1, 16, 128], strides = [1, 1, 1]} : vector<80x16x128xf32> to vector<1x16x128xf32>
    %squeeze3A_142 = vector.shape_cast %slice3A_141 : vector<1x16x128xf32> to vector<16x128xf32>
    %slice3A_143 = vector.extract_strided_slice %dot_general3A_6 {offsets = [69, 0, 0], sizes = [1, 16, 128], strides = [1, 1, 1]} : vector<80x16x128xf32> to vector<1x16x128xf32>
    %squeeze3A_144 = vector.shape_cast %slice3A_143 : vector<1x16x128xf32> to vector<16x128xf32>
    %slice3A_145 = vector.extract_strided_slice %dot_general3A_6 {offsets = [70, 0, 0], sizes = [1, 16, 128], strides = [1, 1, 1]} : vector<80x16x128xf32> to vector<1x16x128xf32>
    %squeeze3A_146 = vector.shape_cast %slice3A_145 : vector<1x16x128xf32> to vector<16x128xf32>
    %slice3A_147 = vector.extract_strided_slice %dot_general3A_6 {offsets = [71, 0, 0], sizes = [1, 16, 128], strides = [1, 1, 1]} : vector<80x16x128xf32> to vector<1x16x128xf32>
    %squeeze3A_148 = vector.shape_cast %slice3A_147 : vector<1x16x128xf32> to vector<16x128xf32>
    %slice3A_149 = vector.extract_strided_slice %dot_general3A_6 {offsets = [72, 0, 0], sizes = [1, 16, 128], strides = [1, 1, 1]} : vector<80x16x128xf32> to vector<1x16x128xf32>
    %squeeze3A_150 = vector.shape_cast %slice3A_149 : vector<1x16x128xf32> to vector<16x128xf32>
    %slice3A_151 = vector.extract_strided_slice %dot_general3A_6 {offsets = [73, 0, 0], sizes = [1, 16, 128], strides = [1, 1, 1]} : vector<80x16x128xf32> to vector<1x16x128xf32>
    %squeeze3A_152 = vector.shape_cast %slice3A_151 : vector<1x16x128xf32> to vector<16x128xf32>
    %slice3A_153 = vector.extract_strided_slice %dot_general3A_6 {offsets = [74, 0, 0], sizes = [1, 16, 128], strides = [1, 1, 1]} : vector<80x16x128xf32> to vector<1x16x128xf32>
    %squeeze3A_154 = vector.shape_cast %slice3A_153 : vector<1x16x128xf32> to vector<16x128xf32>
    %slice3A_155 = vector.extract_strided_slice %dot_general3A_6 {offsets = [75, 0, 0], sizes = [1, 16, 128], strides = [1, 1, 1]} : vector<80x16x128xf32> to vector<1x16x128xf32>
    %squeeze3A_156 = vector.shape_cast %slice3A_155 : vector<1x16x128xf32> to vector<16x128xf32>
    %slice3A_157 = vector.extract_strided_slice %dot_general3A_6 {offsets = [76, 0, 0], sizes = [1, 16, 128], strides = [1, 1, 1]} : vector<80x16x128xf32> to vector<1x16x128xf32>
    %squeeze3A_158 = vector.shape_cast %slice3A_157 : vector<1x16x128xf32> to vector<16x128xf32>
    %slice3A_159 = vector.extract_strided_slice %dot_general3A_6 {offsets = [77, 0, 0], sizes = [1, 16, 128], strides = [1, 1, 1]} : vector<80x16x128xf32> to vector<1x16x128xf32>
    %squeeze3A_160 = vector.shape_cast %slice3A_159 : vector<1x16x128xf32> to vector<16x128xf32>
    %slice3A_161 = vector.extract_strided_slice %dot_general3A_6 {offsets = [78, 0, 0], sizes = [1, 16, 128], strides = [1, 1, 1]} : vector<80x16x128xf32> to vector<1x16x128xf32>
    %squeeze3A_162 = vector.shape_cast %slice3A_161 : vector<1x16x128xf32> to vector<16x128xf32>
    %slice3A_163 = vector.extract_strided_slice %dot_general3A_6 {offsets = [79, 0, 0], sizes = [1, 16, 128], strides = [1, 1, 1]} : vector<80x16x128xf32> to vector<1x16x128xf32>
    %squeeze3A_164 = vector.shape_cast %slice3A_163 : vector<1x16x128xf32> to vector<16x128xf32>
    %concatenate3A = tpu.concatenate %squeeze3A, %squeeze3A_8, %squeeze3A_10, %squeeze3A_12, %squeeze3A_14, %squeeze3A_16, %squeeze3A_18, %squeeze3A_20, %squeeze3A_22, %squeeze3A_24, %squeeze3A_26, %squeeze3A_28, %squeeze3A_30, %squeeze3A_32, %squeeze3A_34, %squeeze3A_36, %squeeze3A_38, %squeeze3A_40, %squeeze3A_42, %squeeze3A_44, %squeeze3A_46, %squeeze3A_48, %squeeze3A_50, %squeeze3A_52, %squeeze3A_54, %squeeze3A_56, %squeeze3A_58, %squeeze3A_60, %squeeze3A_62, %squeeze3A_64, %squeeze3A_66, %squeeze3A_68, %squeeze3A_70, %squeeze3A_72, %squeeze3A_74, %squeeze3A_76, %squeeze3A_78, %squeeze3A_80, %squeeze3A_82, %squeeze3A_84, %squeeze3A_86, %squeeze3A_88, %squeeze3A_90, %squeeze3A_92, %squeeze3A_94, %squeeze3A_96, %squeeze3A_98, %squeeze3A_100, %squeeze3A_102, %squeeze3A_104, %squeeze3A_106, %squeeze3A_108, %squeeze3A_110, %squeeze3A_112, %squeeze3A_114, %squeeze3A_116, %squeeze3A_118, %squeeze3A_120, %squeeze3A_122, %squeeze3A_124, %squeeze3A_126, %squeeze3A_128, %squeeze3A_130, %squeeze3A_132, %squeeze3A_134, %squeeze3A_136, %squeeze3A_138, %squeeze3A_140, %squeeze3A_142, %squeeze3A_144, %squeeze3A_146, %squeeze3A_148, %squeeze3A_150, %squeeze3A_152, %squeeze3A_154, %squeeze3A_156, %squeeze3A_158, %squeeze3A_160, %squeeze3A_162, %squeeze3A_164 in 1 : vector<16x128xf32>, vector<16x128xf32>, vector<16x128xf32>, vector<16x128xf32>, vector<16x128xf32>, vector<16x128xf32>, vector<16x128xf32>, vector<16x128xf32>, vector<16x128xf32>, vector<16x128xf32>, vector<16x128xf32>, vector<16x128xf32>, vector<16x128xf32>, vector<16x128xf32>, vector<16x128xf32>, vector<16x128xf32>, vector<16x128xf32>, vector<16x128xf32>, vector<16x128xf32>, vector<16x128xf32>, vector<16x128xf32>, vector<16x128xf32>, vector<16x128xf32>, vector<16x128xf32>, vector<16x128xf32>, vector<16x128xf32>, vector<16x128xf32>, vector<16x128xf32>, vector<16x128xf32>, vector<16x128xf32>, vector<16x128xf32>, vector<16x128xf32>, vector<16x128xf32>, vector<16x128xf32>, vector<16x128xf32>, vector<16x128xf32>, vector<16x128xf32>, vector<16x128xf32>, vector<16x128xf32>, vector<16x128xf32>, vector<16x128xf32>, vector<16x128xf32>, vector<16x128xf32>, vector<16x128xf32>, vector<16x128xf32>, vector<16x128xf32>, vector<16x128xf32>, vector<16x128xf32>, vector<16x128xf32>, vector<16x128xf32>, vector<16x128xf32>, vector<16x128xf32>, vector<16x128xf32>, vector<16x128xf32>, vector<16x128xf32>, vector<16x128xf32>, vector<16x128xf32>, vector<16x128xf32>, vector<16x128xf32>, vector<16x128xf32>, vector<16x128xf32>, vector<16x128xf32>, vector<16x128xf32>, vector<16x128xf32>, vector<16x128xf32>, vector<16x128xf32>, vector<16x128xf32>, vector<16x128xf32>, vector<16x128xf32>, vector<16x128xf32>, vector<16x128xf32>, vector<16x128xf32>, vector<16x128xf32>, vector<16x128xf32>, vector<16x128xf32>, vector<16x128xf32>, vector<16x128xf32>, vector<16x128xf32>, vector<16x128xf32>, vector<16x128xf32> -> vector<16x10240xf32>
    %slice3A_165 = vector.extract_strided_slice %concatenate3A {offsets = [12, 0], sizes = [1, 10240], strides = [1, 1]} : vector<16x10240xf32> to vector<1x10240xf32>
    %add3A = arith.constant 9.99999974E-5 : f32
    %add3A_166 = vector.broadcast %add3A : f32 to vector<1x10240xf32>
    %add3A_167 = arith.addf %slice3A_165, %add3A_166 : vector<1x10240xf32>
    %div3A = arith.constant 1.000000e+00 : f32
    %div3A_168 = vector.broadcast %div3A : f32 to vector<1x10240xf32>
    %div3A_169 = arith.divf %div3A_168, %add3A_167 : vector<1x10240xf32>
    %slice3A_170 = vector.extract_strided_slice %concatenate3A {offsets = [9, 0], sizes = [3, 10240], strides = [1, 1]} : vector<16x10240xf32> to vector<3x10240xf32>
    %mul3A = vector.broadcast %div3A_169 : vector<1x10240xf32> to vector<3x10240xf32>
    %mul3A_171 = arith.mulf %slice3A_170, %mul3A : vector<3x10240xf32>
    %slice3A_172 = vector.extract_strided_slice %concatenate3A {offsets = [0, 0], sizes = [9, 10240], strides = [1, 1]} : vector<16x10240xf32> to vector<9x10240xf32>
    %mul3A_173 = vector.broadcast %div3A_169 : vector<1x10240xf32> to vector<9x10240xf32>
    %mul3A_174 = arith.mulf %slice3A_172, %mul3A_173 : vector<9x10240xf32>
    %slice3A_175 = vector.extract_strided_slice %mul3A_174 {offsets = [0, 0], sizes = [1, 10240], strides = [1, 1]} : vector<9x10240xf32> to vector<1x10240xf32>
    %slice3A_176 = vector.extract_strided_slice %mul3A_171 {offsets = [0, 0], sizes = [1, 10240], strides = [1, 1]} : vector<3x10240xf32> to vector<1x10240xf32>
    %slice3A_177 = vector.extract_strided_slice %mul3A_171 {offsets = [0, 0], sizes = [1, 10240], strides = [1, 1]} : vector<3x10240xf32> to vector<1x10240xf32>
    %mul3A_178 = arith.mulf %slice3A_176, %slice3A_177 : vector<1x10240xf32>
    %sub3A = arith.subf %slice3A_175, %mul3A_178 : vector<1x10240xf32>
    %slice3A_179 = vector.extract_strided_slice %mul3A_174 {offsets = [1, 0], sizes = [1, 10240], strides = [1, 1]} : vector<9x10240xf32> to vector<1x10240xf32>
    %slice3A_180 = vector.extract_strided_slice %mul3A_171 {offsets = [0, 0], sizes = [1, 10240], strides = [1, 1]} : vector<3x10240xf32> to vector<1x10240xf32>
    %slice3A_181 = vector.extract_strided_slice %mul3A_171 {offsets = [1, 0], sizes = [1, 10240], strides = [1, 1]} : vector<3x10240xf32> to vector<1x10240xf32>
    %mul3A_182 = arith.mulf %slice3A_180, %slice3A_181 : vector<1x10240xf32>
    %sub3A_183 = arith.subf %slice3A_179, %mul3A_182 : vector<1x10240xf32>
    %slice3A_184 = vector.extract_strided_slice %mul3A_174 {offsets = [2, 0], sizes = [1, 10240], strides = [1, 1]} : vector<9x10240xf32> to vector<1x10240xf32>
    %slice3A_185 = vector.extract_strided_slice %mul3A_171 {offsets = [0, 0], sizes = [1, 10240], strides = [1, 1]} : vector<3x10240xf32> to vector<1x10240xf32>
    %slice3A_186 = vector.extract_strided_slice %mul3A_171 {offsets = [2, 0], sizes = [1, 10240], strides = [1, 1]} : vector<3x10240xf32> to vector<1x10240xf32>
    %mul3A_187 = arith.mulf %slice3A_185, %slice3A_186 : vector<1x10240xf32>
    %sub3A_188 = arith.subf %slice3A_184, %mul3A_187 : vector<1x10240xf32>
    %slice3A_189 = vector.extract_strided_slice %mul3A_174 {offsets = [3, 0], sizes = [1, 10240], strides = [1, 1]} : vector<9x10240xf32> to vector<1x10240xf32>
    %slice3A_190 = vector.extract_strided_slice %mul3A_171 {offsets = [1, 0], sizes = [1, 10240], strides = [1, 1]} : vector<3x10240xf32> to vector<1x10240xf32>
    %slice3A_191 = vector.extract_strided_slice %mul3A_171 {offsets = [0, 0], sizes = [1, 10240], strides = [1, 1]} : vector<3x10240xf32> to vector<1x10240xf32>
    %mul3A_192 = arith.mulf %slice3A_190, %slice3A_191 : vector<1x10240xf32>
    %sub3A_193 = arith.subf %slice3A_189, %mul3A_192 : vector<1x10240xf32>
    %slice3A_194 = vector.extract_strided_slice %mul3A_174 {offsets = [4, 0], sizes = [1, 10240], strides = [1, 1]} : vector<9x10240xf32> to vector<1x10240xf32>
    %slice3A_195 = vector.extract_strided_slice %mul3A_171 {offsets = [1, 0], sizes = [1, 10240], strides = [1, 1]} : vector<3x10240xf32> to vector<1x10240xf32>
    %slice3A_196 = vector.extract_strided_slice %mul3A_171 {offsets = [1, 0], sizes = [1, 10240], strides = [1, 1]} : vector<3x10240xf32> to vector<1x10240xf32>
    %mul3A_197 = arith.mulf %slice3A_195, %slice3A_196 : vector<1x10240xf32>
    %sub3A_198 = arith.subf %slice3A_194, %mul3A_197 : vector<1x10240xf32>
    %slice3A_199 = vector.extract_strided_slice %mul3A_174 {offsets = [5, 0], sizes = [1, 10240], strides = [1, 1]} : vector<9x10240xf32> to vector<1x10240xf32>
    %slice3A_200 = vector.extract_strided_slice %mul3A_171 {offsets = [1, 0], sizes = [1, 10240], strides = [1, 1]} : vector<3x10240xf32> to vector<1x10240xf32>
    %slice3A_201 = vector.extract_strided_slice %mul3A_171 {offsets = [2, 0], sizes = [1, 10240], strides = [1, 1]} : vector<3x10240xf32> to vector<1x10240xf32>
    %mul3A_202 = arith.mulf %slice3A_200, %slice3A_201 : vector<1x10240xf32>
    %sub3A_203 = arith.subf %slice3A_199, %mul3A_202 : vector<1x10240xf32>
    %slice3A_204 = vector.extract_strided_slice %mul3A_174 {offsets = [6, 0], sizes = [1, 10240], strides = [1, 1]} : vector<9x10240xf32> to vector<1x10240xf32>
    %slice3A_205 = vector.extract_strided_slice %mul3A_171 {offsets = [2, 0], sizes = [1, 10240], strides = [1, 1]} : vector<3x10240xf32> to vector<1x10240xf32>
    %slice3A_206 = vector.extract_strided_slice %mul3A_171 {offsets = [0, 0], sizes = [1, 10240], strides = [1, 1]} : vector<3x10240xf32> to vector<1x10240xf32>
    %mul3A_207 = arith.mulf %slice3A_205, %slice3A_206 : vector<1x10240xf32>
    %sub3A_208 = arith.subf %slice3A_204, %mul3A_207 : vector<1x10240xf32>
    %slice3A_209 = vector.extract_strided_slice %mul3A_174 {offsets = [7, 0], sizes = [1, 10240], strides = [1, 1]} : vector<9x10240xf32> to vector<1x10240xf32>
    %slice3A_210 = vector.extract_strided_slice %mul3A_171 {offsets = [2, 0], sizes = [1, 10240], strides = [1, 1]} : vector<3x10240xf32> to vector<1x10240xf32>
    %slice3A_211 = vector.extract_strided_slice %mul3A_171 {offsets = [1, 0], sizes = [1, 10240], strides = [1, 1]} : vector<3x10240xf32> to vector<1x10240xf32>
    %mul3A_212 = arith.mulf %slice3A_210, %slice3A_211 : vector<1x10240xf32>
    %sub3A_213 = arith.subf %slice3A_209, %mul3A_212 : vector<1x10240xf32>
    %slice3A_214 = vector.extract_strided_slice %mul3A_174 {offsets = [8, 0], sizes = [1, 10240], strides = [1, 1]} : vector<9x10240xf32> to vector<1x10240xf32>
    %slice3A_215 = vector.extract_strided_slice %mul3A_171 {offsets = [2, 0], sizes = [1, 10240], strides = [1, 1]} : vector<3x10240xf32> to vector<1x10240xf32>
    %slice3A_216 = vector.extract_strided_slice %mul3A_171 {offsets = [2, 0], sizes = [1, 10240], strides = [1, 1]} : vector<3x10240xf32> to vector<1x10240xf32>
    %mul3A_217 = arith.mulf %slice3A_215, %slice3A_216 : vector<1x10240xf32>
    %sub3A_218 = arith.subf %slice3A_214, %mul3A_217 : vector<1x10240xf32>
    %broadcast_in_dim3A = arith.constant 1.000000e+00 : f32
    %broadcast_in_dim3A_219 = vector.broadcast %broadcast_in_dim3A : f32 to vector<1x10240xf32>
    %broadcast_in_dim3A_220 = arith.constant 0.000000e+00 : f32
    %broadcast_in_dim3A_221 = vector.broadcast %broadcast_in_dim3A_220 : f32 to vector<6x10240xf32>
    %concatenate3A_222 = tpu.concatenate %sub3A, %sub3A_183, %sub3A_188, %sub3A_193, %sub3A_198, %sub3A_203, %sub3A_208, %sub3A_213, %sub3A_218, %broadcast_in_dim3A_219, %broadcast_in_dim3A_221 in 0 : vector<1x10240xf32>, vector<1x10240xf32>, vector<1x10240xf32>, vector<1x10240xf32>, vector<1x10240xf32>, vector<1x10240xf32>, vector<1x10240xf32>, vector<1x10240xf32>, vector<1x10240xf32>, vector<1x10240xf32>, vector<6x10240xf32> -> vector<16x10240xf32>
    %get3A_223 = arith.constant 0 : index
    %get3A_224 = arith.constant 0 : index
    %get3A_225 = vector.load %arg3[%get3A_223, %get3A_224] : memref<72x16xf32, #tpu.memory_space<vmem>>, vector<72x16xf32>
    %dot_general3A_226 = arith.constant dense<0.000000e+00> : vector<72x10240xf32>
    %dot_general3A_227 = tpu.matmul %get3A_225, %concatenate3A_222, %dot_general3A_226 {dimension_numbers = #tpu.dot_dimension_numbers<[1], [0], [0], [1], [0, 0, 1, 1], [], []>, transpose_lhs_hint = false} : vector<72x16xf32>, vector<16x10240xf32>, vector<72x10240xf32> -> vector<72x10240xf32>
    %gt3A = arith.constant 0.000000e+00 : f32
    %gt3A_228 = vector.broadcast %gt3A : f32 to vector<72x10240xf32>
    %gt3A_229 = arith.cmpf ogt, %dot_general3A_227, %gt3A_228 : vector<72x10240xf32>
    %exp3A = math.exp %dot_general3A_227 : vector<72x10240xf32>
    %sub3A_230 = arith.constant 1.000000e+00 : f32
    %sub3A_231 = vector.broadcast %sub3A_230 : f32 to vector<72x10240xf32>
    %sub3A_232 = arith.subf %exp3A, %sub3A_231 : vector<72x10240xf32>
    %select_n3A = arith.select %gt3A_229, %dot_general3A_227, %sub3A_232 : vector<72x10240xi1>, vector<72x10240xf32>
    %get3A_233 = arith.constant 0 : index
    %get3A_234 = arith.constant 0 : index
    %get3A_235 = vector.load %arg4[%get3A_233, %get3A_234] : memref<72x72xf32, #tpu.memory_space<vmem>>, vector<72x72xf32>
    %dot_general3A_236 = arith.constant dense<0.000000e+00> : vector<72x10240xf32>
    %dot_general3A_237 = tpu.matmul %get3A_235, %select_n3A, %dot_general3A_236 {dimension_numbers = #tpu.dot_dimension_numbers<[1], [0], [0], [1], [0, 0, 1, 1], [], []>, transpose_lhs_hint = false} : vector<72x72xf32>, vector<72x10240xf32>, vector<72x10240xf32> -> vector<72x10240xf32>
    %gt3A_238 = arith.constant 0.000000e+00 : f32
    %gt3A_239 = vector.broadcast %gt3A_238 : f32 to vector<72x10240xf32>
    %gt3A_240 = arith.cmpf ogt, %dot_general3A_237, %gt3A_239 : vector<72x10240xf32>
    %exp3A_241 = math.exp %dot_general3A_237 : vector<72x10240xf32>
    %sub3A_242 = arith.constant 1.000000e+00 : f32
    %sub3A_243 = vector.broadcast %sub3A_242 : f32 to vector<72x10240xf32>
    %sub3A_244 = arith.subf %exp3A_241, %sub3A_243 : vector<72x10240xf32>
    %select_n3A_245 = arith.select %gt3A_240, %dot_general3A_237, %sub3A_244 : vector<72x10240xi1>, vector<72x10240xf32>
    %get3A_246 = arith.constant 0 : index
    %get3A_247 = arith.constant 0 : index
    %get3A_248 = vector.load %arg5[%get3A_246, %get3A_247] : memref<9x72xf32, #tpu.memory_space<vmem>>, vector<9x72xf32>
    %dot_general3A_249 = arith.constant dense<0.000000e+00> : vector<9x10240xf32>
    %dot_general3A_250 = tpu.matmul %get3A_248, %select_n3A_245, %dot_general3A_249 {dimension_numbers = #tpu.dot_dimension_numbers<[1], [0], [0], [1], [0, 0, 1, 1], [], []>, transpose_lhs_hint = false} : vector<9x72xf32>, vector<72x10240xf32>, vector<9x10240xf32> -> vector<9x10240xf32>
    %reshape3A_251 = vector.shape_cast %dot_general3A_250 : vector<9x10240xf32> to vector<9x80x128xf32>
    %transpose3A = tpu.transpose %reshape3A_251, [1, 2, 0] : vector<9x80x128xf32> -> vector<80x128x9xf32>
    %reshape3A_252 = vector.shape_cast %transpose3A : vector<80x128x9xf32> to vector<80x1152xf32>
    %swap3A = arith.constant 0 : index
    %swap3A_253 = arith.constant 0 : index
    %swap3A_254 = vector.load %arg6[%swap3A, %swap3A_253] : memref<80x1152xf32, #tpu.memory_space<vmem>>, vector<80x1152xf32>
    tpu.vector_store %arg6[%swap3A, %swap3A_253], %reshape3A_252 {strides = array<i32>} : memref<80x1152xf32, #tpu.memory_space<vmem>>, vector<80x1152xf32>,
    return
  }
  func.func @transform_0(%arg0: i32) -> (i32, i32, i32) {
    %c0_i32 = arith.constant 0 : i32
    %c0_i32_0 = arith.constant 0 : i32
    %c0_i32_1 = arith.constant 0 : i32
    return %arg0, %c0_i32, %c0_i32_0 : i32, i32, i32
  }
  func.func @transform_1(%arg0: i32) -> (i32, i32) {
    %c0_i32 = arith.constant 0 : i32
    %c0_i32_0 = arith.constant 0 : i32
    return %arg0, %c0_i32 : i32, i32
  }
  func.func @transform_2(%arg0: i32) -> (i32, i32) {
    %c0_i32 = arith.constant 0 : i32
    %c0_i32_0 = arith.constant 0 : i32
    %c0_i32_1 = arith.constant 0 : i32
    return %c0_i32, %c0_i32_0 : i32, i32
  }
  func.func @transform_3(%arg0: i32) -> (i32, i32) {
    %c0_i32 = arith.constant 0 : i32
    %c0_i32_0 = arith.constant 0 : i32
    %c0_i32_1 = arith.constant 0 : i32
    return %c0_i32, %c0_i32_0 : i32, i32
  }
  func.func @transform_4(%arg0: i32) -> (i32, i32) {
    %c0_i32 = arith.constant 0 : i32
    %c0_i32_0 = arith.constant 0 : i32
    %c0_i32_1 = arith.constant 0 : i32
    return %c0_i32, %c0_i32_0 : i32, i32
  }
  func.func @transform_5(%arg0: i32) -> (i32, i32) {
    %c0_i32 = arith.constant 0 : i32
    %c0_i32_0 = arith.constant 0 : i32
    return %arg0, %c0_i32 : i32, i32
  }
}

</mosaic_0001>

<sc_bundles>
// kernel: kernel.4.cloned.1.call-start
scs
__scs_entry_jumppad:
0x0: {  	(pc) =	sbr.rel $0x88, $3  }
0x1: {  	(tag) =	ssettag $0x0;
	lr =	simm.s32 $0x1  }
0x2: {  	[smem:$0x3F97] =	sst lr;
	_ =	strace $0xD0000000  }
0x3: {  	_ = 	snop  }
0x4: {  	_ = 	snop  }
0x5: {  	_ = 	snop  }
0x6: {  	_ = 	snop  }
0x7: {  	_ = 	snop  }
__scs_overlays_trampoline_lowered:
0x8: {  	[smem:$0x3FA6] =	sst s0  }
0x9: {  	[smem:$0x3FA7] =	sst s1  }
0xa: {  	[smem:$0x3FA8] =	sst s2  }
0xb: {  	[smem:$0x3FA9] =	sst s3  }
0xc: {  	[smem:$0x3FAA] =	sst s4  }
0xd: {  	[smem:$0x3FAB] =	sst s5  }
0xe: {  	[smem:$0x3FAC] =	sst s6  }
0xf: {  	[smem:$0x3FAD] =	sst s7  }
0x10: {  	[smem:$0x3FAE] =	sst s8  }
0x11: {  	[smem:$0x3FAF] =	sst s9;
	s0 =	simm.s32 @!p0 $0x0  }
0x12: {  	s1 =	sld [smem:$0x3F95];
	s0 =	simm.s32 @p0 $0x1  }
0x13: {  	[smem:$0x3FB0] =	sst s0;
	s0 =	simm.s32 @!p1 $0x0  }
0x14: {  	s2 =	sld [smem:$0x3F94];
	s0 =	simm.s32 @p1 $0x1  }
0x15: {  	[smem:$0x3FB1] =	sst s0;
	s0 =	simm.s32 @!p2 $0x0  }
0x16: {  	s3 =	sld [smem:$0x3FDB];
	s0 =	simm.s32 @p2 $0x1  }
0x17: {  	s4 =	simm.s32 $0x1BF5;
	[smem:$0x3FB3] =	sst s0  }
0x18: {  	s0 =	sld [smem:$0x3F96];
	_ =	swait.ge [sflag:s4], $0x0  }
0x19: {  	s7 =	sld [smem:$0x3F97]  }
0x1a: {  	s8 =	sadd.s32 $0xFFFFE003, lr  }
0x1b: {  	s9 =	sadd.s32 $0xFFFFFEF7, lr;
	s5 =	simm.s32 $0xFFFFFFFF;
	p2 =	slt.u32 s8, $0xFFFFF086  }
0x1c: {  	p1 =	slt.u32 s9, $0xF7A;
	s5 =	simm.s32 @!p2 $0x0  }
0x1d: {  	s5 =	simm.s32 @p1 $0x1;
	p0 =	seq.s32 s7, s2  }
0x1e: {  	s7 =	smul.u32 @!p0 $0xF7A, s2;
	p2 =	seq.s32 @!p0 s5, $0x0  }
0x1f: {  	s9 =	smul.u32 $0xF7A, s1;
	s8 =	simm.s32 @!p0 $0x1BF5;
	p2 =	por !p2, p0  }
0x20: {  	[sflag:s8] =	ssyncset.s32 @!p0 $0xFFFFF086;
	s6 =	sadd.s32 @!p0 s3, s7;
	s7 =	simm.s32 @!p0 $0x108  }
0x21: {  	s3 =	sadd.s32 s3, s9;
	s6 =	sadd.s32 @!p0 $0x88, s6;
	s7 =	simm.s32 @p2 $0x1082  }
0x22: {  	[simem:s7], [sflag:s8] =	dma.local @!p0 [hbm:s6], $0xF7A  }
0x23: {  	s9 =	sor.u32 $0xD0000000, s2;
	s6 =	simm.s32 $0x108;
	_ =	swait.ge @!p0 [sflag:s8], $0x0  }
0x24: {  	s3 =	sadd.s32 $0x88, s3;
	s6 =	simm.s32 @!p1 $0x1082;
	[sflag:s4] =	ssyncset.s32 $0xFFFFF086  }
0x25: {  	[simem:s6], [sflag:s4] =	dma.local [hbm:s3], $0xF7A  }
0x26: {  	[smem:$0x3F97] =	sst s1;
	(tag) =	ssettag s2;
	_ =	strace s9  }
0x27: {  	s1 =	sld [smem:$0x3FA7]  }
0x28: {  	s2 =	sld [smem:$0x3FA8]  }
0x29: {  	s4 =	sld [smem:$0x3FAA]  }
0x2a: {  	p0 =	seq.s32 s5, $0x0;
	s5 =	sld [smem:$0x3FAB]  }
0x2b: {  	s6 =	sld [smem:$0x3FAC]  }
0x2c: {  	s7 =	sld [smem:$0x3FAD]  }
0x2d: {  	s3 =	simm.s32 $0x108;
	s8 =	sld [smem:$0x3FAE]  }
0x2e: {  	s3 =	simm.s32 @!p0 $0x1082;
	s9 =	sld [smem:$0x3FAF]  }
0x2f: {  	lr =	sadd.s32 s0, s3;
	s0 =	sld [smem:$0x3FA6]  }
0x30: {  	s3 =	sld [smem:$0x3FA9]  }
0x31: {  	[smem:$0x3FB2] =	sst s10  }
0x32: {  	s10 =	sld [smem:$0x3FB0];
	_ =	sdelay $0x3  }
0x33: {  	p0 =	seq.s32 s10, $0x1;
	s10 =	sld [smem:$0x3FB2];
	_ =	sdelay $0x3  }
0x34: {  	[smem:$0x3FB2] =	sst s10  }
0x35: {  	s10 =	sld [smem:$0x3FB1];
	_ =	sdelay $0x3  }
0x36: {  	p1 =	seq.s32 s10, $0x1;
	s10 =	sld [smem:$0x3FB2];
	_ =	sdelay $0x3  }
0x37: {  	[smem:$0x3FB2] =	sst s10  }
0x38: {  	s10 =	sld [smem:$0x3FB3]  }
0x39: {  	_ = 	snop;
	(pc) =	sbr.ind lr, $3  }
0x3a: {  	_ = 	snop  }
0x3b: {  	_ = 	snop  }
0x3c: {  	p2 =	seq.s32 s10, $0x1;
	s10 =	sld [smem:$0x3FB2]  }
0x3d: {  	_ =	shalt  }
0x3e: {  	_ =	shalt  }
0x3f: {  	_ =	shalt  }
0x40: {  	_ =	shalt  }
0x41: {  	_ =	shalt  }
0x42: {  	_ =	shalt  }
0x43: {  	_ =	shalt  }
0x44: {  	_ =	shalt  }
0x45: {  	_ =	shalt  }
0x46: {  	_ =	shalt  }
0x47: {  	_ =	shalt  }
0x48: {  	_ =	shalt  }
0x49: {  	_ =	shalt  }
0x4a: {  	_ =	shalt  }
0x4b: {  	_ =	shalt  }
0x4c: {  	_ =	shalt  }
0x4d: {  	_ =	shalt  }
0x4e: {  	_ =	shalt  }
0x4f: {  	_ =	shalt  }
0x50: {  	_ =	shalt  }
0x51: {  	_ =	shalt  }
0x52: {  	_ =	shalt  }
0x53: {  	_ =	shalt  }
0x54: {  	_ =	shalt  }
0x55: {  	_ =	shalt  }
0x56: {  	_ =	shalt  }
0x57: {  	_ =	shalt  }
0x58: {  	_ =	shalt  }
0x59: {  	_ =	shalt  }
0x5a: {  	_ =	shalt  }
0x5b: {  	_ =	shalt  }
0x5c: {  	_ =	shalt  }
0x5d: {  	_ =	shalt  }
0x5e: {  	_ =	shalt  }
0x5f: {  	_ =	shalt  }
0x60: {  	_ =	shalt  }
0x61: {  	_ =	shalt  }
0x62: {  	_ =	shalt  }
0x63: {  	_ =	shalt  }
0x64: {  	_ =	shalt  }
0x65: {  	_ =	shalt  }
0x66: {  	_ =	shalt  }
0x67: {  	_ =	shalt  }
0x68: {  	_ =	shalt  }
0x69: {  	_ =	shalt  }
0x6a: {  	_ =	shalt  }
0x6b: {  	_ =	shalt  }
0x6c: {  	_ =	shalt  }
0x6d: {  	_ =	shalt  }
0x6e: {  	_ =	shalt  }
0x6f: {  	_ =	shalt  }
0x70: {  	_ =	shalt  }
0x71: {  	_ =	shalt  }
0x72: {  	_ =	shalt  }
0x73: {  	_ =	shalt  }
0x74: {  	_ =	shalt  }
0x75: {  	_ =	shalt  }
0x76: {  	_ =	shalt  }
0x77: {  	_ =	shalt  }
0x78: {  	_ =	shalt  }
0x79: {  	_ =	shalt  }
0x7a: {  	_ =	shalt  }
0x7b: {  	_ =	shalt  }
0x7c: {  	_ =	shalt  }
0x7d: {  	_ =	shalt  }
0x7e: {  	_ =	shalt  }
0x7f: {  	_ =	shalt  }
0x80: {  	_ =	shalt  }
0x81: {  	_ =	shalt  }
0x82: {  	_ =	shalt  }
0x83: {  	_ =	shalt  }
0x84: {  	_ =	shalt  }
0x85: {  	_ =	shalt  }
0x86: {  	_ =	shalt  }
0x87: {  	_ =	shalt  }
.Lfunc_end0:
.L_simem_size_0:
called_computation_lowered:
.L_overlay_start_0:
0x88: {  	s2 =	sld [smem:$0x3FD9]  }
0x89: {  	s3 =	sld [smem:$0x3FFE];
	_ =	sdelay $0x1  }
0x8a: {  	s1 =	srdreg.scid  }
0x8b: {  	s0 =	sand.u32 $0x1, s1  }
0x8c: {  	s17 =	sshll.u32 s0, $0xA;
	s2 =	sadd.s32 s3, s2  }
0x8d: {  	s2 =	sadd.s32 s2, s17  }
0x8e: {  	[smem:$0x3FBE] =	sst s2  }
0x8f: {  	_ = 	snop  }
0x90: {  	s2 =	sld [smem:$0x3FC7]  }
0x91: {  	s18 =	sld [smem:$0x3FD0];
	(tm) =	ssettm $0x1  }
0x92: {  	s4 =	sld [smem:$0x3FFB];
	_ =	sdelay $0x3  }
0x93: {  	_ =	strace s4  }
0x94: {  	s4 =	sld [smem:$0x3FFC];
	_ =	sdelay $0x3  }
0x95: {  	_ =	strace s4  }
0x96: {  	s4 =	sld [smem:$0x3FFD];
	_ =	sdelay $0x3  }
0x97: {  	_ =	strace s4  }
0x98: {  	_ =	strace $0x8FFFFFFF  }
0x99: {  	s19 =	sld [smem:$0x3FDB];
	_ =	sdelay $0x1  }
0x9a: {  	s5 =	simm.s32 $_scs_section_size  }
0x9b: {  	s6 =	simm.s32 $_size__tile_overlayer_lowered;
	s7 =	simm.s32 $_tile_overlayer_lowered  }
0x9c: {  	s22 =	simm.s32 $0x1BFF;
	s21 =	sshll.u32 s7, $0x1;
	s4 =	sadd.s32 s5, s19  }
0x9d: {  	s8 =	simm.s32 $0x0;
	s20 =	sshll.u32 s6, $0x1;
	s6 =	sadd.s32 s21, s4  }
0x9e: {  	[timem:s8], [sflag:s22] =	dma.local [hbm:s6], s20  }
0x9f: {  	_ =	swait.ge [sflag:s22], s20  }
0xa0: {  	s5 =	ssub.s32 $0x0, s20;
	[sflag:s22] =	ssyncset.done $0x0  }
0xa1: {  	[sflag:s22] =	ssyncadd.s32 s5;
	_ =	sdelay $0x1  }
0xa2: {  	s23 =	simm.s32 $0x1B8B  }
0xa3: {  	_ =	swait.ge [sflag:s23], $0x1  }
0xa4: {  	[sflag:s23] =	ssyncset.done $0x0  }
0xa5: {  	s25 =	simm.s32 $0x1B8E;
	s24 =	sld [smem:$0x3FFE];
	[sflag:s23] =	ssyncadd.s32 $0xFFFFFFFF  }
0xa6: {  	s26 =	simm.s32 $execute0_lowered;
	[smem:$0x3FD2] =	sst s25  }
0xa7: {  	s6 =	sshll.u32 s26, $0x1;
	_ =	strace $0x80000046;
	[dreg:$0x1] =	wrdreg $0xFFFFFFFF  }
0xa8: {  	s28 =	simm.s32 $_size_execute0_lowered;
	s4 =	sadd.s32 s4, s6;
	[dreg:$0x0] =	wrdreg $0x0  }
0xa9: {  	s6 =	sshll.u32 s28, $0x1;
	[dreg:$0x2] =	wrdreg s4  }
0xaa: {  	[dreg:$0x3] =	wrdreg s6  }
0xab: {  	[dreg:$0x4] =	wrdreg $0xC0  }
0xac: {  	_ =	task [dreg:s8], $0x5FFFF  }
0xad: {  	[dreg:$0x1] =	wrdreg $0xFFFFFFFF  }
0xae: {  	[dreg:$0x0] =	wrdreg $0x60  }
0xaf: {  	[dreg:$0x2] =	wrdreg s18  }
0xb0: {  	[dreg:$0x3] =	wrdreg s24  }
0xb1: {  	[dreg:$0x4] =	wrdreg s2  }
0xb2: {  	[dreg:$0x5] =	wrdreg $0x9  }
0xb3: {  	_ =	task.clear_ibuf [dreg:s8], $0x6FFFF;
	_ =	strace $0x90000046  }
0xb4: {  	s29 =	simm.s32 $0x9;
	_ =	strace $0x80000048  }
0xb5: {  	_ =	swait.ge [sflag:s29], $0x1  }
0xb6: {  	[sflag:s29] =	ssyncadd.s32 $0xFFFFFFFF  }
0xb7: {  	_ =	strace $0x90000048  }
0xb8: {  	_ =	sfence  }
0xb9: {  	s30 =	sld [smem:$0x0];
	_ =	sdelay $0x2  }
0xba: {  	s31 =	sshll.u32 s1, $0xD;
	s1 =	sshrl.u32 s1, $0x2  }
0xbb: {  	s3 =	sand.u32 $0x4000, s31;
	s1 =	sadd.s32 s1, s30  }
0xbc: {  	s0 =	sor.u32 s3, s0;
	s1 =	sshll.u32 s1, $0x11  }
0xbd: {  	s0 =	sor.u32 s1, s0  }
0xbe: {  	s0 =	sadd.s32 $0x8F2B, s0  }
0xbf: {  	[sflag:s0] =	ssyncadd.remote.s32 $0x1  }
0xc0: {  	_ =	sfence.sel $0xFFFF  }
0xc1: {  	[dreg:$0x0] =	wrdreg $0xFFFFFFFF;
	(pc) =	sbr.abs _section_cstart, $3  }
0xc2: {  	[dreg:$0x1] =	wrdreg $0xFFFFFFFF  }
0xc3: {  	_ =	task.clear_ibuf [dreg:s8], $0x2FFFF;
	_ =	strace $0x9FFFFFFF  }
0xc4: {  	(tm) =	ssettm $0x7FFFFFFF  }
0xc5: {  	_ =	shalt  }
tec
execute0_lowered:
.L_overlay_start_1:
0x0: {  	(tag) =	ssettag $0x1  }
0x1: {  	s7 =	rddreg [dreg:$0x0]  }
0x2: {  	s6 =	rddreg [dreg:$0x1]  }
0x3: {  	s2 =	rddreg [dreg:$0x2];
	s3 =	simm.s32 $0x0;
	s1 =	stileid.u32  }
0x4: {  	s4 =	srdreg.scid;
	s14 =	simm.s32 $0x5000;
	s15 =	simm.s32 $0x80  }
0x5: {  	s17 =	simm.s32 $0x11580;
	s16 =	simm.s32 $0x1;
	s31 =	simm.s32 $0x19580  }
0x6: {  	s18 =	simm.s32 $0x1B580;
	s19 =	simm.s32 $0x5;
	s20 =	simm.s32 $0x4  }
0x7: {  	s21 =	simm.s32 $0x6;
	s22 =	simm.s32 $0x0;
	s8 =	smul.u32 $0xA00, s1  }
0x8: {  	[smem:$0x7FF] =	sst s3;
	s12 =	sand.u32 $0x1, s4;
	s13 =	smul.u32 $0xA0, s1  }
0x9: {  	s4 =	sadd.s32 $0xA00, s6;
	s5 =	sadd.s32 $0xBA00, s6;
	s29 =	smul.u32 $0x28000, s1  }
0xa: {  	s30 =	smul.u32 $0x50000, s1;
	_ =	strace $0x80000047;
	[dreg:$0x4] =	wrdreg s15  }
0xb: {  	s10 =	ssub.s32 $0x2, s12;
	p0 =	sne.s32 s12, $0x0;
	[dreg:$0x5] =	wrdreg s17  }
0xc: {  	s12 =	simm.s32 $0xA000;
	s15 =	simm.s32 $0x15580;
	[dreg:$0x6] =	wrdreg s31  }
.Ltmp0:
0xd: {  	s17 =	simm.s32 $0x2;
	[dreg:$0x8] =	wrdreg s18;
	(pc) =	sbr.rel .LBB2_1-.Ltmp0, $4  }
0xe: {  	s18 =	simm.s32 $0x3;
	s9 =	sadd.s32 s8, s6;
	s11 =	sshrl.u32 s10, $0x1  }
0xf: {  	s6 =	sadd.s32 $0x50BA00, s6;
	[dreg:$0x7] =	wrdreg s13;
	s7 =	sadd.s32 s7, s8  }
0x10: {  	s13 =	simm.s32 $0x7;
	s10 =	ssub.s32 s10, s11;
	s8 =	sadd.s32 $0x1A00, s9  }
0x11: {  	v0 =	vimm.f32 $0.0e+00;
	s11 =	sadd.s32 s30, s5;
	s9 =	smax.u32 s10, $0x1;
	s10 =	sadd.s32 s29, s6  }
.LBB2_5:
0x12: {  	s22 =	sadd.s32 $0x1, s22  }
0x13: {  	p1 =	sne.s32 s22, s9  }
.Ltmp1:
0x14: {  	_ = 	snop;
	(pc) =	sbr.rel @!p1 .LBB2_6-.Ltmp1, $1  }
0x15: {  	_ =	sdelay $0x3  }
.LBB2_1:
0x16: {  	[tilespmem:s12], [sflag:$0x7] =	stream.linear.gather [hbm4b:s4+s3], $0x7580, $0x38;
	[tilespmem:$0x1D580] =	vst v63  }
0x17: {  	_ =	swait.ge [sflag:s13], $0x7580  }
0x18: {  	[sflag:s13] =	ssyncset.done $0x0  }
0x19: {  	[sflag:s13] =	ssyncadd.s32 $0xFFFF8A80  }
0x1a: {  	[tilespmem:$0x19C00] =	vst v0  }
0x1b: {  	[tilespmem:$0x19C10] =	vst v0  }
0x1c: {  	[tilespmem:$0x19C80] =	vst v0  }
0x1d: {  	[tilespmem:$0x19C90] =	vst v0  }
0x1e: {  	[tilespmem:$0x19D00] =	vst v0  }
0x1f: {  	[tilespmem:$0x19D10] =	vst v0  }
0x20: {  	[tilespmem:$0x1A400] =	vst v0  }
0x21: {  	[tilespmem:$0x1A410] =	vst v0  }
0x22: {  	[tilespmem:$0x1A480] =	vst v0  }
0x23: {  	[tilespmem:$0x1A490] =	vst v0  }
0x24: {  	[tilespmem:$0x1A500] =	vst v0  }
0x25: {  	[tilespmem:$0x1A510] =	vst v0  }
0x26: {  	[tilespmem:$0x1AC00] =	vst v0  }
0x27: {  	[tilespmem:$0x1AC10] =	vst v0  }
0x28: {  	[tilespmem:$0x1AC80] =	vst v0  }
0x29: {  	[tilespmem:$0x1AC90] =	vst v0  }
0x2a: {  	[tilespmem:$0x1AD00] =	vst v0  }
0x2b: {  	[tilespmem:$0x1AD10] =	vst v0  }
0x2c: {  	[tilespmem:$0x1B400] =	vst v0  }
0x2d: {  	[tilespmem:$0x1B410] =	vst v0  }
0x2e: {  	[tilespmem:$0x1B480] =	vst v0  }
0x2f: {  	[tilespmem:$0x1B490] =	vst v0  }
0x30: {  	[tilespmem:$0x1B500] =	vst v0  }
0x31: {  	[tilespmem:$0x1B510] =	vst v0  }
0x32: {  	[tilespmem:$0x1BC00] =	vst v0  }
0x33: {  	[tilespmem:$0x1BC10] =	vst v0  }
0x34: {  	[tilespmem:$0x1BC80] =	vst v0  }
0x35: {  	[tilespmem:$0x1BC90] =	vst v0  }
0x36: {  	[tilespmem:$0x1BD00] =	vst v0  }
0x37: {  	[tilespmem:$0x1BD10] =	vst v0  }
0x38: {  	[tilespmem:$0x1C400] =	vst v0  }
0x39: {  	[tilespmem:$0x1C410] =	vst v0  }
0x3a: {  	[tilespmem:$0x1C480] =	vst v0  }
0x3b: {  	[tilespmem:$0x1C490] =	vst v0  }
0x3c: {  	[tilespmem:$0x1C500] =	vst v0  }
0x3d: {  	[tilespmem:$0x1C510] =	vst v0  }
0x3e: {  	[tilespmem:$0x1CC00] =	vst v0  }
0x3f: {  	[tilespmem:$0x1CC10] =	vst v0  }
0x40: {  	[tilespmem:$0x1CC80] =	vst v0  }
0x41: {  	[tilespmem:$0x1CC90] =	vst v0  }
0x42: {  	[tilespmem:$0x1CD00] =	vst v0  }
0x43: {  	[tilespmem:$0x1CD10] =	vst v0  }
0x44: {  	[tilespmem:$0x1D400] =	vst v0  }
.Ltmp2:
0x45: {  	[tilespmem:$0x1D410] =	vst v0;
	(pc) =	sbr.rel @p0 .LBB2_5-.Ltmp2, $4  }
0x46: {  	[tilespmem:$0x1D480] =	vst v0  }
0x47: {  	[tilespmem:$0x1D490] =	vst v0  }
0x48: {  	[tilespmem:$0x1D500] =	vst v0  }
0x49: {  	[tilespmem:$0x1D510] =	vst v0  }
0x4a: {  	s23 =	simm.s32 $0x0  }
0x4b: {  	[tilespmem:s23], [sflag:$0x7] =	stream.linear.gather [hbm4b:s7+s23], $0x5000, $0x38;
	[tilespmem:$0x1D580] =	vst v63  }
0x4c: {  	_ =	swait.ge [sflag:s13], $0x5000  }
0x4d: {  	[sflag:s13] =	ssyncset.done $0x0  }
0x4e: {  	[sflag:s13] =	ssyncadd.s32 $0xFFFFB000  }
0x4f: {  	[tilespmem:s14], [sflag:$0x7] =	stream.linear.gather [hbm4b:s8+s23], $0x5000, $0x38;
	[tilespmem:$0x1D580] =	vst v63  }
0x50: {  	_ =	swait.ge [sflag:s13], $0x5000  }
0x51: {  	s24 =	simm.s32 $0x1;
	s25 =	smov.u32 s11;
	[sflag:s13] =	ssyncset.done $0x0  }
0x52: {  	s26 =	smov.u32 s10;
	s28 =	simm.s32 $0x0;
	[sflag:s13] =	ssyncadd.s32 $0xFFFFB000  }
.LBB2_3:
0x53: {  	p1 =	sne.s32 s28, $0x0  }
0x54: {  	s29 =	simm.s32 @p1 $0x3  }
0x55: {  	_ =	swait.ge @p1 [sflag:s29], $0x4000  }
0x56: {  	[sflag:s29] =	ssyncset.done @p1 $0x0  }
0x57: {  	[sflag:s29] =	ssyncadd.s32 @p1 $0xFFFFC000;
	s29 =	simm.s32 @p1 $0x5  }
0x58: {  	_ =	swait.ge @p1 [sflag:s29], $0x2000  }
0x59: {  	[sflag:s29] =	ssyncset.done @p1 $0x0  }
0x5a: {  	s30 =	simm.s32 @p1 $0x11580;
	[sflag:s29] =	ssyncadd.s32 @p1 $0xFFFFE000;
	s29 =	simm.s32 @p1 $0x80  }
0x5b: {  	[tilespmem:s30], [sflag:$0x1] =	stream.indirect.gather @p1 [hbm4b:s2+s29], $0x80, s23, s29, $0xb8;
	[tilespmem:$0x1D580] =	vst v63  }
0x5c: {  	s29 =	simm.s32 @p1 $0x4  }
0x5d: {  	_ =	swait.ge @p1 [sflag:s29], $0x4000  }
0x5e: {  	[sflag:s29] =	ssyncset.done @p1 $0x0  }
0x5f: {  	[sflag:s29] =	ssyncadd.s32 @p1 $0xFFFFC000;
	s29 =	simm.s32 @p1 $0x6  }
0x60: {  	_ =	swait.ge @p1 [sflag:s29], $0x2000  }
0x61: {  	s31 =	simm.s32 @!p1 $0x11580;
	[sflag:s29] =	ssyncset.done @p1 $0x0  }
0x62: {  	s30 =	simm.s32 @!p1 $0x0;
	[sflag:s29] =	ssyncadd.s32 @p1 $0xFFFFE000;
	s29 =	simm.s32 @!p1 $0x80  }
0x63: {  	[tilespmem:s31], [sflag:$0x1] =	stream.indirect.gather @!p1 [hbm4b:s2+s29], $0x80, s30, s29, $0xb8;
	[tilespmem:$0x1D580] =	vst v63  }
0x64: {  	s29 =	smov.u32 s24  }
0x65: {  	s31 =	smov.u32 s28;
	s29 =	simm.s32 @!p1 $0x1  }
0x66: {  	s0 =	rddreg [dreg:$0x4];
	s31 =	simm.s32 @!p1 $0x0;
	s30 =	sshll.u32 s29, $0x7  }
0x67: {  	[tilespmem:s15], [sflag:$0x2] =	stream.indirect.gather [hbm4b:s2+s0], $0x80, s30, s0, $0xb8;
	[tilespmem:$0x1D580] =	vst v63  }
0x68: {  	v1 =	vld [tilespmem:s31+$0x5000]  }
0x69: {  	s0 =	smov.u32 s23  }
0x6a: {  	s0 =	simm.s32 @!p1 $0x0  }
0x6b: {  	v2 =	vld [tilespmem:s0+$0x0];
	_ =	sdelay $0x1  }
0x6c: {  	v1 =	vmul.f32 $-1.000000000e+01, v1;
	_ =	sdelay $0x1  }
0x6d: {  	v1 =	vmul.f32 $1.442695020e+00, v1  }
0x6e: {  	v3 =	vadd.s32 $0x2710, v2  }
0x6f: {  	(erf) = vpow2.f32 v1;
	_ =	sdelay $0x2  }
0x70: {  	v1 =	vadd.s32 $0x4E20, v2;
	v2 =	vld.idx.msk [tilespmem:v2+s12+$0x0], $0xffff  }
0x71: {  	v3 =	vld.idx.msk [tilespmem:v3+s12+$0x0], $0xffff;
	_ =	sdelay $0x3  }
0x72: {  	v1 =	vld.idx.msk [tilespmem:v1+s12+$0x0], $0xffff;
	v4 =	vmul.f32 v2, v2  }
0x73: {  	v6 =	vmul.f32 v3, v2;
	v5 =	vpop (erf)  }
0x74: {  	v4 =	vmul.f32 v5, v4  }
0x75: {  	v6 =	vmul.f32 v5, v6;
	[tilespmem:$0x19B80] =	vst v5  }
0x76: {  	v36 =	vmul.f32 v3, v3;
	[tilespmem:$0x19580] =	vst v4  }
0x77: {  	v7 =	vmul.f32 v1, v2;
	v2 =	vmul.f32 v5, v2;
	[tilespmem:$0x19600] =	vst v6  }
0x78: {  	v38 =	vmul.f32 v5, v36;
	[tilespmem:$0x19700] =	vst v6  }
0x79: {  	v37 =	vmul.f32 v1, v3;
	v3 =	vmul.f32 v5, v3;
	[tilespmem:$0x19A00] =	vst v2  }
0x7a: {  	v39 =	vmul.f32 v1, v1;
	v1 =	vmul.f32 v5, v1;
	[tilespmem:$0x19780] =	vst v38  }
0x7b: {  	v35 =	vmul.f32 v7, v5;
	[tilespmem:$0x19A80] =	vst v3  }
0x7c: {  	v2 =	vmul.f32 v37, v5;
	[tilespmem:$0x19B00] =	vst v1  }
0x7d: {  	[tilespmem:$0x19680] =	vst v35  }
0x7e: {  	[tilespmem:$0x19800] =	vst v2  }
0x7f: {  	[tilespmem:$0x19900] =	vst v2;
	v2 =	vmul.f32 v39, v5  }
0x80: {  	[tilespmem:$0x19880] =	vst v35  }
0x81: {  	[tilespmem:$0x19980] =	vst v2  }
0x82: {  	v1 =	vld [tilespmem:s31+$0x5010];
	_ =	sdelay $0x1  }
0x83: {  	s0 =	sor.u32 $0x10, s31  }
0x84: {  	v2 =	vld [tilespmem:s0+$0x0];
	_ =	sdelay $0x1  }
0x85: {  	v1 =	vmul.f32 $-1.000000000e+01, v1;
	_ =	sdelay $0x1  }
0x86: {  	v1 =	vmul.f32 $1.442695020e+00, v1  }
0x87: {  	v3 =	vadd.s32 $0x2710, v2  }
0x88: {  	(erf) = vpow2.f32 v1;
	_ =	sdelay $0x2  }
0x89: {  	v1 =	vadd.s32 $0x4E20, v2;
	v2 =	vld.idx.msk [tilespmem:v2+s12+$0x0], $0xffff  }
0x8a: {  	v3 =	vld.idx.msk [tilespmem:v3+s12+$0x0], $0xffff;
	_ =	sdelay $0x3  }
0x8b: {  	v1 =	vld.idx.msk [tilespmem:v1+s12+$0x0], $0xffff;
	v40 =	vmul.f32 v2, v2  }
0x8c: {  	v42 =	vmul.f32 v3, v2;
	v41 =	vpop (erf)  }
0x8d: {  	v4 =	vmul.f32 v41, v40  }
0x8e: {  	v6 =	vmul.f32 v41, v42;
	[tilespmem:$0x19B90] =	vst v41  }
0x8f: {  	v45 =	vmul.f32 v3, v3;
	[tilespmem:$0x19590] =	vst v4  }
0x90: {  	v43 =	vmul.f32 v1, v2;
	v2 =	vmul.f32 v41, v2;
	[tilespmem:$0x19610] =	vst v6  }
0x91: {  	v47 =	vmul.f32 v41, v45;
	[tilespmem:$0x19710] =	vst v6  }
0x92: {  	v46 =	vmul.f32 v1, v3;
	v3 =	vmul.f32 v41, v3;
	[tilespmem:$0x19A10] =	vst v2  }
0x93: {  	v48 =	vmul.f32 v1, v1;
	v1 =	vmul.f32 v41, v1;
	[tilespmem:$0x19790] =	vst v47  }
0x94: {  	v44 =	vmul.f32 v43, v41;
	[tilespmem:$0x19A90] =	vst v3  }
0x95: {  	v2 =	vmul.f32 v46, v41;
	[tilespmem:$0x19B10] =	vst v1  }
0x96: {  	[tilespmem:$0x19690] =	vst v44  }
0x97: {  	[tilespmem:$0x19810] =	vst v2  }
0x98: {  	[tilespmem:$0x19910] =	vst v2;
	v2 =	vmul.f32 v48, v41  }
0x99: {  	[tilespmem:$0x19890] =	vst v44  }
0x9a: {  	[tilespmem:$0x19990] =	vst v2  }
0x9b: {  	v1 =	vld [tilespmem:s31+$0x5020];
	_ =	sdelay $0x1  }
0x9c: {  	s0 =	sor.u32 $0x20, s31  }
0x9d: {  	v2 =	vld [tilespmem:s0+$0x0];
	_ =	sdelay $0x1  }
0x9e: {  	v1 =	vmul.f32 $-1.000000000e+01, v1;
	_ =	sdelay $0x1  }
0x9f: {  	v1 =	vmul.f32 $1.442695020e+00, v1  }
0xa0: {  	v3 =	vadd.s32 $0x2710, v2  }
0xa1: {  	(erf) = vpow2.f32 v1;
	_ =	sdelay $0x2  }
0xa2: {  	v1 =	vadd.s32 $0x4E20, v2;
	v2 =	vld.idx.msk [tilespmem:v2+s12+$0x0], $0xffff  }
0xa3: {  	v3 =	vld.idx.msk [tilespmem:v3+s12+$0x0], $0xffff;
	_ =	sdelay $0x3  }
0xa4: {  	v1 =	vld.idx.msk [tilespmem:v1+s12+$0x0], $0xffff;
	v49 =	vmul.f32 v2, v2  }
0xa5: {  	v51 =	vmul.f32 v3, v2;
	v50 =	vpop (erf)  }
0xa6: {  	v4 =	vmul.f32 v50, v49  }
0xa7: {  	v6 =	vmul.f32 v50, v51;
	[tilespmem:$0x1A380] =	vst v50  }
0xa8: {  	v54 =	vmul.f32 v3, v3;
	[tilespmem:$0x19D80] =	vst v4  }
0xa9: {  	v52 =	vmul.f32 v1, v2;
	v2 =	vmul.f32 v50, v2;
	[tilespmem:$0x19E00] =	vst v6  }
0xaa: {  	v56 =	vmul.f32 v50, v54;
	[tilespmem:$0x19F00] =	vst v6  }
0xab: {  	v55 =	vmul.f32 v1, v3;
	v3 =	vmul.f32 v50, v3;
	[tilespmem:$0x1A200] =	vst v2  }
0xac: {  	v57 =	vmul.f32 v1, v1;
	v1 =	vmul.f32 v50, v1;
	[tilespmem:$0x19F80] =	vst v56  }
0xad: {  	v53 =	vmul.f32 v52, v50;
	[tilespmem:$0x1A280] =	vst v3  }
0xae: {  	v2 =	vmul.f32 v55, v50;
	[tilespmem:$0x1A300] =	vst v1  }
0xaf: {  	[tilespmem:$0x19E80] =	vst v53  }
0xb0: {  	[tilespmem:$0x1A000] =	vst v2  }
0xb1: {  	[tilespmem:$0x1A100] =	vst v2;
	v2 =	vmul.f32 v57, v50  }
0xb2: {  	[tilespmem:$0x1A080] =	vst v53  }
0xb3: {  	[tilespmem:$0x1A180] =	vst v2  }
0xb4: {  	v1 =	vld [tilespmem:s31+$0x5030];
	_ =	sdelay $0x1  }
0xb5: {  	s0 =	sor.u32 $0x30, s31  }
0xb6: {  	v2 =	vld [tilespmem:s0+$0x0];
	_ =	sdelay $0x1  }
0xb7: {  	v1 =	vmul.f32 $-1.000000000e+01, v1;
	_ =	sdelay $0x1  }
0xb8: {  	v1 =	vmul.f32 $1.442695020e+00, v1  }
0xb9: {  	v3 =	vadd.s32 $0x2710, v2  }
0xba: {  	(erf) = vpow2.f32 v1;
	_ =	sdelay $0x2  }
0xbb: {  	v1 =	vadd.s32 $0x4E20, v2;
	v2 =	vld.idx.msk [tilespmem:v2+s12+$0x0], $0xffff  }
0xbc: {  	v3 =	vld.idx.msk [tilespmem:v3+s12+$0x0], $0xffff;
	_ =	sdelay $0x3  }
0xbd: {  	v1 =	vld.idx.msk [tilespmem:v1+s12+$0x0], $0xffff;
	v58 =	vmul.f32 v2, v2  }
0xbe: {  	v60 =	vmul.f32 v3, v2;
	v59 =	vpop (erf)  }
0xbf: {  	v4 =	vmul.f32 v59, v58  }
0xc0: {  	v6 =	vmul.f32 v59, v60;
	[tilespmem:$0x1A390] =	vst v59  }
0xc1: {  	v63 =	vmul.f32 v3, v3;
	[tilespmem:$0x19D90] =	vst v4  }
0xc2: {  	v61 =	vmul.f32 v1, v2;
	v2 =	vmul.f32 v59, v2;
	[tilespmem:$0x19E10] =	vst v6  }
0xc3: {  	v10 =	vmul.f32 v59, v63;
	[tilespmem:$0x19F10] =	vst v6  }
0xc4: {  	v9 =	vmul.f32 v1, v3;
	v3 =	vmul.f32 v59, v3;
	[tilespmem:$0x1A210] =	vst v2  }
0xc5: {  	v11 =	vmul.f32 v1, v1;
	v1 =	vmul.f32 v59, v1;
	[tilespmem:$0x19F90] =	vst v10  }
0xc6: {  	v62 =	vmul.f32 v61, v59;
	[tilespmem:$0x1A290] =	vst v3  }
0xc7: {  	v2 =	vmul.f32 v9, v59;
	[tilespmem:$0x1A310] =	vst v1  }
0xc8: {  	[tilespmem:$0x19E90] =	vst v62  }
0xc9: {  	[tilespmem:$0x1A010] =	vst v2  }
0xca: {  	[tilespmem:$0x1A110] =	vst v2;
	v2 =	vmul.f32 v11, v59  }
0xcb: {  	[tilespmem:$0x1A090] =	vst v62  }
0xcc: {  	[tilespmem:$0x1A190] =	vst v2  }
0xcd: {  	v1 =	vld [tilespmem:s31+$0x5040];
	_ =	sdelay $0x1  }
0xce: {  	s0 =	sor.u32 $0x40, s31  }
0xcf: {  	v2 =	vld [tilespmem:s0+$0x0];
	_ =	sdelay $0x1  }
0xd0: {  	v1 =	vmul.f32 $-1.000000000e+01, v1;
	_ =	sdelay $0x1  }
0xd1: {  	v1 =	vmul.f32 $1.442695020e+00, v1  }
0xd2: {  	v3 =	vadd.s32 $0x2710, v2  }
0xd3: {  	(erf) = vpow2.f32 v1;
	_ =	sdelay $0x2  }
0xd4: {  	v1 =	vadd.s32 $0x4E20, v2;
	v2 =	vld.idx.msk [tilespmem:v2+s12+$0x0], $0xffff  }
0xd5: {  	v3 =	vld.idx.msk [tilespmem:v3+s12+$0x0], $0xffff;
	_ =	sdelay $0x3  }
0xd6: {  	v1 =	vld.idx.msk [tilespmem:v1+s12+$0x0], $0xffff;
	v12 =	vmul.f32 v2, v2  }
0xd7: {  	v14 =	vmul.f32 v3, v2;
	v13 =	vpop (erf)  }
0xd8: {  	v4 =	vmul.f32 v13, v12  }
0xd9: {  	v6 =	vmul.f32 v13, v14;
	[tilespmem:$0x1AB80] =	vst v13  }
0xda: {  	v17 =	vmul.f32 v3, v3;
	[tilespmem:$0x1A580] =	vst v4  }
0xdb: {  	v15 =	vmul.f32 v1, v2;
	v2 =	vmul.f32 v13, v2;
	[tilespmem:$0x1A600] =	vst v6  }
0xdc: {  	v19 =	vmul.f32 v13, v17;
	[tilespmem:$0x1A700] =	vst v6  }
0xdd: {  	v18 =	vmul.f32 v1, v3;
	v3 =	vmul.f32 v13, v3;
	[tilespmem:$0x1AA00] =	vst v2  }
0xde: {  	v20 =	vmul.f32 v1, v1;
	v1 =	vmul.f32 v13, v1;
	[tilespmem:$0x1A780] =	vst v19  }
0xdf: {  	v16 =	vmul.f32 v15, v13;
	[tilespmem:$0x1AA80] =	vst v3  }
0xe0: {  	v2 =	vmul.f32 v18, v13;
	[tilespmem:$0x1AB00] =	vst v1  }
0xe1: {  	[tilespmem:$0x1A680] =	vst v16  }
0xe2: {  	[tilespmem:$0x1A800] =	vst v2  }
0xe3: {  	[tilespmem:$0x1A900] =	vst v2;
	v2 =	vmul.f32 v20, v13  }
0xe4: {  	[tilespmem:$0x1A880] =	vst v16  }
0xe5: {  	[tilespmem:$0x1A980] =	vst v2  }
0xe6: {  	v1 =	vld [tilespmem:s31+$0x5050];
	_ =	sdelay $0x1  }
0xe7: {  	s0 =	sor.u32 $0x50, s31  }
0xe8: {  	v2 =	vld [tilespmem:s0+$0x0];
	_ =	sdelay $0x1  }
0xe9: {  	v1 =	vmul.f32 $-1.000000000e+01, v1;
	_ =	sdelay $0x1  }
0xea: {  	v1 =	vmul.f32 $1.442695020e+00, v1  }
0xeb: {  	v3 =	vadd.s32 $0x2710, v2  }
0xec: {  	(erf) = vpow2.f32 v1;
	_ =	sdelay $0x2  }
0xed: {  	v1 =	vadd.s32 $0x4E20, v2;
	v2 =	vld.idx.msk [tilespmem:v2+s12+$0x0], $0xffff  }
0xee: {  	v3 =	vld.idx.msk [tilespmem:v3+s12+$0x0], $0xffff;
	_ =	sdelay $0x3  }
0xef: {  	v1 =	vld.idx.msk [tilespmem:v1+s12+$0x0], $0xffff;
	v21 =	vmul.f32 v2, v2  }
0xf0: {  	v23 =	vmul.f32 v3, v2;
	v22 =	vpop (erf)  }
0xf1: {  	v4 =	vmul.f32 v22, v21  }
0xf2: {  	v6 =	vmul.f32 v22, v23;
	[tilespmem:$0x1AB90] =	vst v22  }
0xf3: {  	v26 =	vmul.f32 v3, v3;
	[tilespmem:$0x1A590] =	vst v4  }
0xf4: {  	v24 =	vmul.f32 v1, v2;
	v2 =	vmul.f32 v22, v2;
	[tilespmem:$0x1A610] =	vst v6  }
0xf5: {  	v28 =	vmul.f32 v22, v26;
	[tilespmem:$0x1A710] =	vst v6  }
0xf6: {  	v27 =	vmul.f32 v1, v3;
	v3 =	vmul.f32 v22, v3;
	[tilespmem:$0x1AA10] =	vst v2  }
0xf7: {  	v29 =	vmul.f32 v1, v1;
	v1 =	vmul.f32 v22, v1;
	[tilespmem:$0x1A790] =	vst v28  }
0xf8: {  	v25 =	vmul.f32 v24, v22;
	[tilespmem:$0x1AA90] =	vst v3  }
0xf9: {  	v2 =	vmul.f32 v27, v22;
	[tilespmem:$0x1AB10] =	vst v1  }
0xfa: {  	[tilespmem:$0x1A690] =	vst v25  }
0xfb: {  	[tilespmem:$0x1A810] =	vst v2  }
0xfc: {  	[tilespmem:$0x1A910] =	vst v2;
	v2 =	vmul.f32 v29, v22  }
0xfd: {  	[tilespmem:$0x1A890] =	vst v25  }
0xfe: {  	[tilespmem:$0x1A990] =	vst v2  }
0xff: {  	v1 =	vld [tilespmem:s31+$0x5060];
	_ =	sdelay $0x1  }
0x100: {  	s0 =	sor.u32 $0x60, s31  }
0x101: {  	v2 =	vld [tilespmem:s0+$0x0];
	_ =	sdelay $0x1  }
0x102: {  	v1 =	vmul.f32 $-1.000000000e+01, v1;
	_ =	sdelay $0x1  }
0x103: {  	v1 =	vmul.f32 $1.442695020e+00, v1  }
0x104: {  	v3 =	vadd.s32 $0x2710, v2  }
0x105: {  	(erf) = vpow2.f32 v1;
	_ =	sdelay $0x2  }
0x106: {  	v1 =	vadd.s32 $0x4E20, v2;
	v2 =	vld.idx.msk [tilespmem:v2+s12+$0x0], $0xffff  }
0x107: {  	v3 =	vld.idx.msk [tilespmem:v3+s12+$0x0], $0xffff;
	_ =	sdelay $0x3  }
0x108: {  	v1 =	vld.idx.msk [tilespmem:v1+s12+$0x0], $0xffff;
	v30 =	vmul.f32 v2, v2  }
0x109: {  	v32 =	vmul.f32 v3, v2;
	v31 =	vpop (erf)  }
0x10a: {  	v4 =	vmul.f32 v31, v30  }
0x10b: {  	v6 =	vmul.f32 v31, v32;
	[tilespmem:$0x1B380] =	vst v31  }
0x10c: {  	v35 =	vmul.f32 v3, v3;
	[tilespmem:$0x1AD80] =	vst v4  }
0x10d: {  	v33 =	vmul.f32 v1, v2;
	v2 =	vmul.f32 v31, v2;
	[tilespmem:$0x1AE00] =	vst v6  }
0x10e: {  	v37 =	vmul.f32 v31, v35;
	[tilespmem:$0x1AF00] =	vst v6  }
0x10f: {  	v36 =	vmul.f32 v1, v3;
	v3 =	vmul.f32 v31, v3;
	[tilespmem:$0x1B200] =	vst v2  }
0x110: {  	v38 =	vmul.f32 v1, v1;
	v1 =	vmul.f32 v31, v1;
	[tilespmem:$0x1AF80] =	vst v37  }
0x111: {  	v34 =	vmul.f32 v33, v31;
	[tilespmem:$0x1B280] =	vst v3  }
0x112: {  	v2 =	vmul.f32 v36, v31;
	[tilespmem:$0x1B300] =	vst v1  }
0x113: {  	[tilespmem:$0x1AE80] =	vst v34  }
0x114: {  	[tilespmem:$0x1B000] =	vst v2  }
0x115: {  	[tilespmem:$0x1B100] =	vst v2;
	v2 =	vmul.f32 v38, v31  }
0x116: {  	[tilespmem:$0x1B080] =	vst v34  }
0x117: {  	[tilespmem:$0x1B180] =	vst v2  }
0x118: {  	v1 =	vld [tilespmem:s31+$0x5070];
	_ =	sdelay $0x1  }
0x119: {  	s31 =	sor.u32 $0x70, s31  }
0x11a: {  	v2 =	vld [tilespmem:s31+$0x0];
	_ =	sdelay $0x1  }
0x11b: {  	v1 =	vmul.f32 $-1.000000000e+01, v1;
	_ =	sdelay $0x1  }
0x11c: {  	v1 =	vmul.f32 $1.442695020e+00, v1  }
0x11d: {  	v3 =	vadd.s32 $0x2710, v2  }
0x11e: {  	(erf) = vpow2.f32 v1;
	_ =	sdelay $0x2  }
0x11f: {  	v1 =	vadd.s32 $0x4E20, v2;
	v2 =	vld.idx.msk [tilespmem:v2+s12+$0x0], $0xffff  }
0x120: {  	v3 =	vld.idx.msk [tilespmem:v3+s12+$0x0], $0xffff;
	_ =	sdelay $0x3  }
0x121: {  	v1 =	vld.idx.msk [tilespmem:v1+s12+$0x0], $0xffff;
	v39 =	vmul.f32 v2, v2  }
0x122: {  	v41 =	vmul.f32 v3, v2;
	v40 =	vpop (erf)  }
0x123: {  	v4 =	vmul.f32 v40, v39  }
0x124: {  	v6 =	vmul.f32 v40, v41;
	[tilespmem:$0x1B390] =	vst v40  }
0x125: {  	v44 =	vmul.f32 v3, v3;
	[tilespmem:$0x1AD90] =	vst v4  }
0x126: {  	v42 =	vmul.f32 v1, v2;
	v2 =	vmul.f32 v40, v2;
	[tilespmem:$0x1AE10] =	vst v6  }
0x127: {  	v46 =	vmul.f32 v40, v44;
	[tilespmem:$0x1AF10] =	vst v6  }
0x128: {  	v45 =	vmul.f32 v1, v3;
	v3 =	vmul.f32 v40, v3;
	[tilespmem:$0x1B210] =	vst v2  }
0x129: {  	v47 =	vmul.f32 v1, v1;
	v1 =	vmul.f32 v40, v1;
	[tilespmem:$0x1AF90] =	vst v46  }
0x12a: {  	v43 =	vmul.f32 v42, v40;
	[tilespmem:$0x1B290] =	vst v3  }
0x12b: {  	v2 =	vmul.f32 v45, v40;
	[tilespmem:$0x1B310] =	vst v1  }
0x12c: {  	[tilespmem:$0x1AE90] =	vst v43  }
0x12d: {  	[tilespmem:$0x1B010] =	vst v2  }
0x12e: {  	[tilespmem:$0x1B110] =	vst v2;
	v2 =	vmul.f32 v47, v40  }
0x12f: {  	[tilespmem:$0x1B090] =	vst v43  }
0x130: {  	[tilespmem:$0x1B190] =	vst v2  }
0x131: {  	_ =	swait.ge [sflag:s16], $0x4000  }
0x132: {  	[sflag:s16] =	ssyncset.done $0x0  }
0x133: {  	s0 =	rddreg [dreg:$0x5];
	[sflag:s16] =	ssyncadd.s32 $0xFFFFC000  }
0x134: {  	[hbm4b:s25+s3] =	stream.linear.scatter [tilespmem:s0], [sflag:$0x3], $0x4000, $0x38;
	[tilespmem:$0x1D580] =	vst v63  }
0x135: {  	s31 =	rddreg [dreg:$0x6]  }
0x136: {  	[hbm4b:s26+s3] =	stream.linear.scatter [tilespmem:s31], [sflag:$0x5], $0x2000, $0x38;
	[tilespmem:$0x1D580] =	vst v63  }
0x137: {  	v1 =	vld [tilespmem:s30+$0x5000];
	_ =	sdelay $0x2  }
0x138: {  	v2 =	vld [tilespmem:s30+$0x0];
	_ =	sdelay $0x1  }
0x139: {  	v1 =	vmul.f32 $-1.000000000e+01, v1;
	_ =	sdelay $0x1  }
0x13a: {  	v1 =	vmul.f32 $1.442695020e+00, v1  }
0x13b: {  	v3 =	vadd.s32 $0x2710, v2  }
0x13c: {  	(erf) = vpow2.f32 v1;
	_ =	sdelay $0x2  }
0x13d: {  	v1 =	vadd.s32 $0x4E20, v2;
	v2 =	vld.idx.msk [tilespmem:v2+s12+$0x0], $0xffff  }
0x13e: {  	v3 =	vld.idx.msk [tilespmem:v3+s12+$0x0], $0xffff;
	_ =	sdelay $0x3  }
0x13f: {  	v1 =	vld.idx.msk [tilespmem:v1+s12+$0x0], $0xffff;
	v48 =	vmul.f32 v2, v2  }
0x140: {  	v50 =	vmul.f32 v3, v2;
	v49 =	vpop (erf)  }
0x141: {  	v4 =	vmul.f32 v49, v48  }
0x142: {  	v6 =	vmul.f32 v49, v50;
	[tilespmem:$0x1BB80] =	vst v49  }
0x143: {  	v53 =	vmul.f32 v3, v3;
	[tilespmem:$0x1B580] =	vst v4  }
0x144: {  	v51 =	vmul.f32 v1, v2;
	v2 =	vmul.f32 v49, v2;
	[tilespmem:$0x1B600] =	vst v6  }
0x145: {  	v55 =	vmul.f32 v49, v53;
	[tilespmem:$0x1B700] =	vst v6  }
0x146: {  	v54 =	vmul.f32 v1, v3;
	v3 =	vmul.f32 v49, v3;
	[tilespmem:$0x1BA00] =	vst v2  }
0x147: {  	v56 =	vmul.f32 v1, v1;
	v1 =	vmul.f32 v49, v1;
	[tilespmem:$0x1B780] =	vst v55  }
0x148: {  	v52 =	vmul.f32 v51, v49;
	[tilespmem:$0x1BA80] =	vst v3  }
0x149: {  	v2 =	vmul.f32 v54, v49;
	[tilespmem:$0x1BB00] =	vst v1  }
0x14a: {  	[tilespmem:$0x1B680] =	vst v52  }
0x14b: {  	[tilespmem:$0x1B800] =	vst v2  }
0x14c: {  	[tilespmem:$0x1B900] =	vst v2;
	v2 =	vmul.f32 v56, v49  }
0x14d: {  	[tilespmem:$0x1B880] =	vst v52  }
0x14e: {  	[tilespmem:$0x1B980] =	vst v2  }
0x14f: {  	v1 =	vld [tilespmem:s30+$0x5010];
	_ =	sdelay $0x2  }
0x150: {  	v2 =	vld [tilespmem:s30+$0x10];
	_ =	sdelay $0x1  }
0x151: {  	v1 =	vmul.f32 $-1.000000000e+01, v1;
	_ =	sdelay $0x1  }
0x152: {  	v1 =	vmul.f32 $1.442695020e+00, v1  }
0x153: {  	v3 =	vadd.s32 $0x2710, v2  }
0x154: {  	(erf) = vpow2.f32 v1;
	_ =	sdelay $0x2  }
0x155: {  	v1 =	vadd.s32 $0x4E20, v2;
	v2 =	vld.idx.msk [tilespmem:v2+s12+$0x0], $0xffff  }
0x156: {  	v3 =	vld.idx.msk [tilespmem:v3+s12+$0x0], $0xffff;
	_ =	sdelay $0x3  }
0x157: {  	v1 =	vld.idx.msk [tilespmem:v1+s12+$0x0], $0xffff;
	v57 =	vmul.f32 v2, v2  }
0x158: {  	v59 =	vmul.f32 v3, v2;
	v58 =	vpop (erf)  }
0x159: {  	v4 =	vmul.f32 v58, v57  }
0x15a: {  	v6 =	vmul.f32 v58, v59;
	[tilespmem:$0x1BB90] =	vst v58  }
0x15b: {  	v62 =	vmul.f32 v3, v3;
	[tilespmem:$0x1B590] =	vst v4  }
0x15c: {  	v60 =	vmul.f32 v1, v2;
	v2 =	vmul.f32 v58, v2;
	[tilespmem:$0x1B610] =	vst v6  }
0x15d: {  	v8 =	vmul.f32 v58, v62;
	[tilespmem:$0x1B710] =	vst v6  }
0x15e: {  	v63 =	vmul.f32 v1, v3;
	v3 =	vmul.f32 v58, v3;
	[tilespmem:$0x1BA10] =	vst v2  }
0x15f: {  	v9 =	vmul.f32 v1, v1;
	v1 =	vmul.f32 v58, v1;
	[tilespmem:$0x1B790] =	vst v8  }
0x160: {  	v61 =	vmul.f32 v60, v58;
	[tilespmem:$0x1BA90] =	vst v3  }
0x161: {  	v2 =	vmul.f32 v63, v58;
	[tilespmem:$0x1BB10] =	vst v1  }
0x162: {  	[tilespmem:$0x1B690] =	vst v61  }
0x163: {  	[tilespmem:$0x1B810] =	vst v2  }
0x164: {  	[tilespmem:$0x1B910] =	vst v2;
	v2 =	vmul.f32 v9, v58  }
0x165: {  	[tilespmem:$0x1B890] =	vst v61  }
0x166: {  	[tilespmem:$0x1B990] =	vst v2  }
0x167: {  	v1 =	vld [tilespmem:s30+$0x5020];
	_ =	sdelay $0x2  }
0x168: {  	v2 =	vld [tilespmem:s30+$0x20];
	_ =	sdelay $0x1  }
0x169: {  	v1 =	vmul.f32 $-1.000000000e+01, v1;
	_ =	sdelay $0x1  }
0x16a: {  	v1 =	vmul.f32 $1.442695020e+00, v1  }
0x16b: {  	v3 =	vadd.s32 $0x2710, v2  }
0x16c: {  	(erf) = vpow2.f32 v1;
	_ =	sdelay $0x2  }
0x16d: {  	v1 =	vadd.s32 $0x4E20, v2;
	v2 =	vld.idx.msk [tilespmem:v2+s12+$0x0], $0xffff  }
0x16e: {  	v3 =	vld.idx.msk [tilespmem:v3+s12+$0x0], $0xffff;
	_ =	sdelay $0x3  }
0x16f: {  	v1 =	vld.idx.msk [tilespmem:v1+s12+$0x0], $0xffff;
	v10 =	vmul.f32 v2, v2  }
0x170: {  	v12 =	vmul.f32 v3, v2;
	v11 =	vpop (erf)  }
0x171: {  	v4 =	vmul.f32 v11, v10  }
0x172: {  	v6 =	vmul.f32 v11, v12;
	[tilespmem:$0x1C380] =	vst v11  }
0x173: {  	v15 =	vmul.f32 v3, v3;
	[tilespmem:$0x1BD80] =	vst v4  }
0x174: {  	v13 =	vmul.f32 v1, v2;
	v2 =	vmul.f32 v11, v2;
	[tilespmem:$0x1BE00] =	vst v6  }
0x175: {  	v17 =	vmul.f32 v11, v15;
	[tilespmem:$0x1BF00] =	vst v6  }
0x176: {  	v16 =	vmul.f32 v1, v3;
	v3 =	vmul.f32 v11, v3;
	[tilespmem:$0x1C200] =	vst v2  }
0x177: {  	v18 =	vmul.f32 v1, v1;
	v1 =	vmul.f32 v11, v1;
	[tilespmem:$0x1BF80] =	vst v17  }
0x178: {  	v14 =	vmul.f32 v13, v11;
	[tilespmem:$0x1C280] =	vst v3  }
0x179: {  	v2 =	vmul.f32 v16, v11;
	[tilespmem:$0x1C300] =	vst v1  }
0x17a: {  	[tilespmem:$0x1BE80] =	vst v14  }
0x17b: {  	[tilespmem:$0x1C000] =	vst v2  }
0x17c: {  	[tilespmem:$0x1C100] =	vst v2;
	v2 =	vmul.f32 v18, v11  }
0x17d: {  	[tilespmem:$0x1C080] =	vst v14  }
0x17e: {  	[tilespmem:$0x1C180] =	vst v2  }
0x17f: {  	v1 =	vld [tilespmem:s30+$0x5030];
	_ =	sdelay $0x2  }
0x180: {  	v2 =	vld [tilespmem:s30+$0x30];
	_ =	sdelay $0x1  }
0x181: {  	v1 =	vmul.f32 $-1.000000000e+01, v1;
	_ =	sdelay $0x1  }
0x182: {  	v1 =	vmul.f32 $1.442695020e+00, v1  }
0x183: {  	v3 =	vadd.s32 $0x2710, v2  }
0x184: {  	(erf) = vpow2.f32 v1;
	_ =	sdelay $0x2  }
0x185: {  	v1 =	vadd.s32 $0x4E20, v2;
	v2 =	vld.idx.msk [tilespmem:v2+s12+$0x0], $0xffff  }
0x186: {  	v3 =	vld.idx.msk [tilespmem:v3+s12+$0x0], $0xffff;
	_ =	sdelay $0x3  }
0x187: {  	v1 =	vld.idx.msk [tilespmem:v1+s12+$0x0], $0xffff;
	v19 =	vmul.f32 v2, v2  }
0x188: {  	v21 =	vmul.f32 v3, v2;
	v20 =	vpop (erf)  }
0x189: {  	v4 =	vmul.f32 v20, v19  }
0x18a: {  	v6 =	vmul.f32 v20, v21;
	[tilespmem:$0x1C390] =	vst v20  }
0x18b: {  	v24 =	vmul.f32 v3, v3;
	[tilespmem:$0x1BD90] =	vst v4  }
0x18c: {  	v22 =	vmul.f32 v1, v2;
	v2 =	vmul.f32 v20, v2;
	[tilespmem:$0x1BE10] =	vst v6  }
0x18d: {  	v26 =	vmul.f32 v20, v24;
	[tilespmem:$0x1BF10] =	vst v6  }
0x18e: {  	v25 =	vmul.f32 v1, v3;
	v3 =	vmul.f32 v20, v3;
	[tilespmem:$0x1C210] =	vst v2  }
0x18f: {  	v27 =	vmul.f32 v1, v1;
	v1 =	vmul.f32 v20, v1;
	[tilespmem:$0x1BF90] =	vst v26  }
0x190: {  	v23 =	vmul.f32 v22, v20;
	[tilespmem:$0x1C290] =	vst v3  }
0x191: {  	v2 =	vmul.f32 v25, v20;
	[tilespmem:$0x1C310] =	vst v1  }
0x192: {  	[tilespmem:$0x1BE90] =	vst v23  }
0x193: {  	[tilespmem:$0x1C010] =	vst v2  }
0x194: {  	[tilespmem:$0x1C110] =	vst v2;
	v2 =	vmul.f32 v27, v20  }
0x195: {  	[tilespmem:$0x1C090] =	vst v23  }
0x196: {  	[tilespmem:$0x1C190] =	vst v2  }
0x197: {  	v1 =	vld [tilespmem:s30+$0x5040];
	_ =	sdelay $0x2  }
0x198: {  	v2 =	vld [tilespmem:s30+$0x40];
	_ =	sdelay $0x1  }
0x199: {  	v1 =	vmul.f32 $-1.000000000e+01, v1;
	_ =	sdelay $0x1  }
0x19a: {  	v1 =	vmul.f32 $1.442695020e+00, v1  }
0x19b: {  	v3 =	vadd.s32 $0x2710, v2  }
0x19c: {  	(erf) = vpow2.f32 v1;
	_ =	sdelay $0x2  }
0x19d: {  	v1 =	vadd.s32 $0x4E20, v2;
	v2 =	vld.idx.msk [tilespmem:v2+s12+$0x0], $0xffff  }
0x19e: {  	v3 =	vld.idx.msk [tilespmem:v3+s12+$0x0], $0xffff;
	_ =	sdelay $0x3  }
0x19f: {  	v1 =	vld.idx.msk [tilespmem:v1+s12+$0x0], $0xffff;
	v28 =	vmul.f32 v2, v2  }
0x1a0: {  	v30 =	vmul.f32 v3, v2;
	v29 =	vpop (erf)  }
0x1a1: {  	v4 =	vmul.f32 v29, v28  }
0x1a2: {  	v6 =	vmul.f32 v29, v30;
	[tilespmem:$0x1CB80] =	vst v29  }
0x1a3: {  	v33 =	vmul.f32 v3, v3;
	[tilespmem:$0x1C580] =	vst v4  }
0x1a4: {  	v31 =	vmul.f32 v1, v2;
	v2 =	vmul.f32 v29, v2;
	[tilespmem:$0x1C600] =	vst v6  }
0x1a5: {  	v35 =	vmul.f32 v29, v33;
	[tilespmem:$0x1C700] =	vst v6  }
0x1a6: {  	v34 =	vmul.f32 v1, v3;
	v3 =	vmul.f32 v29, v3;
	[tilespmem:$0x1CA00] =	vst v2  }
0x1a7: {  	v36 =	vmul.f32 v1, v1;
	v1 =	vmul.f32 v29, v1;
	[tilespmem:$0x1C780] =	vst v35  }
0x1a8: {  	v32 =	vmul.f32 v31, v29;
	[tilespmem:$0x1CA80] =	vst v3  }
0x1a9: {  	v2 =	vmul.f32 v34, v29;
	[tilespmem:$0x1CB00] =	vst v1  }
0x1aa: {  	[tilespmem:$0x1C680] =	vst v32  }
0x1ab: {  	[tilespmem:$0x1C800] =	vst v2  }
0x1ac: {  	[tilespmem:$0x1C900] =	vst v2;
	v2 =	vmul.f32 v36, v29  }
0x1ad: {  	[tilespmem:$0x1C880] =	vst v32  }
0x1ae: {  	[tilespmem:$0x1C980] =	vst v2  }
0x1af: {  	v1 =	vld [tilespmem:s30+$0x5050];
	_ =	sdelay $0x2  }
0x1b0: {  	v2 =	vld [tilespmem:s30+$0x50];
	_ =	sdelay $0x1  }
0x1b1: {  	v1 =	vmul.f32 $-1.000000000e+01, v1;
	_ =	sdelay $0x1  }
0x1b2: {  	v1 =	vmul.f32 $1.442695020e+00, v1  }
0x1b3: {  	v3 =	vadd.s32 $0x2710, v2  }
0x1b4: {  	(erf) = vpow2.f32 v1;
	_ =	sdelay $0x2  }
0x1b5: {  	v1 =	vadd.s32 $0x4E20, v2;
	v2 =	vld.idx.msk [tilespmem:v2+s12+$0x0], $0xffff  }
0x1b6: {  	v3 =	vld.idx.msk [tilespmem:v3+s12+$0x0], $0xffff;
	_ =	sdelay $0x3  }
0x1b7: {  	v1 =	vld.idx.msk [tilespmem:v1+s12+$0x0], $0xffff;
	v37 =	vmul.f32 v2, v2  }
0x1b8: {  	v39 =	vmul.f32 v3, v2;
	v38 =	vpop (erf)  }
0x1b9: {  	v4 =	vmul.f32 v38, v37  }
0x1ba: {  	v6 =	vmul.f32 v38, v39;
	[tilespmem:$0x1CB90] =	vst v38  }
0x1bb: {  	v42 =	vmul.f32 v3, v3;
	[tilespmem:$0x1C590] =	vst v4  }
0x1bc: {  	v40 =	vmul.f32 v1, v2;
	v2 =	vmul.f32 v38, v2;
	[tilespmem:$0x1C610] =	vst v6  }
0x1bd: {  	v44 =	vmul.f32 v38, v42;
	[tilespmem:$0x1C710] =	vst v6  }
0x1be: {  	v43 =	vmul.f32 v1, v3;
	v3 =	vmul.f32 v38, v3;
	[tilespmem:$0x1CA10] =	vst v2  }
0x1bf: {  	v45 =	vmul.f32 v1, v1;
	v1 =	vmul.f32 v38, v1;
	[tilespmem:$0x1C790] =	vst v44  }
0x1c0: {  	v41 =	vmul.f32 v40, v38;
	[tilespmem:$0x1CA90] =	vst v3  }
0x1c1: {  	v2 =	vmul.f32 v43, v38;
	[tilespmem:$0x1CB10] =	vst v1  }
0x1c2: {  	[tilespmem:$0x1C690] =	vst v41  }
0x1c3: {  	[tilespmem:$0x1C810] =	vst v2  }
0x1c4: {  	[tilespmem:$0x1C910] =	vst v2;
	v2 =	vmul.f32 v45, v38  }
0x1c5: {  	[tilespmem:$0x1C890] =	vst v41  }
0x1c6: {  	[tilespmem:$0x1C990] =	vst v2  }
0x1c7: {  	v1 =	vld [tilespmem:s30+$0x5060];
	_ =	sdelay $0x2  }
0x1c8: {  	v2 =	vld [tilespmem:s30+$0x60];
	_ =	sdelay $0x1  }
0x1c9: {  	v1 =	vmul.f32 $-1.000000000e+01, v1;
	_ =	sdelay $0x1  }
0x1ca: {  	v1 =	vmul.f32 $1.442695020e+00, v1  }
0x1cb: {  	v3 =	vadd.s32 $0x2710, v2  }
0x1cc: {  	(erf) = vpow2.f32 v1;
	_ =	sdelay $0x2  }
0x1cd: {  	v1 =	vadd.s32 $0x4E20, v2;
	v2 =	vld.idx.msk [tilespmem:v2+s12+$0x0], $0xffff  }
0x1ce: {  	v3 =	vld.idx.msk [tilespmem:v3+s12+$0x0], $0xffff;
	_ =	sdelay $0x3  }
0x1cf: {  	v1 =	vld.idx.msk [tilespmem:v1+s12+$0x0], $0xffff;
	v46 =	vmul.f32 v2, v2  }
0x1d0: {  	v48 =	vmul.f32 v3, v2;
	v47 =	vpop (erf)  }
0x1d1: {  	v4 =	vmul.f32 v47, v46  }
0x1d2: {  	v6 =	vmul.f32 v47, v48;
	[tilespmem:$0x1D380] =	vst v47  }
0x1d3: {  	v51 =	vmul.f32 v3, v3;
	[tilespmem:$0x1CD80] =	vst v4  }
0x1d4: {  	v49 =	vmul.f32 v1, v2;
	v2 =	vmul.f32 v47, v2;
	[tilespmem:$0x1CE00] =	vst v6  }
0x1d5: {  	v53 =	vmul.f32 v47, v51;
	[tilespmem:$0x1CF00] =	vst v6  }
0x1d6: {  	v52 =	vmul.f32 v1, v3;
	v3 =	vmul.f32 v47, v3;
	[tilespmem:$0x1D200] =	vst v2  }
0x1d7: {  	v54 =	vmul.f32 v1, v1;
	v1 =	vmul.f32 v47, v1;
	[tilespmem:$0x1CF80] =	vst v53  }
0x1d8: {  	v50 =	vmul.f32 v49, v47;
	[tilespmem:$0x1D280] =	vst v3  }
0x1d9: {  	v2 =	vmul.f32 v52, v47;
	[tilespmem:$0x1D300] =	vst v1  }
0x1da: {  	[tilespmem:$0x1CE80] =	vst v50  }
0x1db: {  	[tilespmem:$0x1D000] =	vst v2  }
0x1dc: {  	[tilespmem:$0x1D100] =	vst v2;
	v2 =	vmul.f32 v54, v47  }
0x1dd: {  	[tilespmem:$0x1D080] =	vst v50  }
0x1de: {  	[tilespmem:$0x1D180] =	vst v2  }
0x1df: {  	v1 =	vld [tilespmem:s30+$0x5070];
	_ =	sdelay $0x2  }
0x1e0: {  	v2 =	vld [tilespmem:s30+$0x70];
	_ =	sdelay $0x1  }
0x1e1: {  	v1 =	vmul.f32 $-1.000000000e+01, v1;
	_ =	sdelay $0x1  }
0x1e2: {  	v1 =	vmul.f32 $1.442695020e+00, v1  }
0x1e3: {  	v3 =	vadd.s32 $0x2710, v2  }
0x1e4: {  	(erf) = vpow2.f32 v1;
	_ =	sdelay $0x2  }
0x1e5: {  	v1 =	vadd.s32 $0x4E20, v2;
	v2 =	vld.idx.msk [tilespmem:v2+s12+$0x0], $0xffff  }
0x1e6: {  	v3 =	vld.idx.msk [tilespmem:v3+s12+$0x0], $0xffff;
	_ =	sdelay $0x3  }
0x1e7: {  	v1 =	vld.idx.msk [tilespmem:v1+s12+$0x0], $0xffff;
	v55 =	vmul.f32 v2, v2  }
0x1e8: {  	v57 =	vmul.f32 v3, v2;
	v56 =	vpop (erf)  }
0x1e9: {  	v4 =	vmul.f32 v56, v55  }
0x1ea: {  	v6 =	vmul.f32 v56, v57;
	[tilespmem:$0x1D390] =	vst v56  }
0x1eb: {  	v60 =	vmul.f32 v3, v3;
	[tilespmem:$0x1CD90] =	vst v4  }
0x1ec: {  	v58 =	vmul.f32 v1, v2;
	v2 =	vmul.f32 v56, v2;
	[tilespmem:$0x1CE10] =	vst v6  }
0x1ed: {  	v62 =	vmul.f32 v56, v60;
	[tilespmem:$0x1CF10] =	vst v6  }
0x1ee: {  	v61 =	vmul.f32 v1, v3;
	v3 =	vmul.f32 v56, v3;
	[tilespmem:$0x1D210] =	vst v2  }
0x1ef: {  	v63 =	vmul.f32 v1, v1;
	v1 =	vmul.f32 v56, v1;
	[tilespmem:$0x1CF90] =	vst v62  }
0x1f0: {  	v59 =	vmul.f32 v58, v56;
	[tilespmem:$0x1D290] =	vst v3  }
0x1f1: {  	v2 =	vmul.f32 v61, v56;
	[tilespmem:$0x1D310] =	vst v1  }
0x1f2: {  	[tilespmem:$0x1CE90] =	vst v59  }
0x1f3: {  	[tilespmem:$0x1D010] =	vst v2  }
0x1f4: {  	[tilespmem:$0x1D110] =	vst v2;
	v2 =	vmul.f32 v63, v56  }
0x1f5: {  	[tilespmem:$0x1D090] =	vst v59  }
0x1f6: {  	[tilespmem:$0x1D190] =	vst v2  }
0x1f7: {  	s28 =	sadd.s32 $0x100, s28;
	_ =	swait.ge [sflag:s17], $0x4000  }
0x1f8: {  	s24 =	sadd.s32 $0x2, s24;
	s23 =	sadd.s32 $0x100, s23;
	s30 =	rddreg [dreg:$0x7]  }
0x1f9: {  	p1 =	sne.s32 s28, $0x5000;
	s25 =	sadd.s32 $0x1000, s25;
	s0 =	sadd.s32 s30, s29  }
.Ltmp3:
0x1fa: {  	[sflag:s17] =	ssyncset.done $0x0;
	s29 =	sshll.u32 s0, $0xB;
	(pc) =	sbr.rel @p1 .LBB2_3-.Ltmp3, $4  }
0x1fb: {  	[sflag:s17] =	ssyncadd.s32 $0xFFFFC000;
	s0 =	sshll.u32 s0, $0xA;
	s29 =	sadd.s32 s5, s29  }
0x1fc: {  	[hbm4b:s29+s3] =	stream.linear.scatter [tilespmem:s15], [sflag:$0x4], $0x4000, $0x38;
	[tilespmem:$0x1D580] =	vst v63  }
0x1fd: {  	s26 =	sadd.s32 $0x800, s26;
	s31 =	rddreg [dreg:$0x8];
	s0 =	sadd.s32 s6, s0  }
0x1fe: {  	[hbm4b:s0+s3] =	stream.linear.scatter [tilespmem:s31], [sflag:$0x6], $0x2000, $0x38;
	[tilespmem:$0x1D580] =	vst v63  }
0x1ff: {  	_ =	swait.ge [sflag:s18], $0x4000  }
0x200: {  	[sflag:s18] =	ssyncset.done $0x0  }
0x201: {  	[sflag:s18] =	ssyncadd.s32 $0xFFFFC000  }
0x202: {  	_ =	swait.ge [sflag:s19], $0x2000  }
0x203: {  	[sflag:s19] =	ssyncset.done $0x0  }
0x204: {  	[sflag:s19] =	ssyncadd.s32 $0xFFFFE000  }
0x205: {  	_ =	swait.ge [sflag:s20], $0x4000  }
.Ltmp4:
0x206: {  	[sflag:s20] =	ssyncset.done $0x0;
	(pc) =	sbr.rel .LBB2_5-.Ltmp4, $4  }
0x207: {  	[sflag:s20] =	ssyncadd.s32 $0xFFFFC000  }
0x208: {  	_ =	swait.ge [sflag:s21], $0x2000  }
0x209: {  	[sflag:s21] =	ssyncset.done $0x0  }
0x20a: {  	[sflag:s21] =	ssyncadd.s32 $0xFFFFE000  }
.LBB2_6:
0x20b: {  	_ =	sfence.sel $0x180000  }
0x20c: {  	[bflag:$0x0] =	sbarrier.arrive $0xFFFF  }
0x20d: {  	_ =	strace $0x90000047  }
0x20e: {  	[bflag:$0x2] =	sbarrier.arrive $0xFFFF  }
0x20f: {  	p0 =	sne.s32 s1, $0x0;
	s0 =	rddreg [dreg:$0x3]  }
0x210: {  	s0 =	sadd.s32 @!p0 $0x100000, s0  }
0x211: {  	[sflag:s0] =	ssyncadd.tile.s32 @!p0 $0x1;
	_ =	shalt  }
.Lfunc_end2:
_tile_overlayer_lowered:
.L_overlay_start_2:
0x212: {  	(tag) =	ssettag $0x2  }
0x213: {  	s0 =	rddreg [dreg:$0x0];
	s2 =	stileid.u32  }
0x214: {  	s1 =	rddreg [dreg:$0x1];
	p0 =	sne.s32 s2, $0x0  }
0x215: {  	s3 =	rddreg [dreg:$0x2];
	[bflag:$0x3] =	sbarrier.arrive $0xFFFF;
	s2 =	simm.s32 @!p0 $0x1C07  }
0x216: {  	[timem:s3], [sflag:s2] =	dma.local @!p0 [hbm:s0], s1  }
0x217: {  	s0 =	simm.s32 @!p0 $0x7  }
0x218: {  	_ =	swait.ge @!p0 [sflag:s0], s1  }
0x219: {  	s1 =	ssub.s32 @!p0 $0x0, s1;
	[sflag:s0] =	ssyncset.done @!p0 $0x0  }
0x21a: {  	[sflag:s0] =	ssyncadd.s32 @!p0 s1  }
0x21b: {  	[bflag:$0x3] =	sbarrier.arrive $0xFFFF  }
0x21c: {  	_ =	shalt  }

</sc_bundles>
